<compile_context>
chip_gen: v7x
topology: tpu7x:2x2x1
jax: 0.10.2.dev20260603
libtpu: 0.0.44.dev20260713+nightly
codegen_flags: <defaults>
</compile_context>

<pallas_src>
import functools

import jax
import jax.numpy as jnp
from jax import lax
from jax.experimental import pallas as pl
from jax.experimental.pallas import tpu as pltpu
from jax.experimental.pallas import tpu_sc as plsc

N = 10000
E = 320000
NC = 2
NS = 16
NW = NC * NS
CHUNK = 128
N_CHUNKS = E // CHUNK
NBUF = 4
CPB_DEG = 80
CPB = 160
EPC = NS * CPB + NBUF
NP = 10112
ROWS_PER_SUB = NP // NS
SINK = N
RB = 2000

_MESH = plsc.VectorSubcoreMesh(core_axis_name="c", subcore_axis_name="s")
_SC_PARAMS = pltpu.CompilerParams(use_tc_tiling_on_sc=False)


def _sc_degree(ei2, ones, zeros16):

  @functools.partial(
      pl.kernel,
      out_type=jax.ShapeDtypeStruct((NC, NP, 16), jnp.float32),
      mesh=_MESH,
      compiler_params=_SC_PARAMS,
      scratch_types=[
          pltpu.VMEM((CPB_DEG, 2, CHUNK), jnp.int32),
          pltpu.VMEM((CHUNK, 16), jnp.float32),
          pltpu.VMEM_SHARED((NP, 16), jnp.float32),
      ],
  )
  def k(dst_hbm, ones_hbm, z_hbm, out_hbm, idx_d, ones_v, acc_sh):
    c = lax.axis_index("c")
    s = lax.axis_index("s")
    wid = s * NC + c
    rb = s * ROWS_PER_SUB
    pltpu.sync_copy(z_hbm.at[pl.ds(rb, ROWS_PER_SUB)],
                    acc_sh.at[pl.ds(rb, ROWS_PER_SUB)])
    pltpu.sync_copy(dst_hbm.at[pl.ds(wid * CPB_DEG, CPB_DEG)], idx_d)
    pltpu.sync_copy(ones_hbm, ones_v)
    plsc.subcore_barrier()

    def body(j, carry):
      pltpu.sync_copy(ones_v, acc_sh.at[idx_d.at[j, jnp.int32(1)]], add=True)
      return carry

    lax.fori_loop(jnp.int32(0), jnp.int32(CPB_DEG), body, jnp.int32(0))
    plsc.subcore_barrier()
    pltpu.sync_copy(acc_sh.at[pl.ds(rb, ROWS_PER_SUB)],
                    out_hbm.at[c, pl.ds(rb, ROWS_PER_SUB)])

  return k(ei2, ones, zeros16)


def _sc_scatter(ya, yb, ei2, zeros, half):

  @functools.partial(
      pl.kernel,
      out_type=jax.ShapeDtypeStruct((NC, NP, half), jnp.float32),
      mesh=_MESH,
      compiler_params=_SC_PARAMS,
      scratch_types=[
          pltpu.VMEM((4, 2, CHUNK), jnp.int32),
          pltpu.VMEM((CHUNK, half), jnp.float32),
          pltpu.VMEM_SHARED((NP, half), jnp.float32),
          pltpu.VMEM_SHARED((NP, half), jnp.float32),
      ] + [pltpu.SemaphoreType.DMA] * 4,
  )
  def k(ya_hbm, yb_hbm, ei_hbm, z_hbm, out_hbm, idx, rowbuf, y_sh, acc_sh,
        *isem):
    c = lax.axis_index("c")
    s = lax.axis_index("s")
    rb = s * ROWS_PER_SUB
    base = s * CPB
    pltpu.sync_copy(z_hbm.at[pl.ds(rb, ROWS_PER_SUB)],
                    acc_sh.at[pl.ds(rb, ROWS_PER_SUB)])

    def stage(y_hbm):
      @pl.when(s < NS - 1)
      def _():
        pltpu.sync_copy(y_hbm.at[pl.ds(rb, ROWS_PER_SUB)],
                        y_sh.at[pl.ds(rb, ROWS_PER_SUB)])

      @pl.when(s == NS - 1)
      def _():
        last = N - (NS - 1) * ROWS_PER_SUB
        pltpu.sync_copy(y_hbm.at[pl.ds(rb, last)],
                        y_sh.at[pl.ds(rb, last)])

    @pl.when(c == 0)
    def _():
      stage(ya_hbm)

    @pl.when(c == 1)
    def _():
      stage(yb_hbm)

    plsc.subcore_barrier()

    def load_idx(j, slot):
      pltpu.async_copy(ei_hbm.at[j], idx.at[jnp.int32(slot)], isem[int(slot)])

    def wait_idx(slot):
      pltpu.make_async_copy(ei_hbm.at[jnp.int32(0)], idx.at[jnp.int32(slot)],
                            isem[int(slot)]).wait()

    load_idx(base + jnp.int32(0), 0)
    load_idx(base + jnp.int32(1), 1)

    def group(g, carry):
      j0 = base + g * jnp.int32(4)
      for u in range(4):
        ui = jnp.int32(u)
        wait_idx(u)
        pltpu.sync_copy(y_sh.at[idx.at[ui, jnp.int32(0)]], rowbuf)
        pltpu.sync_copy(rowbuf, acc_sh.at[idx.at[ui, jnp.int32(1)]], add=True)
        load_idx(j0 + jnp.int32(u + 2), (u + 2) % 4)
      return carry

    lax.fori_loop(jnp.int32(0), jnp.int32(CPB // 4), group, jnp.int32(0))
    wait_idx(0)
    wait_idx(1)

    plsc.subcore_barrier()
    pltpu.sync_copy(acc_sh.at[pl.ds(rb, ROWS_PER_SUB)],
                    out_hbm.at[c, pl.ds(rb, ROWS_PER_SUB)])

  return k(ya, yb, ei2, zeros)


def _dinv(da_ref, db_ref):
  deg = 1.0 + da_ref[:, :1] + db_ref[:, :1]
  return lax.rsqrt(deg)


def _tc_prescale(x, W, dega, degb):
  half = W.shape[1] // 2

  def body(x_ref, w_ref, da_ref, db_ref, ya_ref, yb_ref):
    xw = jnp.dot(x_ref[...], w_ref[...], preferred_element_type=jnp.float32,
                 precision=lax.Precision.HIGHEST)
    y = xw * _dinv(da_ref, db_ref)
    ya_ref[...] = y[:, :half]
    yb_ref[...] = y[:, half:]

  return pl.pallas_call(
      body,
      grid=(N // RB,),
      in_specs=[
          pl.BlockSpec((RB, x.shape[1]), lambda i: (i, jnp.int32(0))),
          pl.BlockSpec(W.shape, lambda i: (jnp.int32(0), jnp.int32(0))),
          pl.BlockSpec((RB, 16), lambda i: (i, jnp.int32(0))),
          pl.BlockSpec((RB, 16), lambda i: (i, jnp.int32(0))),
      ],
      out_specs=(pl.BlockSpec((RB, half), lambda i: (i, jnp.int32(0))),
                 pl.BlockSpec((RB, half), lambda i: (i, jnp.int32(0)))),
      out_shape=(jax.ShapeDtypeStruct((N, half), jnp.float32),
                 jax.ShapeDtypeStruct((N, half), jnp.float32)),
  )(x, W, dega, degb)


def _tc_mid(ya, yb, a0, a1, dega, degb, b1, W2):
  half = W2.shape[1] // 2

  def body(ya_ref, yb_ref, a0_ref, a1_ref, da_ref, db_ref, b_ref, w_ref,
           oa_ref, ob_ref):
    dinv = _dinv(da_ref, db_ref)
    y = jnp.concatenate([ya_ref[...], yb_ref[...]], axis=1)
    a = jnp.concatenate([a0_ref[...], a1_ref[...]], axis=1)
    h = jnp.maximum((y + a) * dinv + b_ref[...], 0.0)
    hw = jnp.dot(h, w_ref[...], preferred_element_type=jnp.float32,
                 precision=lax.Precision.HIGHEST)
    y2 = hw * dinv
    oa_ref[...] = y2[:, :half]
    ob_ref[...] = y2[:, half:]

  h0 = ya.shape[1]
  return pl.pallas_call(
      body,
      grid=(N // RB,),
      in_specs=[
          pl.BlockSpec((RB, h0), lambda i: (i, jnp.int32(0))),
          pl.BlockSpec((RB, h0), lambda i: (i, jnp.int32(0))),
          pl.BlockSpec((RB, h0), lambda i: (i, jnp.int32(0))),
          pl.BlockSpec((RB, h0), lambda i: (i, jnp.int32(0))),
          pl.BlockSpec((RB, 16), lambda i: (i, jnp.int32(0))),
          pl.BlockSpec((RB, 16), lambda i: (i, jnp.int32(0))),
          pl.BlockSpec(b1.shape, lambda i: (jnp.int32(0), jnp.int32(0))),
          pl.BlockSpec(W2.shape, lambda i: (jnp.int32(0), jnp.int32(0))),
      ],
      out_specs=(pl.BlockSpec((RB, half), lambda i: (i, jnp.int32(0))),
                 pl.BlockSpec((RB, half), lambda i: (i, jnp.int32(0)))),
      out_shape=(jax.ShapeDtypeStruct((N, half), jnp.float32),
                 jax.ShapeDtypeStruct((N, half), jnp.float32)),
  )(ya, yb, a0, a1, dega, degb, b1, W2)


def _tc_final(ya, yb, a0, a1, dega, degb, b2):

  def body(ya_ref, yb_ref, a0_ref, a1_ref, da_ref, db_ref, b_ref, o_ref):
    dinv = _dinv(da_ref, db_ref)
    y = jnp.concatenate([ya_ref[...], yb_ref[...]], axis=1)
    a = jnp.concatenate([a0_ref[...], a1_ref[...]], axis=1)
    o_ref[...] = (y + a) * dinv + b_ref[...]

  h0 = ya.shape[1]
  return pl.pallas_call(
      body,
      grid=(N // RB,),
      in_specs=[
          pl.BlockSpec((RB, h0), lambda i: (i, jnp.int32(0))),
          pl.BlockSpec((RB, h0), lambda i: (i, jnp.int32(0))),
          pl.BlockSpec((RB, h0), lambda i: (i, jnp.int32(0))),
          pl.BlockSpec((RB, h0), lambda i: (i, jnp.int32(0))),
          pl.BlockSpec((RB, 16), lambda i: (i, jnp.int32(0))),
          pl.BlockSpec((RB, 16), lambda i: (i, jnp.int32(0))),
          pl.BlockSpec(b2.shape, lambda i: (jnp.int32(0), jnp.int32(0))),
      ],
      out_specs=pl.BlockSpec((RB, 2 * h0), lambda i: (i, jnp.int32(0))),
      out_shape=jax.ShapeDtypeStruct((N, 2 * ya.shape[1]), jnp.float32),
  )(ya, yb, a0, a1, dega, degb, b2)


def kernel(x, ei, W1, b1, W_mean, b_mean):
  x = x.astype(jnp.float32)
  W1 = W1.astype(jnp.float32)
  W_mean = W_mean.astype(jnp.float32)
  b1 = b1.astype(jnp.float32)
  b_mean = b_mean.astype(jnp.float32)
  src = ei[0].astype(jnp.int32)
  dst = ei[1].astype(jnp.int32)
  d_hid = W1.shape[1]
  d_emb = W_mean.shape[1]

  pad = EPC * CHUNK - E
  src2 = jnp.concatenate([src, jnp.zeros((pad,), jnp.int32)]).reshape(EPC, CHUNK)
  dst2 = jnp.concatenate([dst, jnp.full((pad,), SINK, jnp.int32)]).reshape(EPC, CHUNK)
  ei2 = jnp.stack([src2, dst2], axis=1)

  zeros16 = jnp.zeros((NP, 16), jnp.float32)
  zeros_h = jnp.zeros((NP, d_hid // 2), jnp.float32)
  zeros_e = jnp.zeros((NP, d_emb // 2), jnp.float32)
  ones = jnp.ones((CHUNK, 16), jnp.float32)

  degp = _sc_degree(ei2, ones, zeros16)
  dega, degb = degp[0, :N], degp[1, :N]

  y1a, y1b = _tc_prescale(x, W1, dega, degb)
  acc1 = _sc_scatter(y1a, y1b, ei2, zeros_h, d_hid // 2)
  y2a, y2b = _tc_mid(y1a, y1b, acc1[0, :N], acc1[1, :N], dega, degb,
                     b1.reshape(1, -1), W_mean)
  acc2 = _sc_scatter(y2a, y2b, ei2, zeros_e, d_emb // 2)
  mean = _tc_final(y2a, y2b, acc2[0, :N], acc2[1, :N], dega, degb,
                   b_mean.reshape(1, -1))

  return (mean, jnp.zeros((1,), jnp.float32))

# --- scband reference (transcript-rebuilt; emitter-appended) ---
"""Pipeline reference for scband-vgae-9174050144911 (READ-ONLY COPY).

The authoritative reference and input builder live on the scoring server;
editing this copy changes nothing except your own understanding.
"""

import jax, jax.numpy as jnp
import numpy as np

jax.config.update("jax_enable_x64", True)

N = 10000
E = 320000
D_IN = 128
D_HID = 128
D_EMB = 64


def gcn_conv(x, src, dst, W, b):
    # PyG-style GCNConv with add_self_loops=True:
    # out = D^{-1/2} (A + I) D^{-1/2} X W + b
    n = x.shape[0]
    loop = jnp.arange(n, dtype=src.dtype)
    s = jnp.concatenate([src, loop])
    d = jnp.concatenate([dst, loop])
    ones = jnp.ones(s.shape[0], dtype=x.dtype)
    deg = jnp.zeros((n,), dtype=x.dtype).at[d].add(ones)
    dinv = jnp.where(deg > 0, deg ** -0.5, 0.0).astype(x.dtype)
    norm = dinv[s] * dinv[d]
    xw = x @ W
    msg = xw[s] * norm[:, None]
    out = jnp.zeros((n, W.shape[1]), dtype=x.dtype).at[d].add(msg)
    return out + b


def setup_inputs(seed: int = 0) -> dict:
    key = jax.random.key(seed)
    ks = jax.random.split(key, 6)
    x = jax.random.normal(ks[0], (N, D_IN), dtype=jnp.float32)
    ei = jax.random.randint(ks[1], (2, E), 0, N, dtype=jnp.int64)
    W1 = jax.random.normal(ks[2], (D_IN, D_HID), dtype=jnp.float32) * (1.0 / np.sqrt(D_IN))
    b1 = jnp.zeros((D_HID,), dtype=jnp.float32)
    W_mean = jax.random.normal(ks[3], (D_HID, D_EMB), dtype=jnp.float32) * (1.0 / np.sqrt(D_HID))
    b_mean = jnp.zeros((D_EMB,), dtype=jnp.float32)
    return {"x": x, "ei": ei, "W1": W1, "b1": b1, "W_mean": W_mean, "b_mean": b_mean}


def reference(x, ei, W1, b1, W_mean, b_mean):
    src = ei[0]
    dst = ei[1]
    h = gcn_conv(x, src, dst, W1, b1)
    h = jax.nn.relu(h)
    mean = gcn_conv(h, src, dst, W_mean, b_mean)
    # NOTE: the original torch code tests `if self.eval:` where self.eval is a bound
    # method (always truthy), so forward ALWAYS returns (mean, zeros(1)); the std /
    # reparameterization / KLD path is dead code. Faithful translation below.
    return (mean, jnp.zeros((1,), dtype=jnp.float32))

if __name__ == "__main__":
    import jax
    _d = setup_inputs()
    print(jax.jit(kernel)(*tuple(_d.values())))

</pallas_src>

<mosaic_0001>
#map = affine_map<(d0, d1) -> (0, 0, 0)>
#map1 = affine_map<(d0, d1) -> (0, 0)>
module attributes {stable_mosaic.version = 14 : i64} {
  func.func @k(%arg0: i32, %arg1: i32, %arg2: memref<2564x2x128xi32, #tpu.memory_space<hbm>>, %arg3: memref<128x16xf32, #tpu.memory_space<hbm>>, %arg4: memref<10112x16xf32, #tpu.memory_space<hbm>>, %arg5: memref<2x10112x16xf32, #tpu.memory_space<hbm>>, %arg6: memref<80x2x128xi32, #tpu.memory_space<vmem>>, %arg7: memref<128x16xf32, #tpu.memory_space<vmem>>, %arg8: memref<10112x16xf32, #tpu.memory_space<vmem_shared>>) attributes {dimension_semantics = [#tpu.dimension_semantics<core_parallel>, #tpu.dimension_semantics<subcore_parallel>], iteration_bounds = array<i64: 2, 16>, scalar_prefetch = 0 : i64, scratch_operands = 3 : i64, tpu.core_type = #tpu.core_type<sc_vector_subcore>, window_params = [{transform_indices = #map}, {transform_indices = #map1}, {transform_indices = #map1}, {transform_indices = #map}]} {
    %mul3A = arith.constant 2 : i32
    %mul3A_0 = arith.muli %arg1, %mul3A : i32
    %add3A = arith.addi %mul3A_0, %arg0 : i32
    %mul3A_1 = arith.constant 632 : i32
    %mul3A_2 = arith.muli %arg1, %mul3A_1 : i32
    "tpu.region"() ({
      %run_scoped3A = tpu.sem_alloc : memref<!tpu.dma_semaphore, #tpu.memory_space<semaphore_mem>>
      %dma_start3A = arith.constant 0 : i32
      %dma_start3A_16 = tpu.memref_slice %arg8[%mul3A_2, %dma_start3A] : memref<10112x16xf32, #tpu.memory_space<vmem_shared>> -> memref<632x16xf32, #tpu.memory_space<vmem_shared>>
      %dma_start3A_17 = arith.constant 0 : i32
      %dma_start3A_18 = tpu.memref_slice %arg4[%mul3A_2, %dma_start3A_17] : memref<10112x16xf32, #tpu.memory_space<hbm>> -> memref<632x16xf32, #tpu.memory_space<hbm>>
      tpu.enqueue_dma source(%dma_start3A_18 : memref<632x16xf32, #tpu.memory_space<hbm>>) target(%dma_start3A_16 : memref<632x16xf32, #tpu.memory_space<vmem_shared>>) target_semaphore(%run_scoped3A : memref<!tpu.dma_semaphore, #tpu.memory_space<semaphore_mem>>)
      %dma_wait3A = arith.constant 0 : i32
      %dma_wait3A_19 = tpu.memref_slice %arg8[%mul3A_2, %dma_wait3A] : memref<10112x16xf32, #tpu.memory_space<vmem_shared>> -> memref<632x16xf32, #tpu.memory_space<vmem_shared>>
      %dma_wait3A_20 = arith.constant 0 : i32
      %dma_wait3A_21 = tpu.memref_slice %arg4[%mul3A_2, %dma_wait3A_20] : memref<10112x16xf32, #tpu.memory_space<hbm>> -> memref<632x16xf32, #tpu.memory_space<hbm>>
      tpu.wait_dma2 semaphore(%run_scoped3A : memref<!tpu.dma_semaphore, #tpu.memory_space<semaphore_mem>>) src(%dma_wait3A_21 : memref<632x16xf32, #tpu.memory_space<hbm>>) dst(%dma_wait3A_19 : memref<632x16xf32, #tpu.memory_space<vmem_shared>>)
      tpu.yield
    }) : () -> ()
    %mul3A_3 = arith.constant 80 : i32
    %mul3A_4 = arith.muli %add3A, %mul3A_3 : i32
    "tpu.region"() ({
      %run_scoped3A = tpu.sem_alloc : memref<!tpu.dma_semaphore, #tpu.memory_space<semaphore_mem>>
      %dma_start3A = arith.constant 0 : i32
      %dma_start3A_16 = arith.constant 0 : i32
      %dma_start3A_17 = tpu.memref_slice %arg2[%mul3A_4, %dma_start3A, %dma_start3A_16] : memref<2564x2x128xi32, #tpu.memory_space<hbm>> -> memref<80x2x128xi32, #tpu.memory_space<hbm>>
      %dma_start3A_18 = arith.constant 0 : i32
      %dma_start3A_19 = arith.constant 0 : i32
      %dma_start3A_20 = tpu.memref_slice %arg2[%mul3A_4, %dma_start3A_18, %dma_start3A_19] : memref<2564x2x128xi32, #tpu.memory_space<hbm>> -> memref<80x2x128xi32, #tpu.memory_space<hbm>>
      tpu.enqueue_dma source(%dma_start3A_20 : memref<80x2x128xi32, #tpu.memory_space<hbm>>) target(%arg6 : memref<80x2x128xi32, #tpu.memory_space<vmem>>) target_semaphore(%run_scoped3A : memref<!tpu.dma_semaphore, #tpu.memory_space<semaphore_mem>>)
      %dma_wait3A = arith.constant 0 : i32
      %dma_wait3A_21 = arith.constant 0 : i32
      %dma_wait3A_22 = tpu.memref_slice %arg2[%mul3A_4, %dma_wait3A, %dma_wait3A_21] : memref<2564x2x128xi32, #tpu.memory_space<hbm>> -> memref<80x2x128xi32, #tpu.memory_space<hbm>>
      %dma_wait3A_23 = arith.constant 0 : i32
      %dma_wait3A_24 = arith.constant 0 : i32
      %dma_wait3A_25 = tpu.memref_slice %arg2[%mul3A_4, %dma_wait3A_23, %dma_wait3A_24] : memref<2564x2x128xi32, #tpu.memory_space<hbm>> -> memref<80x2x128xi32, #tpu.memory_space<hbm>>
      tpu.wait_dma2 semaphore(%run_scoped3A : memref<!tpu.dma_semaphore, #tpu.memory_space<semaphore_mem>>) src(%dma_wait3A_25 : memref<80x2x128xi32, #tpu.memory_space<hbm>>) dst(%arg6 : memref<80x2x128xi32, #tpu.memory_space<vmem>>)
      tpu.yield
    }) : () -> ()
    "tpu.region"() ({
      %run_scoped3A = tpu.sem_alloc : memref<!tpu.dma_semaphore, #tpu.memory_space<semaphore_mem>>
      tpu.enqueue_dma source(%arg3 : memref<128x16xf32, #tpu.memory_space<hbm>>) target(%arg7 : memref<128x16xf32, #tpu.memory_space<vmem>>) target_semaphore(%run_scoped3A : memref<!tpu.dma_semaphore, #tpu.memory_space<semaphore_mem>>)
      tpu.wait_dma2 semaphore(%run_scoped3A : memref<!tpu.dma_semaphore, #tpu.memory_space<semaphore_mem>>) src(%arg3 : memref<128x16xf32, #tpu.memory_space<hbm>>) dst(%arg7 : memref<128x16xf32, #tpu.memory_space<vmem>>)
      tpu.yield
    }) : () -> ()
    %barrier3A = arith.constant 0 : index
    tpu.barrier barrier_id(%barrier3A)
    %while3A = arith.constant 0 : i32
    %while3A_5 = arith.constant 0 : i32
    %while3A_6 = arith.constant 80 : i32
    %while3A_7 = arith.subi %while3A_6, %while3A_5 : i32
    %while3A_8 = arith.addi %while3A_5, %while3A_7 : i32
    %while3A_9 = arith.constant 1 : i32
    %while3A_10 = arith.divsi %while3A_7, %while3A_9 : i32
    %while3A_11 = arith.muli %while3A_10, %while3A_9 : i32
    %while3A_12 = arith.addi %while3A_5, %while3A_11 : i32
    %while3A_13 = arith.constant 1 : i32
    scf.for %while3A_16 = %while3A_5 to %while3A_12 step %while3A_13  : i32 {
      %run_scoped3A = arith.constant 1 : i32
      "tpu.region"() ({
        %run_scoped3A_17 = tpu.sem_alloc : memref<!tpu.dma_semaphore, #tpu.memory_space<semaphore_mem>>
        %dma_start3A = arith.constant 0 : i32
        %dma_start3A_18 = tpu.memref_slice %arg6[%while3A_16, %run_scoped3A, %dma_start3A] : memref<80x2x128xi32, #tpu.memory_space<vmem>> -> memref<1x1x128xi32, #tpu.memory_space<vmem>>
        %dma_start3A_19 = tpu.memref_squeeze %dma_start3A_18 : memref<1x1x128xi32, #tpu.memory_space<vmem>> -> memref<128xi32, #tpu.memory_space<vmem>>
        %dma_start3A_20 = arith.constant 0 : i32
        %dma_start3A_21 = arith.constant 0 : i32
        %dma_start3A_22 = tpu.memref_slice %arg8[%dma_start3A_20, %dma_start3A_21] : memref<10112x16xf32, #tpu.memory_space<vmem_shared>> -> memref<10112x16xf32, #tpu.memory_space<vmem_shared>>
        tpu.enqueue_indirect_dma source(%arg7 : memref<128x16xf32, #tpu.memory_space<vmem>>) target(%dma_start3A_22 : memref<10112x16xf32, #tpu.memory_space<vmem_shared>>) offsets(%dma_start3A_19 : memref<128xi32, #tpu.memory_space<vmem>>) semaphore(%run_scoped3A_17 : memref<!tpu.dma_semaphore, #tpu.memory_space<semaphore_mem>>) {add = true}
        %dma_wait3A = arith.constant 0 : i32
        %dma_wait3A_23 = tpu.memref_slice %arg6[%while3A_16, %run_scoped3A, %dma_wait3A] : memref<80x2x128xi32, #tpu.memory_space<vmem>> -> memref<1x1x128xi32, #tpu.memory_space<vmem>>
        %dma_wait3A_24 = tpu.memref_squeeze %dma_wait3A_23 : memref<1x1x128xi32, #tpu.memory_space<vmem>> -> memref<128xi32, #tpu.memory_space<vmem>>
        %dma_wait3A_25 = arith.constant 0 : i32
        %dma_wait3A_26 = arith.constant 0 : i32
        %dma_wait3A_27 = tpu.memref_slice %arg8[%dma_wait3A_25, %dma_wait3A_26] : memref<10112x16xf32, #tpu.memory_space<vmem_shared>> -> memref<10112x16xf32, #tpu.memory_space<vmem_shared>>
        tpu.wait_indirect_dma semaphore(%run_scoped3A_17 : memref<!tpu.dma_semaphore, #tpu.memory_space<semaphore_mem>>) src(%arg7 : memref<128x16xf32, #tpu.memory_space<vmem>>) dst(%dma_wait3A_27 : memref<10112x16xf32, #tpu.memory_space<vmem_shared>>)
        tpu.yield
      }) : () -> ()
    }
    %while3A_14 = arith.constant 1 : i32
    scf.for %while3A_16 = %while3A_12 to %while3A_8 step %while3A_14  : i32 {
      %run_scoped3A = arith.constant 1 : i32
      "tpu.region"() ({
        %run_scoped3A_17 = tpu.sem_alloc : memref<!tpu.dma_semaphore, #tpu.memory_space<semaphore_mem>>
        %dma_start3A = arith.constant 0 : i32
        %dma_start3A_18 = tpu.memref_slice %arg6[%while3A_16, %run_scoped3A, %dma_start3A] : memref<80x2x128xi32, #tpu.memory_space<vmem>> -> memref<1x1x128xi32, #tpu.memory_space<vmem>>
        %dma_start3A_19 = tpu.memref_squeeze %dma_start3A_18 : memref<1x1x128xi32, #tpu.memory_space<vmem>> -> memref<128xi32, #tpu.memory_space<vmem>>
        %dma_start3A_20 = arith.constant 0 : i32
        %dma_start3A_21 = arith.constant 0 : i32
        %dma_start3A_22 = tpu.memref_slice %arg8[%dma_start3A_20, %dma_start3A_21] : memref<10112x16xf32, #tpu.memory_space<vmem_shared>> -> memref<10112x16xf32, #tpu.memory_space<vmem_shared>>
        tpu.enqueue_indirect_dma source(%arg7 : memref<128x16xf32, #tpu.memory_space<vmem>>) target(%dma_start3A_22 : memref<10112x16xf32, #tpu.memory_space<vmem_shared>>) offsets(%dma_start3A_19 : memref<128xi32, #tpu.memory_space<vmem>>) semaphore(%run_scoped3A_17 : memref<!tpu.dma_semaphore, #tpu.memory_space<semaphore_mem>>) {add = true}
        %dma_wait3A = arith.constant 0 : i32
        %dma_wait3A_23 = tpu.memref_slice %arg6[%while3A_16, %run_scoped3A, %dma_wait3A] : memref<80x2x128xi32, #tpu.memory_space<vmem>> -> memref<1x1x128xi32, #tpu.memory_space<vmem>>
        %dma_wait3A_24 = tpu.memref_squeeze %dma_wait3A_23 : memref<1x1x128xi32, #tpu.memory_space<vmem>> -> memref<128xi32, #tpu.memory_space<vmem>>
        %dma_wait3A_25 = arith.constant 0 : i32
        %dma_wait3A_26 = arith.constant 0 : i32
        %dma_wait3A_27 = tpu.memref_slice %arg8[%dma_wait3A_25, %dma_wait3A_26] : memref<10112x16xf32, #tpu.memory_space<vmem_shared>> -> memref<10112x16xf32, #tpu.memory_space<vmem_shared>>
        tpu.wait_indirect_dma semaphore(%run_scoped3A_17 : memref<!tpu.dma_semaphore, #tpu.memory_space<semaphore_mem>>) src(%arg7 : memref<128x16xf32, #tpu.memory_space<vmem>>) dst(%dma_wait3A_27 : memref<10112x16xf32, #tpu.memory_space<vmem_shared>>)
        tpu.yield
      }) : () -> ()
    }
    %barrier3A_15 = arith.constant 0 : index
    tpu.barrier barrier_id(%barrier3A_15)
    "tpu.region"() ({
      %run_scoped3A = tpu.sem_alloc : memref<!tpu.dma_semaphore, #tpu.memory_space<semaphore_mem>>
      %dma_start3A = arith.constant 0 : i32
      %dma_start3A_16 = tpu.memref_slice %arg5[%arg0, %mul3A_2, %dma_start3A] : memref<2x10112x16xf32, #tpu.memory_space<hbm>> -> memref<1x632x16xf32, #tpu.memory_space<hbm>>
      %dma_start3A_17 = tpu.memref_squeeze %dma_start3A_16 : memref<1x632x16xf32, #tpu.memory_space<hbm>> -> memref<632x16xf32, #tpu.memory_space<hbm>>
      %dma_start3A_18 = arith.constant 0 : i32
      %dma_start3A_19 = tpu.memref_slice %arg8[%mul3A_2, %dma_start3A_18] : memref<10112x16xf32, #tpu.memory_space<vmem_shared>> -> memref<632x16xf32, #tpu.memory_space<vmem_shared>>
      tpu.enqueue_dma source(%dma_start3A_19 : memref<632x16xf32, #tpu.memory_space<vmem_shared>>) target(%dma_start3A_17 : memref<632x16xf32, #tpu.memory_space<hbm>>) target_semaphore(%run_scoped3A : memref<!tpu.dma_semaphore, #tpu.memory_space<semaphore_mem>>)
      %dma_wait3A = arith.constant 0 : i32
      %dma_wait3A_20 = tpu.memref_slice %arg5[%arg0, %mul3A_2, %dma_wait3A] : memref<2x10112x16xf32, #tpu.memory_space<hbm>> -> memref<1x632x16xf32, #tpu.memory_space<hbm>>
      %dma_wait3A_21 = tpu.memref_squeeze %dma_wait3A_20 : memref<1x632x16xf32, #tpu.memory_space<hbm>> -> memref<632x16xf32, #tpu.memory_space<hbm>>
      %dma_wait3A_22 = arith.constant 0 : i32
      %dma_wait3A_23 = tpu.memref_slice %arg8[%mul3A_2, %dma_wait3A_22] : memref<10112x16xf32, #tpu.memory_space<vmem_shared>> -> memref<632x16xf32, #tpu.memory_space<vmem_shared>>
      tpu.wait_dma2 semaphore(%run_scoped3A : memref<!tpu.dma_semaphore, #tpu.memory_space<semaphore_mem>>) src(%dma_wait3A_23 : memref<632x16xf32, #tpu.memory_space<vmem_shared>>) dst(%dma_wait3A_21 : memref<632x16xf32, #tpu.memory_space<hbm>>)
      tpu.yield
    }) : () -> ()
    return
  }
}

#map = affine_map<(d0, d1) -> (0, 0)>
#map1 = affine_map<(d0, d1) -> (0, 0, 0)>
module attributes {stable_mosaic.version = 14 : i64} {
  func.func @k(%arg0: i32, %arg1: i32, %arg2: memref<10000x32xf32, #tpu.memory_space<hbm>>, %arg3: memref<10000x32xf32, #tpu.memory_space<hbm>>, %arg4: memref<2564x2x128xi32, #tpu.memory_space<hbm>>, %arg5: memref<10112x32xf32, #tpu.memory_space<hbm>>, %arg6: memref<2x10112x32xf32, #tpu.memory_space<hbm>>, %arg7: memref<4x2x128xi32, #tpu.memory_space<vmem>>, %arg8: memref<128x32xf32, #tpu.memory_space<vmem>>, %arg9: memref<10112x32xf32, #tpu.memory_space<vmem_shared>>, %arg10: memref<10112x32xf32, #tpu.memory_space<vmem_shared>>, %arg11: memref<!tpu.dma_semaphore, #tpu.memory_space<semaphore_mem>>, %arg12: memref<!tpu.dma_semaphore, #tpu.memory_space<semaphore_mem>>, %arg13: memref<!tpu.dma_semaphore, #tpu.memory_space<semaphore_mem>>, %arg14: memref<!tpu.dma_semaphore, #tpu.memory_space<semaphore_mem>>) attributes {dimension_semantics = [#tpu.dimension_semantics<core_parallel>, #tpu.dimension_semantics<subcore_parallel>], iteration_bounds = array<i64: 2, 16>, scalar_prefetch = 0 : i64, scratch_operands = 8 : i64, tpu.core_type = #tpu.core_type<sc_vector_subcore>, window_params = [{transform_indices = #map}, {transform_indices = #map}, {transform_indices = #map1}, {transform_indices = #map}, {transform_indices = #map1}]} {
    %mul3A = arith.constant 632 : i32
    %mul3A_0 = arith.muli %arg1, %mul3A : i32
    %mul3A_1 = arith.constant 160 : i32
    %mul3A_2 = arith.muli %arg1, %mul3A_1 : i32
    "tpu.region"() ({
      %run_scoped3A = tpu.sem_alloc : memref<!tpu.dma_semaphore, #tpu.memory_space<semaphore_mem>>
      %dma_start3A_92 = arith.constant 0 : i32
      %dma_start3A_93 = tpu.memref_slice %arg10[%mul3A_0, %dma_start3A_92] : memref<10112x32xf32, #tpu.memory_space<vmem_shared>> -> memref<632x32xf32, #tpu.memory_space<vmem_shared>>
      %dma_start3A_94 = arith.constant 0 : i32
      %dma_start3A_95 = tpu.memref_slice %arg5[%mul3A_0, %dma_start3A_94] : memref<10112x32xf32, #tpu.memory_space<hbm>> -> memref<632x32xf32, #tpu.memory_space<hbm>>
      tpu.enqueue_dma source(%dma_start3A_95 : memref<632x32xf32, #tpu.memory_space<hbm>>) target(%dma_start3A_93 : memref<632x32xf32, #tpu.memory_space<vmem_shared>>) target_semaphore(%run_scoped3A : memref<!tpu.dma_semaphore, #tpu.memory_space<semaphore_mem>>)
      %dma_wait3A_96 = arith.constant 0 : i32
      %dma_wait3A_97 = tpu.memref_slice %arg10[%mul3A_0, %dma_wait3A_96] : memref<10112x32xf32, #tpu.memory_space<vmem_shared>> -> memref<632x32xf32, #tpu.memory_space<vmem_shared>>
      %dma_wait3A_98 = arith.constant 0 : i32
      %dma_wait3A_99 = tpu.memref_slice %arg5[%mul3A_0, %dma_wait3A_98] : memref<10112x32xf32, #tpu.memory_space<hbm>> -> memref<632x32xf32, #tpu.memory_space<hbm>>
      tpu.wait_dma2 semaphore(%run_scoped3A : memref<!tpu.dma_semaphore, #tpu.memory_space<semaphore_mem>>) src(%dma_wait3A_99 : memref<632x32xf32, #tpu.memory_space<hbm>>) dst(%dma_wait3A_97 : memref<632x32xf32, #tpu.memory_space<vmem_shared>>)
      tpu.yield
    }) : () -> ()
    %eq3A = arith.constant 0 : i32
    %eq3A_3 = arith.cmpi eq, %arg0, %eq3A : i32
    %convert_element_type3A = arith.extui %eq3A_3 : i1 to i32
    %cond3A = arith.constant 0 : i32
    %cond3A_4 = arith.cmpi ne, %convert_element_type3A, %cond3A : i32
    scf.if %cond3A_4 {
      %lt3A = arith.constant 15 : i32
      %lt3A_92 = arith.cmpi slt, %arg1, %lt3A : i32
      %convert_element_type3A_93 = arith.extui %lt3A_92 : i1 to i32
      %cond3A_94 = arith.constant 0 : i32
      %cond3A_95 = arith.cmpi ne, %convert_element_type3A_93, %cond3A_94 : i32
      scf.if %cond3A_95 {
        "tpu.region"() ({
          %run_scoped3A = tpu.sem_alloc : memref<!tpu.dma_semaphore, #tpu.memory_space<semaphore_mem>>
          %dma_start3A_101 = arith.constant 0 : i32
          %dma_start3A_102 = tpu.memref_slice %arg9[%mul3A_0, %dma_start3A_101] : memref<10112x32xf32, #tpu.memory_space<vmem_shared>> -> memref<632x32xf32, #tpu.memory_space<vmem_shared>>
          %dma_start3A_103 = arith.constant 0 : i32
          %dma_start3A_104 = tpu.memref_slice %arg2[%mul3A_0, %dma_start3A_103] : memref<10000x32xf32, #tpu.memory_space<hbm>> -> memref<632x32xf32, #tpu.memory_space<hbm>>
          tpu.enqueue_dma source(%dma_start3A_104 : memref<632x32xf32, #tpu.memory_space<hbm>>) target(%dma_start3A_102 : memref<632x32xf32, #tpu.memory_space<vmem_shared>>) target_semaphore(%run_scoped3A : memref<!tpu.dma_semaphore, #tpu.memory_space<semaphore_mem>>)
          %dma_wait3A_105 = arith.constant 0 : i32
          %dma_wait3A_106 = tpu.memref_slice %arg9[%mul3A_0, %dma_wait3A_105] : memref<10112x32xf32, #tpu.memory_space<vmem_shared>> -> memref<632x32xf32, #tpu.memory_space<vmem_shared>>
          %dma_wait3A_107 = arith.constant 0 : i32
          %dma_wait3A_108 = tpu.memref_slice %arg2[%mul3A_0, %dma_wait3A_107] : memref<10000x32xf32, #tpu.memory_space<hbm>> -> memref<632x32xf32, #tpu.memory_space<hbm>>
          tpu.wait_dma2 semaphore(%run_scoped3A : memref<!tpu.dma_semaphore, #tpu.memory_space<semaphore_mem>>) src(%dma_wait3A_108 : memref<632x32xf32, #tpu.memory_space<hbm>>) dst(%dma_wait3A_106 : memref<632x32xf32, #tpu.memory_space<vmem_shared>>)
          tpu.yield
        }) : () -> ()
      } else {
      }
      %eq3A_96 = arith.constant 15 : i32
      %eq3A_97 = arith.cmpi eq, %arg1, %eq3A_96 : i32
      %convert_element_type3A_98 = arith.extui %eq3A_97 : i1 to i32
      %cond3A_99 = arith.constant 0 : i32
      %cond3A_100 = arith.cmpi ne, %convert_element_type3A_98, %cond3A_99 : i32
      scf.if %cond3A_100 {
        "tpu.region"() ({
          %run_scoped3A = tpu.sem_alloc : memref<!tpu.dma_semaphore, #tpu.memory_space<semaphore_mem>>
          %dma_start3A_101 = arith.constant 0 : i32
          %dma_start3A_102 = tpu.memref_slice %arg9[%mul3A_0, %dma_start3A_101] : memref<10112x32xf32, #tpu.memory_space<vmem_shared>> -> memref<520x32xf32, #tpu.memory_space<vmem_shared>>
          %dma_start3A_103 = arith.constant 0 : i32
          %dma_start3A_104 = tpu.memref_slice %arg2[%mul3A_0, %dma_start3A_103] : memref<10000x32xf32, #tpu.memory_space<hbm>> -> memref<520x32xf32, #tpu.memory_space<hbm>>
          tpu.enqueue_dma source(%dma_start3A_104 : memref<520x32xf32, #tpu.memory_space<hbm>>) target(%dma_start3A_102 : memref<520x32xf32, #tpu.memory_space<vmem_shared>>) target_semaphore(%run_scoped3A : memref<!tpu.dma_semaphore, #tpu.memory_space<semaphore_mem>>)
          %dma_wait3A_105 = arith.constant 0 : i32
          %dma_wait3A_106 = tpu.memref_slice %arg9[%mul3A_0, %dma_wait3A_105] : memref<10112x32xf32, #tpu.memory_space<vmem_shared>> -> memref<520x32xf32, #tpu.memory_space<vmem_shared>>
          %dma_wait3A_107 = arith.constant 0 : i32
          %dma_wait3A_108 = tpu.memref_slice %arg2[%mul3A_0, %dma_wait3A_107] : memref<10000x32xf32, #tpu.memory_space<hbm>> -> memref<520x32xf32, #tpu.memory_space<hbm>>
          tpu.wait_dma2 semaphore(%run_scoped3A : memref<!tpu.dma_semaphore, #tpu.memory_space<semaphore_mem>>) src(%dma_wait3A_108 : memref<520x32xf32, #tpu.memory_space<hbm>>) dst(%dma_wait3A_106 : memref<520x32xf32, #tpu.memory_space<vmem_shared>>)
          tpu.yield
        }) : () -> ()
      } else {
      }
    } else {
    }
    %eq3A_5 = arith.constant 1 : i32
    %eq3A_6 = arith.cmpi eq, %arg0, %eq3A_5 : i32
    %convert_element_type3A_7 = arith.extui %eq3A_6 : i1 to i32
    %cond3A_8 = arith.constant 0 : i32
    %cond3A_9 = arith.cmpi ne, %convert_element_type3A_7, %cond3A_8 : i32
    scf.if %cond3A_9 {
      %lt3A = arith.constant 15 : i32
      %lt3A_92 = arith.cmpi slt, %arg1, %lt3A : i32
      %convert_element_type3A_93 = arith.extui %lt3A_92 : i1 to i32
      %cond3A_94 = arith.constant 0 : i32
      %cond3A_95 = arith.cmpi ne, %convert_element_type3A_93, %cond3A_94 : i32
      scf.if %cond3A_95 {
        "tpu.region"() ({
          %run_scoped3A = tpu.sem_alloc : memref<!tpu.dma_semaphore, #tpu.memory_space<semaphore_mem>>
          %dma_start3A_101 = arith.constant 0 : i32
          %dma_start3A_102 = tpu.memref_slice %arg9[%mul3A_0, %dma_start3A_101] : memref<10112x32xf32, #tpu.memory_space<vmem_shared>> -> memref<632x32xf32, #tpu.memory_space<vmem_shared>>
          %dma_start3A_103 = arith.constant 0 : i32
          %dma_start3A_104 = tpu.memref_slice %arg3[%mul3A_0, %dma_start3A_103] : memref<10000x32xf32, #tpu.memory_space<hbm>> -> memref<632x32xf32, #tpu.memory_space<hbm>>
          tpu.enqueue_dma source(%dma_start3A_104 : memref<632x32xf32, #tpu.memory_space<hbm>>) target(%dma_start3A_102 : memref<632x32xf32, #tpu.memory_space<vmem_shared>>) target_semaphore(%run_scoped3A : memref<!tpu.dma_semaphore, #tpu.memory_space<semaphore_mem>>)
          %dma_wait3A_105 = arith.constant 0 : i32
          %dma_wait3A_106 = tpu.memref_slice %arg9[%mul3A_0, %dma_wait3A_105] : memref<10112x32xf32, #tpu.memory_space<vmem_shared>> -> memref<632x32xf32, #tpu.memory_space<vmem_shared>>
          %dma_wait3A_107 = arith.constant 0 : i32
          %dma_wait3A_108 = tpu.memref_slice %arg3[%mul3A_0, %dma_wait3A_107] : memref<10000x32xf32, #tpu.memory_space<hbm>> -> memref<632x32xf32, #tpu.memory_space<hbm>>
          tpu.wait_dma2 semaphore(%run_scoped3A : memref<!tpu.dma_semaphore, #tpu.memory_space<semaphore_mem>>) src(%dma_wait3A_108 : memref<632x32xf32, #tpu.memory_space<hbm>>) dst(%dma_wait3A_106 : memref<632x32xf32, #tpu.memory_space<vmem_shared>>)
          tpu.yield
        }) : () -> ()
      } else {
      }
      %eq3A_96 = arith.constant 15 : i32
      %eq3A_97 = arith.cmpi eq, %arg1, %eq3A_96 : i32
      %convert_element_type3A_98 = arith.extui %eq3A_97 : i1 to i32
      %cond3A_99 = arith.constant 0 : i32
      %cond3A_100 = arith.cmpi ne, %convert_element_type3A_98, %cond3A_99 : i32
      scf.if %cond3A_100 {
        "tpu.region"() ({
          %run_scoped3A = tpu.sem_alloc : memref<!tpu.dma_semaphore, #tpu.memory_space<semaphore_mem>>
          %dma_start3A_101 = arith.constant 0 : i32
          %dma_start3A_102 = tpu.memref_slice %arg9[%mul3A_0, %dma_start3A_101] : memref<10112x32xf32, #tpu.memory_space<vmem_shared>> -> memref<520x32xf32, #tpu.memory_space<vmem_shared>>
          %dma_start3A_103 = arith.constant 0 : i32
          %dma_start3A_104 = tpu.memref_slice %arg3[%mul3A_0, %dma_start3A_103] : memref<10000x32xf32, #tpu.memory_space<hbm>> -> memref<520x32xf32, #tpu.memory_space<hbm>>
          tpu.enqueue_dma source(%dma_start3A_104 : memref<520x32xf32, #tpu.memory_space<hbm>>) target(%dma_start3A_102 : memref<520x32xf32, #tpu.memory_space<vmem_shared>>) target_semaphore(%run_scoped3A : memref<!tpu.dma_semaphore, #tpu.memory_space<semaphore_mem>>)
          %dma_wait3A_105 = arith.constant 0 : i32
          %dma_wait3A_106 = tpu.memref_slice %arg9[%mul3A_0, %dma_wait3A_105] : memref<10112x32xf32, #tpu.memory_space<vmem_shared>> -> memref<520x32xf32, #tpu.memory_space<vmem_shared>>
          %dma_wait3A_107 = arith.constant 0 : i32
          %dma_wait3A_108 = tpu.memref_slice %arg3[%mul3A_0, %dma_wait3A_107] : memref<10000x32xf32, #tpu.memory_space<hbm>> -> memref<520x32xf32, #tpu.memory_space<hbm>>
          tpu.wait_dma2 semaphore(%run_scoped3A : memref<!tpu.dma_semaphore, #tpu.memory_space<semaphore_mem>>) src(%dma_wait3A_108 : memref<520x32xf32, #tpu.memory_space<hbm>>) dst(%dma_wait3A_106 : memref<520x32xf32, #tpu.memory_space<vmem_shared>>)
          tpu.yield
        }) : () -> ()
      } else {
      }
    } else {
    }
    %barrier3A = arith.constant 0 : index
    tpu.barrier barrier_id(%barrier3A)
    %add3A = arith.constant 0 : i32
    %add3A_10 = arith.addi %mul3A_2, %add3A : i32
    %dma_start3A = arith.constant 0 : i32
    %dma_start3A_11 = arith.constant 0 : i32
    %dma_start3A_12 = arith.constant 0 : i32
    %dma_start3A_13 = tpu.memref_slice %arg7[%dma_start3A, %dma_start3A_11, %dma_start3A_12] : memref<4x2x128xi32, #tpu.memory_space<vmem>> -> memref<1x2x128xi32, #tpu.memory_space<vmem>>
    %dma_start3A_14 = tpu.memref_squeeze %dma_start3A_13 : memref<1x2x128xi32, #tpu.memory_space<vmem>> -> memref<2x128xi32, #tpu.memory_space<vmem>>
    %dma_start3A_15 = arith.constant 0 : i32
    %dma_start3A_16 = arith.constant 0 : i32
    %dma_start3A_17 = tpu.memref_slice %arg4[%add3A_10, %dma_start3A_15, %dma_start3A_16] : memref<2564x2x128xi32, #tpu.memory_space<hbm>> -> memref<1x2x128xi32, #tpu.memory_space<hbm>>
    %dma_start3A_18 = tpu.memref_squeeze %dma_start3A_17 : memref<1x2x128xi32, #tpu.memory_space<hbm>> -> memref<2x128xi32, #tpu.memory_space<hbm>>
    %dma_start3A_19 = arith.constant 0 : i32
    %dma_start3A_20 = arith.constant 0 : i32
    %dma_start3A_21 = tpu.memref_slice %arg7[%dma_start3A, %dma_start3A_19, %dma_start3A_20] : memref<4x2x128xi32, #tpu.memory_space<vmem>> -> memref<1x2x128xi32, #tpu.memory_space<vmem>>
    %dma_start3A_22 = tpu.memref_squeeze %dma_start3A_21 : memref<1x2x128xi32, #tpu.memory_space<vmem>> -> memref<2x128xi32, #tpu.memory_space<vmem>>
    %dma_start3A_23 = arith.constant 0 : i32
    %dma_start3A_24 = arith.constant 0 : i32
    %dma_start3A_25 = tpu.memref_slice %arg4[%add3A_10, %dma_start3A_23, %dma_start3A_24] : memref<2564x2x128xi32, #tpu.memory_space<hbm>> -> memref<1x2x128xi32, #tpu.memory_space<hbm>>
    %dma_start3A_26 = tpu.memref_squeeze %dma_start3A_25 : memref<1x2x128xi32, #tpu.memory_space<hbm>> -> memref<2x128xi32, #tpu.memory_space<hbm>>
    tpu.enqueue_dma source(%dma_start3A_26 : memref<2x128xi32, #tpu.memory_space<hbm>>) target(%dma_start3A_22 : memref<2x128xi32, #tpu.memory_space<vmem>>) target_semaphore(%arg11 : memref<!tpu.dma_semaphore, #tpu.memory_space<semaphore_mem>>)
    %add3A_27 = arith.constant 1 : i32
    %add3A_28 = arith.addi %mul3A_2, %add3A_27 : i32
    %dma_start3A_29 = arith.constant 1 : i32
    %dma_start3A_30 = arith.constant 0 : i32
    %dma_start3A_31 = arith.constant 0 : i32
    %dma_start3A_32 = tpu.memref_slice %arg7[%dma_start3A_29, %dma_start3A_30, %dma_start3A_31] : memref<4x2x128xi32, #tpu.memory_space<vmem>> -> memref<1x2x128xi32, #tpu.memory_space<vmem>>
    %dma_start3A_33 = tpu.memref_squeeze %dma_start3A_32 : memref<1x2x128xi32, #tpu.memory_space<vmem>> -> memref<2x128xi32, #tpu.memory_space<vmem>>
    %dma_start3A_34 = arith.constant 0 : i32
    %dma_start3A_35 = arith.constant 0 : i32
    %dma_start3A_36 = tpu.memref_slice %arg4[%add3A_28, %dma_start3A_34, %dma_start3A_35] : memref<2564x2x128xi32, #tpu.memory_space<hbm>> -> memref<1x2x128xi32, #tpu.memory_space<hbm>>
    %dma_start3A_37 = tpu.memref_squeeze %dma_start3A_36 : memref<1x2x128xi32, #tpu.memory_space<hbm>> -> memref<2x128xi32, #tpu.memory_space<hbm>>
    %dma_start3A_38 = arith.constant 0 : i32
    %dma_start3A_39 = arith.constant 0 : i32
    %dma_start3A_40 = tpu.memref_slice %arg7[%dma_start3A_29, %dma_start3A_38, %dma_start3A_39] : memref<4x2x128xi32, #tpu.memory_space<vmem>> -> memref<1x2x128xi32, #tpu.memory_space<vmem>>
    %dma_start3A_41 = tpu.memref_squeeze %dma_start3A_40 : memref<1x2x128xi32, #tpu.memory_space<vmem>> -> memref<2x128xi32, #tpu.memory_space<vmem>>
    %dma_start3A_42 = arith.constant 0 : i32
    %dma_start3A_43 = arith.constant 0 : i32
    %dma_start3A_44 = tpu.memref_slice %arg4[%add3A_28, %dma_start3A_42, %dma_start3A_43] : memref<2564x2x128xi32, #tpu.memory_space<hbm>> -> memref<1x2x128xi32, #tpu.memory_space<hbm>>
    %dma_start3A_45 = tpu.memref_squeeze %dma_start3A_44 : memref<1x2x128xi32, #tpu.memory_space<hbm>> -> memref<2x128xi32, #tpu.memory_space<hbm>>
    tpu.enqueue_dma source(%dma_start3A_45 : memref<2x128xi32, #tpu.memory_space<hbm>>) target(%dma_start3A_41 : memref<2x128xi32, #tpu.memory_space<vmem>>) target_semaphore(%arg12 : memref<!tpu.dma_semaphore, #tpu.memory_space<semaphore_mem>>)
    %while3A = arith.constant 0 : i32
    %while3A_46 = arith.constant 0 : i32
    %while3A_47 = arith.constant 40 : i32
    %while3A_48 = arith.subi %while3A_47, %while3A_46 : i32
    %while3A_49 = arith.addi %while3A_46, %while3A_48 : i32
    %while3A_50 = arith.constant 1 : i32
    %while3A_51 = arith.divsi %while3A_48, %while3A_50 : i32
    %while3A_52 = arith.muli %while3A_51, %while3A_50 : i32
    %while3A_53 = arith.addi %while3A_46, %while3A_52 : i32
    %while3A_54 = arith.constant 1 : i32
    scf.for %while3A_92 = %while3A_46 to %while3A_53 step %while3A_54  : i32 {
      %mul3A_93 = arith.constant 4 : i32
      %mul3A_94 = arith.muli %while3A_92, %mul3A_93 : i32
      %add3A_95 = arith.addi %mul3A_2, %mul3A_94 : i32
      %dma_wait3A_96 = arith.constant 0 : i32
      %dma_wait3A_97 = arith.constant 0 : i32
      %dma_wait3A_98 = arith.constant 0 : i32
      %dma_wait3A_99 = arith.constant 0 : i32
      %dma_wait3A_100 = tpu.memref_slice %arg7[%dma_wait3A_97, %dma_wait3A_98, %dma_wait3A_99] : memref<4x2x128xi32, #tpu.memory_space<vmem>> -> memref<1x2x128xi32, #tpu.memory_space<vmem>>
      %dma_wait3A_101 = tpu.memref_squeeze %dma_wait3A_100 : memref<1x2x128xi32, #tpu.memory_space<vmem>> -> memref<2x128xi32, #tpu.memory_space<vmem>>
      %dma_wait3A_102 = arith.constant 0 : i32
      %dma_wait3A_103 = arith.constant 0 : i32
      %dma_wait3A_104 = tpu.memref_slice %arg4[%dma_wait3A_96, %dma_wait3A_102, %dma_wait3A_103] : memref<2564x2x128xi32, #tpu.memory_space<hbm>> -> memref<1x2x128xi32, #tpu.memory_space<hbm>>
      %dma_wait3A_105 = tpu.memref_squeeze %dma_wait3A_104 : memref<1x2x128xi32, #tpu.memory_space<hbm>> -> memref<2x128xi32, #tpu.memory_space<hbm>>
      %dma_wait3A_106 = arith.constant 0 : i32
      %dma_wait3A_107 = arith.constant 0 : i32
      %dma_wait3A_108 = tpu.memref_slice %arg7[%dma_wait3A_97, %dma_wait3A_106, %dma_wait3A_107] : memref<4x2x128xi32, #tpu.memory_space<vmem>> -> memref<1x2x128xi32, #tpu.memory_space<vmem>>
      %dma_wait3A_109 = tpu.memref_squeeze %dma_wait3A_108 : memref<1x2x128xi32, #tpu.memory_space<vmem>> -> memref<2x128xi32, #tpu.memory_space<vmem>>
      %dma_wait3A_110 = arith.constant 0 : i32
      %dma_wait3A_111 = arith.constant 0 : i32
      %dma_wait3A_112 = tpu.memref_slice %arg4[%dma_wait3A_96, %dma_wait3A_110, %dma_wait3A_111] : memref<2564x2x128xi32, #tpu.memory_space<hbm>> -> memref<1x2x128xi32, #tpu.memory_space<hbm>>
      %dma_wait3A_113 = tpu.memref_squeeze %dma_wait3A_112 : memref<1x2x128xi32, #tpu.memory_space<hbm>> -> memref<2x128xi32, #tpu.memory_space<hbm>>
      tpu.wait_dma2 semaphore(%arg11 : memref<!tpu.dma_semaphore, #tpu.memory_space<semaphore_mem>>) src(%dma_wait3A_113 : memref<2x128xi32, #tpu.memory_space<hbm>>) dst(%dma_wait3A_109 : memref<2x128xi32, #tpu.memory_space<vmem>>)
      %run_scoped3A = arith.constant 0 : i32
      %run_scoped3A_114 = arith.constant 0 : i32
      "tpu.region"() ({
        %run_scoped3A_259 = tpu.sem_alloc : memref<!tpu.dma_semaphore, #tpu.memory_space<semaphore_mem>>
        %dma_start3A_260 = arith.constant 0 : i32
        %dma_start3A_261 = tpu.memref_slice %arg7[%run_scoped3A, %run_scoped3A_114, %dma_start3A_260] : memref<4x2x128xi32, #tpu.memory_space<vmem>> -> memref<1x1x128xi32, #tpu.memory_space<vmem>>
        %dma_start3A_262 = tpu.memref_squeeze %dma_start3A_261 : memref<1x1x128xi32, #tpu.memory_space<vmem>> -> memref<128xi32, #tpu.memory_space<vmem>>
        %dma_start3A_263 = arith.constant 0 : i32
        %dma_start3A_264 = arith.constant 0 : i32
        %dma_start3A_265 = tpu.memref_slice %arg9[%dma_start3A_263, %dma_start3A_264] : memref<10112x32xf32, #tpu.memory_space<vmem_shared>> -> memref<10112x32xf32, #tpu.memory_space<vmem_shared>>
        tpu.enqueue_indirect_dma source(%dma_start3A_265 : memref<10112x32xf32, #tpu.memory_space<vmem_shared>>) target(%arg8 : memref<128x32xf32, #tpu.memory_space<vmem>>) offsets(%dma_start3A_262 : memref<128xi32, #tpu.memory_space<vmem>>) semaphore(%run_scoped3A_259 : memref<!tpu.dma_semaphore, #tpu.memory_space<semaphore_mem>>)
        %dma_wait3A_266 = arith.constant 0 : i32
        %dma_wait3A_267 = tpu.memref_slice %arg7[%run_scoped3A, %run_scoped3A_114, %dma_wait3A_266] : memref<4x2x128xi32, #tpu.memory_space<vmem>> -> memref<1x1x128xi32, #tpu.memory_space<vmem>>
        %dma_wait3A_268 = tpu.memref_squeeze %dma_wait3A_267 : memref<1x1x128xi32, #tpu.memory_space<vmem>> -> memref<128xi32, #tpu.memory_space<vmem>>
        %dma_wait3A_269 = arith.constant 0 : i32
        %dma_wait3A_270 = arith.constant 0 : i32
        %dma_wait3A_271 = tpu.memref_slice %arg9[%dma_wait3A_269, %dma_wait3A_270] : memref<10112x32xf32, #tpu.memory_space<vmem_shared>> -> memref<10112x32xf32, #tpu.memory_space<vmem_shared>>
        tpu.wait_indirect_dma semaphore(%run_scoped3A_259 : memref<!tpu.dma_semaphore, #tpu.memory_space<semaphore_mem>>) src(%dma_wait3A_271 : memref<10112x32xf32, #tpu.memory_space<vmem_shared>>) dst(%arg8 : memref<128x32xf32, #tpu.memory_space<vmem>>)
        tpu.yield
      }) : () -> ()
      %run_scoped3A_115 = arith.constant 0 : i32
      %run_scoped3A_116 = arith.constant 1 : i32
      "tpu.region"() ({
        %run_scoped3A_259 = tpu.sem_alloc : memref<!tpu.dma_semaphore, #tpu.memory_space<semaphore_mem>>
        %dma_start3A_260 = arith.constant 0 : i32
        %dma_start3A_261 = tpu.memref_slice %arg7[%run_scoped3A_115, %run_scoped3A_116, %dma_start3A_260] : memref<4x2x128xi32, #tpu.memory_space<vmem>> -> memref<1x1x128xi32, #tpu.memory_space<vmem>>
        %dma_start3A_262 = tpu.memref_squeeze %dma_start3A_261 : memref<1x1x128xi32, #tpu.memory_space<vmem>> -> memref<128xi32, #tpu.memory_space<vmem>>
        %dma_start3A_263 = arith.constant 0 : i32
        %dma_start3A_264 = arith.constant 0 : i32
        %dma_start3A_265 = tpu.memref_slice %arg10[%dma_start3A_263, %dma_start3A_264] : memref<10112x32xf32, #tpu.memory_space<vmem_shared>> -> memref<10112x32xf32, #tpu.memory_space<vmem_shared>>
        tpu.enqueue_indirect_dma source(%arg8 : memref<128x32xf32, #tpu.memory_space<vmem>>) target(%dma_start3A_265 : memref<10112x32xf32, #tpu.memory_space<vmem_shared>>) offsets(%dma_start3A_262 : memref<128xi32, #tpu.memory_space<vmem>>) semaphore(%run_scoped3A_259 : memref<!tpu.dma_semaphore, #tpu.memory_space<semaphore_mem>>) {add = true}
        %dma_wait3A_266 = arith.constant 0 : i32
        %dma_wait3A_267 = tpu.memref_slice %arg7[%run_scoped3A_115, %run_scoped3A_116, %dma_wait3A_266] : memref<4x2x128xi32, #tpu.memory_space<vmem>> -> memref<1x1x128xi32, #tpu.memory_space<vmem>>
        %dma_wait3A_268 = tpu.memref_squeeze %dma_wait3A_267 : memref<1x1x128xi32, #tpu.memory_space<vmem>> -> memref<128xi32, #tpu.memory_space<vmem>>
        %dma_wait3A_269 = arith.constant 0 : i32
        %dma_wait3A_270 = arith.constant 0 : i32
        %dma_wait3A_271 = tpu.memref_slice %arg10[%dma_wait3A_269, %dma_wait3A_270] : memref<10112x32xf32, #tpu.memory_space<vmem_shared>> -> memref<10112x32xf32, #tpu.memory_space<vmem_shared>>
        tpu.wait_indirect_dma semaphore(%run_scoped3A_259 : memref<!tpu.dma_semaphore, #tpu.memory_space<semaphore_mem>>) src(%arg8 : memref<128x32xf32, #tpu.memory_space<vmem>>) dst(%dma_wait3A_271 : memref<10112x32xf32, #tpu.memory_space<vmem_shared>>)
        tpu.yield
      }) : () -> ()
      %add3A_117 = arith.constant 2 : i32
      %add3A_118 = arith.addi %add3A_95, %add3A_117 : i32
      %dma_start3A_119 = arith.constant 2 : i32
      %dma_start3A_120 = arith.constant 0 : i32
      %dma_start3A_121 = arith.constant 0 : i32
      %dma_start3A_122 = tpu.memref_slice %arg7[%dma_start3A_119, %dma_start3A_120, %dma_start3A_121] : memref<4x2x128xi32, #tpu.memory_space<vmem>> -> memref<1x2x128xi32, #tpu.memory_space<vmem>>
      %dma_start3A_123 = tpu.memref_squeeze %dma_start3A_122 : memref<1x2x128xi32, #tpu.memory_space<vmem>> -> memref<2x128xi32, #tpu.memory_space<vmem>>
      %dma_start3A_124 = arith.constant 0 : i32
      %dma_start3A_125 = arith.constant 0 : i32
      %dma_start3A_126 = tpu.memref_slice %arg4[%add3A_118, %dma_start3A_124, %dma_start3A_125] : memref<2564x2x128xi32, #tpu.memory_space<hbm>> -> memref<1x2x128xi32, #tpu.memory_space<hbm>>
      %dma_start3A_127 = tpu.memref_squeeze %dma_start3A_126 : memref<1x2x128xi32, #tpu.memory_space<hbm>> -> memref<2x128xi32, #tpu.memory_space<hbm>>
      %dma_start3A_128 = arith.constant 0 : i32
      %dma_start3A_129 = arith.constant 0 : i32
      %dma_start3A_130 = tpu.memref_slice %arg7[%dma_start3A_119, %dma_start3A_128, %dma_start3A_129] : memref<4x2x128xi32, #tpu.memory_space<vmem>> -> memref<1x2x128xi32, #tpu.memory_space<vmem>>
      %dma_start3A_131 = tpu.memref_squeeze %dma_start3A_130 : memref<1x2x128xi32, #tpu.memory_space<vmem>> -> memref<2x128xi32, #tpu.memory_space<vmem>>
      %dma_start3A_132 = arith.constant 0 : i32
      %dma_start3A_133 = arith.constant 0 : i32
      %dma_start3A_134 = tpu.memref_slice %arg4[%add3A_118, %dma_start3A_132, %dma_start3A_133] : memref<2564x2x128xi32, #tpu.memory_space<hbm>> -> memref<1x2x128xi32, #tpu.memory_space<hbm>>
      %dma_start3A_135 = tpu.memref_squeeze %dma_start3A_134 : memref<1x2x128xi32, #tpu.memory_space<hbm>> -> memref<2x128xi32, #tpu.memory_space<hbm>>
      tpu.enqueue_dma source(%dma_start3A_135 : memref<2x128xi32, #tpu.memory_space<hbm>>) target(%dma_start3A_131 : memref<2x128xi32, #tpu.memory_space<vmem>>) target_semaphore(%arg13 : memref<!tpu.dma_semaphore, #tpu.memory_space<semaphore_mem>>)
      %dma_wait3A_136 = arith.constant 0 : i32
      %dma_wait3A_137 = arith.constant 1 : i32
      %dma_wait3A_138 = arith.constant 0 : i32
      %dma_wait3A_139 = arith.constant 0 : i32
      %dma_wait3A_140 = tpu.memref_slice %arg7[%dma_wait3A_137, %dma_wait3A_138, %dma_wait3A_139] : memref<4x2x128xi32, #tpu.memory_space<vmem>> -> memref<1x2x128xi32, #tpu.memory_space<vmem>>
      %dma_wait3A_141 = tpu.memref_squeeze %dma_wait3A_140 : memref<1x2x128xi32, #tpu.memory_space<vmem>> -> memref<2x128xi32, #tpu.memory_space<vmem>>
      %dma_wait3A_142 = arith.constant 0 : i32
      %dma_wait3A_143 = arith.constant 0 : i32
      %dma_wait3A_144 = tpu.memref_slice %arg4[%dma_wait3A_136, %dma_wait3A_142, %dma_wait3A_143] : memref<2564x2x128xi32, #tpu.memory_space<hbm>> -> memref<1x2x128xi32, #tpu.memory_space<hbm>>
      %dma_wait3A_145 = tpu.memref_squeeze %dma_wait3A_144 : memref<1x2x128xi32, #tpu.memory_space<hbm>> -> memref<2x128xi32, #tpu.memory_space<hbm>>
      %dma_wait3A_146 = arith.constant 0 : i32
      %dma_wait3A_147 = arith.constant 0 : i32
      %dma_wait3A_148 = tpu.memref_slice %arg7[%dma_wait3A_137, %dma_wait3A_146, %dma_wait3A_147] : memref<4x2x128xi32, #tpu.memory_space<vmem>> -> memref<1x2x128xi32, #tpu.memory_space<vmem>>
      %dma_wait3A_149 = tpu.memref_squeeze %dma_wait3A_148 : memref<1x2x128xi32, #tpu.memory_space<vmem>> -> memref<2x128xi32, #tpu.memory_space<vmem>>
      %dma_wait3A_150 = arith.constant 0 : i32
      %dma_wait3A_151 = arith.constant 0 : i32
      %dma_wait3A_152 = tpu.memref_slice %arg4[%dma_wait3A_136, %dma_wait3A_150, %dma_wait3A_151] : memref<2564x2x128xi32, #tpu.memory_space<hbm>> -> memref<1x2x128xi32, #tpu.memory_space<hbm>>
      %dma_wait3A_153 = tpu.memref_squeeze %dma_wait3A_152 : memref<1x2x128xi32, #tpu.memory_space<hbm>> -> memref<2x128xi32, #tpu.memory_space<hbm>>
      tpu.wait_dma2 semaphore(%arg12 : memref<!tpu.dma_semaphore, #tpu.memory_space<semaphore_mem>>) src(%dma_wait3A_153 : memref<2x128xi32, #tpu.memory_space<hbm>>) dst(%dma_wait3A_149 : memref<2x128xi32, #tpu.memory_space<vmem>>)
      %run_scoped3A_154 = arith.constant 1 : i32
      %run_scoped3A_155 = arith.constant 0 : i32
      "tpu.region"() ({
        %run_scoped3A_259 = tpu.sem_alloc : memref<!tpu.dma_semaphore, #tpu.memory_space<semaphore_mem>>
        %dma_start3A_260 = arith.constant 0 : i32
        %dma_start3A_261 = tpu.memref_slice %arg7[%run_scoped3A_154, %run_scoped3A_155, %dma_start3A_260] : memref<4x2x128xi32, #tpu.memory_space<vmem>> -> memref<1x1x128xi32, #tpu.memory_space<vmem>>
        %dma_start3A_262 = tpu.memref_squeeze %dma_start3A_261 : memref<1x1x128xi32, #tpu.memory_space<vmem>> -> memref<128xi32, #tpu.memory_space<vmem>>
        %dma_start3A_263 = arith.constant 0 : i32
        %dma_start3A_264 = arith.constant 0 : i32
        %dma_start3A_265 = tpu.memref_slice %arg9[%dma_start3A_263, %dma_start3A_264] : memref<10112x32xf32, #tpu.memory_space<vmem_shared>> -> memref<10112x32xf32, #tpu.memory_space<vmem_shared>>
        tpu.enqueue_indirect_dma source(%dma_start3A_265 : memref<10112x32xf32, #tpu.memory_space<vmem_shared>>) target(%arg8 : memref<128x32xf32, #tpu.memory_space<vmem>>) offsets(%dma_start3A_262 : memref<128xi32, #tpu.memory_space<vmem>>) semaphore(%run_scoped3A_259 : memref<!tpu.dma_semaphore, #tpu.memory_space<semaphore_mem>>)
        %dma_wait3A_266 = arith.constant 0 : i32
        %dma_wait3A_267 = tpu.memref_slice %arg7[%run_scoped3A_154, %run_scoped3A_155, %dma_wait3A_266] : memref<4x2x128xi32, #tpu.memory_space<vmem>> -> memref<1x1x128xi32, #tpu.memory_space<vmem>>
        %dma_wait3A_268 = tpu.memref_squeeze %dma_wait3A_267 : memref<1x1x128xi32, #tpu.memory_space<vmem>> -> memref<128xi32, #tpu.memory_space<vmem>>
        %dma_wait3A_269 = arith.constant 0 : i32
        %dma_wait3A_270 = arith.constant 0 : i32
        %dma_wait3A_271 = tpu.memref_slice %arg9[%dma_wait3A_269, %dma_wait3A_270] : memref<10112x32xf32, #tpu.memory_space<vmem_shared>> -> memref<10112x32xf32, #tpu.memory_space<vmem_shared>>
        tpu.wait_indirect_dma semaphore(%run_scoped3A_259 : memref<!tpu.dma_semaphore, #tpu.memory_space<semaphore_mem>>) src(%dma_wait3A_271 : memref<10112x32xf32, #tpu.memory_space<vmem_shared>>) dst(%arg8 : memref<128x32xf32, #tpu.memory_space<vmem>>)
        tpu.yield
      }) : () -> ()
      %run_scoped3A_156 = arith.constant 1 : i32
      %run_scoped3A_157 = arith.constant 1 : i32
      "tpu.region"() ({
        %run_scoped3A_259 = tpu.sem_alloc : memref<!tpu.dma_semaphore, #tpu.memory_space<semaphore_mem>>
        %dma_start3A_260 = arith.constant 0 : i32
        %dma_start3A_261 = tpu.memref_slice %arg7[%run_scoped3A_156, %run_scoped3A_157, %dma_start3A_260] : memref<4x2x128xi32, #tpu.memory_space<vmem>> -> memref<1x1x128xi32, #tpu.memory_space<vmem>>
        %dma_start3A_262 = tpu.memref_squeeze %dma_start3A_261 : memref<1x1x128xi32, #tpu.memory_space<vmem>> -> memref<128xi32, #tpu.memory_space<vmem>>
        %dma_start3A_263 = arith.constant 0 : i32
        %dma_start3A_264 = arith.constant 0 : i32
        %dma_start3A_265 = tpu.memref_slice %arg10[%dma_start3A_263, %dma_start3A_264] : memref<10112x32xf32, #tpu.memory_space<vmem_shared>> -> memref<10112x32xf32, #tpu.memory_space<vmem_shared>>
        tpu.enqueue_indirect_dma source(%arg8 : memref<128x32xf32, #tpu.memory_space<vmem>>) target(%dma_start3A_265 : memref<10112x32xf32, #tpu.memory_space<vmem_shared>>) offsets(%dma_start3A_262 : memref<128xi32, #tpu.memory_space<vmem>>) semaphore(%run_scoped3A_259 : memref<!tpu.dma_semaphore, #tpu.memory_space<semaphore_mem>>) {add = true}
        %dma_wait3A_266 = arith.constant 0 : i32
        %dma_wait3A_267 = tpu.memref_slice %arg7[%run_scoped3A_156, %run_scoped3A_157, %dma_wait3A_266] : memref<4x2x128xi32, #tpu.memory_space<vmem>> -> memref<1x1x128xi32, #tpu.memory_space<vmem>>
        %dma_wait3A_268 = tpu.memref_squeeze %dma_wait3A_267 : memref<1x1x128xi32, #tpu.memory_space<vmem>> -> memref<128xi32, #tpu.memory_space<vmem>>
        %dma_wait3A_269 = arith.constant 0 : i32
        %dma_wait3A_270 = arith.constant 0 : i32
        %dma_wait3A_271 = tpu.memref_slice %arg10[%dma_wait3A_269, %dma_wait3A_270] : memref<10112x32xf32, #tpu.memory_space<vmem_shared>> -> memref<10112x32xf32, #tpu.memory_space<vmem_shared>>
        tpu.wait_indirect_dma semaphore(%run_scoped3A_259 : memref<!tpu.dma_semaphore, #tpu.memory_space<semaphore_mem>>) src(%arg8 : memref<128x32xf32, #tpu.memory_space<vmem>>) dst(%dma_wait3A_271 : memref<10112x32xf32, #tpu.memory_space<vmem_shared>>)
        tpu.yield
      }) : () -> ()
      %add3A_158 = arith.constant 3 : i32
      %add3A_159 = arith.addi %add3A_95, %add3A_158 : i32
      %dma_start3A_160 = arith.constant 3 : i32
      %dma_start3A_161 = arith.constant 0 : i32
      %dma_start3A_162 = arith.constant 0 : i32
      %dma_start3A_163 = tpu.memref_slice %arg7[%dma_start3A_160, %dma_start3A_161, %dma_start3A_162] : memref<4x2x128xi32, #tpu.memory_space<vmem>> -> memref<1x2x128xi32, #tpu.memory_space<vmem>>
      %dma_start3A_164 = tpu.memref_squeeze %dma_start3A_163 : memref<1x2x128xi32, #tpu.memory_space<vmem>> -> memref<2x128xi32, #tpu.memory_space<vmem>>
      %dma_start3A_165 = arith.constant 0 : i32
      %dma_start3A_166 = arith.constant 0 : i32
      %dma_start3A_167 = tpu.memref_slice %arg4[%add3A_159, %dma_start3A_165, %dma_start3A_166] : memref<2564x2x128xi32, #tpu.memory_space<hbm>> -> memref<1x2x128xi32, #tpu.memory_space<hbm>>
      %dma_start3A_168 = tpu.memref_squeeze %dma_start3A_167 : memref<1x2x128xi32, #tpu.memory_space<hbm>> -> memref<2x128xi32, #tpu.memory_space<hbm>>
      %dma_start3A_169 = arith.constant 0 : i32
      %dma_start3A_170 = arith.constant 0 : i32
      %dma_start3A_171 = tpu.memref_slice %arg7[%dma_start3A_160, %dma_start3A_169, %dma_start3A_170] : memref<4x2x128xi32, #tpu.memory_space<vmem>> -> memref<1x2x128xi32, #tpu.memory_space<vmem>>
      %dma_start3A_172 = tpu.memref_squeeze %dma_start3A_171 : memref<1x2x128xi32, #tpu.memory_space<vmem>> -> memref<2x128xi32, #tpu.memory_space<vmem>>
      %dma_start3A_173 = arith.constant 0 : i32
      %dma_start3A_174 = arith.constant 0 : i32
      %dma_start3A_175 = tpu.memref_slice %arg4[%add3A_159, %dma_start3A_173, %dma_start3A_174] : memref<2564x2x128xi32, #tpu.memory_space<hbm>> -> memref<1x2x128xi32, #tpu.memory_space<hbm>>
      %dma_start3A_176 = tpu.memref_squeeze %dma_start3A_175 : memref<1x2x128xi32, #tpu.memory_space<hbm>> -> memref<2x128xi32, #tpu.memory_space<hbm>>
      tpu.enqueue_dma source(%dma_start3A_176 : memref<2x128xi32, #tpu.memory_space<hbm>>) target(%dma_start3A_172 : memref<2x128xi32, #tpu.memory_space<vmem>>) target_semaphore(%arg14 : memref<!tpu.dma_semaphore, #tpu.memory_space<semaphore_mem>>)
      %dma_wait3A_177 = arith.constant 0 : i32
      %dma_wait3A_178 = arith.constant 2 : i32
      %dma_wait3A_179 = arith.constant 0 : i32
      %dma_wait3A_180 = arith.constant 0 : i32
      %dma_wait3A_181 = tpu.memref_slice %arg7[%dma_wait3A_178, %dma_wait3A_179, %dma_wait3A_180] : memref<4x2x128xi32, #tpu.memory_space<vmem>> -> memref<1x2x128xi32, #tpu.memory_space<vmem>>
      %dma_wait3A_182 = tpu.memref_squeeze %dma_wait3A_181 : memref<1x2x128xi32, #tpu.memory_space<vmem>> -> memref<2x128xi32, #tpu.memory_space<vmem>>
      %dma_wait3A_183 = arith.constant 0 : i32
      %dma_wait3A_184 = arith.constant 0 : i32
      %dma_wait3A_185 = tpu.memref_slice %arg4[%dma_wait3A_177, %dma_wait3A_183, %dma_wait3A_184] : memref<2564x2x128xi32, #tpu.memory_space<hbm>> -> memref<1x2x128xi32, #tpu.memory_space<hbm>>
      %dma_wait3A_186 = tpu.memref_squeeze %dma_wait3A_185 : memref<1x2x128xi32, #tpu.memory_space<hbm>> -> memref<2x128xi32, #tpu.memory_space<hbm>>
      %dma_wait3A_187 = arith.constant 0 : i32
      %dma_wait3A_188 = arith.constant 0 : i32
      %dma_wait3A_189 = tpu.memref_slice %arg7[%dma_wait3A_178, %dma_wait3A_187, %dma_wait3A_188] : memref<4x2x128xi32, #tpu.memory_space<vmem>> -> memref<1x2x128xi32, #tpu.memory_space<vmem>>
      %dma_wait3A_190 = tpu.memref_squeeze %dma_wait3A_189 : memref<1x2x128xi32, #tpu.memory_space<vmem>> -> memref<2x128xi32, #tpu.memory_space<vmem>>
      %dma_wait3A_191 = arith.constant 0 : i32
      %dma_wait3A_192 = arith.constant 0 : i32
      %dma_wait3A_193 = tpu.memref_slice %arg4[%dma_wait3A_177, %dma_wait3A_191, %dma_wait3A_192] : memref<2564x2x128xi32, #tpu.memory_space<hbm>> -> memref<1x2x128xi32, #tpu.memory_space<hbm>>
      %dma_wait3A_194 = tpu.memref_squeeze %dma_wait3A_193 : memref<1x2x128xi32, #tpu.memory_space<hbm>> -> memref<2x128xi32, #tpu.memory_space<hbm>>
      tpu.wait_dma2 semaphore(%arg13 : memref<!tpu.dma_semaphore, #tpu.memory_space<semaphore_mem>>) src(%dma_wait3A_194 : memref<2x128xi32, #tpu.memory_space<hbm>>) dst(%dma_wait3A_190 : memref<2x128xi32, #tpu.memory_space<vmem>>)
      %run_scoped3A_195 = arith.constant 2 : i32
      %run_scoped3A_196 = arith.constant 0 : i32
      "tpu.region"() ({
        %run_scoped3A_259 = tpu.sem_alloc : memref<!tpu.dma_semaphore, #tpu.memory_space<semaphore_mem>>
        %dma_start3A_260 = arith.constant 0 : i32
        %dma_start3A_261 = tpu.memref_slice %arg7[%run_scoped3A_195, %run_scoped3A_196, %dma_start3A_260] : memref<4x2x128xi32, #tpu.memory_space<vmem>> -> memref<1x1x128xi32, #tpu.memory_space<vmem>>
        %dma_start3A_262 = tpu.memref_squeeze %dma_start3A_261 : memref<1x1x128xi32, #tpu.memory_space<vmem>> -> memref<128xi32, #tpu.memory_space<vmem>>
        %dma_start3A_263 = arith.constant 0 : i32
        %dma_start3A_264 = arith.constant 0 : i32
        %dma_start3A_265 = tpu.memref_slice %arg9[%dma_start3A_263, %dma_start3A_264] : memref<10112x32xf32, #tpu.memory_space<vmem_shared>> -> memref<10112x32xf32, #tpu.memory_space<vmem_shared>>
        tpu.enqueue_indirect_dma source(%dma_start3A_265 : memref<10112x32xf32, #tpu.memory_space<vmem_shared>>) target(%arg8 : memref<128x32xf32, #tpu.memory_space<vmem>>) offsets(%dma_start3A_262 : memref<128xi32, #tpu.memory_space<vmem>>) semaphore(%run_scoped3A_259 : memref<!tpu.dma_semaphore, #tpu.memory_space<semaphore_mem>>)
        %dma_wait3A_266 = arith.constant 0 : i32
        %dma_wait3A_267 = tpu.memref_slice %arg7[%run_scoped3A_195, %run_scoped3A_196, %dma_wait3A_266] : memref<4x2x128xi32, #tpu.memory_space<vmem>> -> memref<1x1x128xi32, #tpu.memory_space<vmem>>
        %dma_wait3A_268 = tpu.memref_squeeze %dma_wait3A_267 : memref<1x1x128xi32, #tpu.memory_space<vmem>> -> memref<128xi32, #tpu.memory_space<vmem>>
        %dma_wait3A_269 = arith.constant 0 : i32
        %dma_wait3A_270 = arith.constant 0 : i32
        %dma_wait3A_271 = tpu.memref_slice %arg9[%dma_wait3A_269, %dma_wait3A_270] : memref<10112x32xf32, #tpu.memory_space<vmem_shared>> -> memref<10112x32xf32, #tpu.memory_space<vmem_shared>>
        tpu.wait_indirect_dma semaphore(%run_scoped3A_259 : memref<!tpu.dma_semaphore, #tpu.memory_space<semaphore_mem>>) src(%dma_wait3A_271 : memref<10112x32xf32, #tpu.memory_space<vmem_shared>>) dst(%arg8 : memref<128x32xf32, #tpu.memory_space<vmem>>)
        tpu.yield
      }) : () -> ()
      %run_scoped3A_197 = arith.constant 2 : i32
      %run_scoped3A_198 = arith.constant 1 : i32
      "tpu.region"() ({
        %run_scoped3A_259 = tpu.sem_alloc : memref<!tpu.dma_semaphore, #tpu.memory_space<semaphore_mem>>
        %dma_start3A_260 = arith.constant 0 : i32
        %dma_start3A_261 = tpu.memref_slice %arg7[%run_scoped3A_197, %run_scoped3A_198, %dma_start3A_260] : memref<4x2x128xi32, #tpu.memory_space<vmem>> -> memref<1x1x128xi32, #tpu.memory_space<vmem>>
        %dma_start3A_262 = tpu.memref_squeeze %dma_start3A_261 : memref<1x1x128xi32, #tpu.memory_space<vmem>> -> memref<128xi32, #tpu.memory_space<vmem>>
        %dma_start3A_263 = arith.constant 0 : i32
        %dma_start3A_264 = arith.constant 0 : i32
        %dma_start3A_265 = tpu.memref_slice %arg10[%dma_start3A_263, %dma_start3A_264] : memref<10112x32xf32, #tpu.memory_space<vmem_shared>> -> memref<10112x32xf32, #tpu.memory_space<vmem_shared>>
        tpu.enqueue_indirect_dma source(%arg8 : memref<128x32xf32, #tpu.memory_space<vmem>>) target(%dma_start3A_265 : memref<10112x32xf32, #tpu.memory_space<vmem_shared>>) offsets(%dma_start3A_262 : memref<128xi32, #tpu.memory_space<vmem>>) semaphore(%run_scoped3A_259 : memref<!tpu.dma_semaphore, #tpu.memory_space<semaphore_mem>>) {add = true}
        %dma_wait3A_266 = arith.constant 0 : i32
        %dma_wait3A_267 = tpu.memref_slice %arg7[%run_scoped3A_197, %run_scoped3A_198, %dma_wait3A_266] : memref<4x2x128xi32, #tpu.memory_space<vmem>> -> memref<1x1x128xi32, #tpu.memory_space<vmem>>
        %dma_wait3A_268 = tpu.memref_squeeze %dma_wait3A_267 : memref<1x1x128xi32, #tpu.memory_space<vmem>> -> memref<128xi32, #tpu.memory_space<vmem>>
        %dma_wait3A_269 = arith.constant 0 : i32
        %dma_wait3A_270 = arith.constant 0 : i32
        %dma_wait3A_271 = tpu.memref_slice %arg10[%dma_wait3A_269, %dma_wait3A_270] : memref<10112x32xf32, #tpu.memory_space<vmem_shared>> -> memref<10112x32xf32, #tpu.memory_space<vmem_shared>>
        tpu.wait_indirect_dma semaphore(%run_scoped3A_259 : memref<!tpu.dma_semaphore, #tpu.memory_space<semaphore_mem>>) src(%arg8 : memref<128x32xf32, #tpu.memory_space<vmem>>) dst(%dma_wait3A_271 : memref<10112x32xf32, #tpu.memory_space<vmem_shared>>)
        tpu.yield
      }) : () -> ()
      %add3A_199 = arith.constant 4 : i32
      %add3A_200 = arith.addi %add3A_95, %add3A_199 : i32
      %dma_start3A_201 = arith.constant 0 : i32
      %dma_start3A_202 = arith.constant 0 : i32
      %dma_start3A_203 = arith.constant 0 : i32
      %dma_start3A_204 = tpu.memref_slice %arg7[%dma_start3A_201, %dma_start3A_202, %dma_start3A_203] : memref<4x2x128xi32, #tpu.memory_space<vmem>> -> memref<1x2x128xi32, #tpu.memory_space<vmem>>
      %dma_start3A_205 = tpu.memref_squeeze %dma_start3A_204 : memref<1x2x128xi32, #tpu.memory_space<vmem>> -> memref<2x128xi32, #tpu.memory_space<vmem>>
      %dma_start3A_206 = arith.constant 0 : i32
      %dma_start3A_207 = arith.constant 0 : i32
      %dma_start3A_208 = tpu.memref_slice %arg4[%add3A_200, %dma_start3A_206, %dma_start3A_207] : memref<2564x2x128xi32, #tpu.memory_space<hbm>> -> memref<1x2x128xi32, #tpu.memory_space<hbm>>
      %dma_start3A_209 = tpu.memref_squeeze %dma_start3A_208 : memref<1x2x128xi32, #tpu.memory_space<hbm>> -> memref<2x128xi32, #tpu.memory_space<hbm>>
      %dma_start3A_210 = arith.constant 0 : i32
      %dma_start3A_211 = arith.constant 0 : i32
      %dma_start3A_212 = tpu.memref_slice %arg7[%dma_start3A_201, %dma_start3A_210, %dma_start3A_211] : memref<4x2x128xi32, #tpu.memory_space<vmem>> -> memref<1x2x128xi32, #tpu.memory_space<vmem>>
      %dma_start3A_213 = tpu.memref_squeeze %dma_start3A_212 : memref<1x2x128xi32, #tpu.memory_space<vmem>> -> memref<2x128xi32, #tpu.memory_space<vmem>>
      %dma_start3A_214 = arith.constant 0 : i32
      %dma_start3A_215 = arith.constant 0 : i32
      %dma_start3A_216 = tpu.memref_slice %arg4[%add3A_200, %dma_start3A_214, %dma_start3A_215] : memref<2564x2x128xi32, #tpu.memory_space<hbm>> -> memref<1x2x128xi32, #tpu.memory_space<hbm>>
      %dma_start3A_217 = tpu.memref_squeeze %dma_start3A_216 : memref<1x2x128xi32, #tpu.memory_space<hbm>> -> memref<2x128xi32, #tpu.memory_space<hbm>>
      tpu.enqueue_dma source(%dma_start3A_217 : memref<2x128xi32, #tpu.memory_space<hbm>>) target(%dma_start3A_213 : memref<2x128xi32, #tpu.memory_space<vmem>>) target_semaphore(%arg11 : memref<!tpu.dma_semaphore, #tpu.memory_space<semaphore_mem>>)
      %dma_wait3A_218 = arith.constant 0 : i32
      %dma_wait3A_219 = arith.constant 3 : i32
      %dma_wait3A_220 = arith.constant 0 : i32
      %dma_wait3A_221 = arith.constant 0 : i32
      %dma_wait3A_222 = tpu.memref_slice %arg7[%dma_wait3A_219, %dma_wait3A_220, %dma_wait3A_221] : memref<4x2x128xi32, #tpu.memory_space<vmem>> -> memref<1x2x128xi32, #tpu.memory_space<vmem>>
      %dma_wait3A_223 = tpu.memref_squeeze %dma_wait3A_222 : memref<1x2x128xi32, #tpu.memory_space<vmem>> -> memref<2x128xi32, #tpu.memory_space<vmem>>
      %dma_wait3A_224 = arith.constant 0 : i32
      %dma_wait3A_225 = arith.constant 0 : i32
      %dma_wait3A_226 = tpu.memref_slice %arg4[%dma_wait3A_218, %dma_wait3A_224, %dma_wait3A_225] : memref<2564x2x128xi32, #tpu.memory_space<hbm>> -> memref<1x2x128xi32, #tpu.memory_space<hbm>>
      %dma_wait3A_227 = tpu.memref_squeeze %dma_wait3A_226 : memref<1x2x128xi32, #tpu.memory_space<hbm>> -> memref<2x128xi32, #tpu.memory_space<hbm>>
      %dma_wait3A_228 = arith.constant 0 : i32
      %dma_wait3A_229 = arith.constant 0 : i32
      %dma_wait3A_230 = tpu.memref_slice %arg7[%dma_wait3A_219, %dma_wait3A_228, %dma_wait3A_229] : memref<4x2x128xi32, #tpu.memory_space<vmem>> -> memref<1x2x128xi32, #tpu.memory_space<vmem>>
      %dma_wait3A_231 = tpu.memref_squeeze %dma_wait3A_230 : memref<1x2x128xi32, #tpu.memory_space<vmem>> -> memref<2x128xi32, #tpu.memory_space<vmem>>
      %dma_wait3A_232 = arith.constant 0 : i32
      %dma_wait3A_233 = arith.constant 0 : i32
      %dma_wait3A_234 = tpu.memref_slice %arg4[%dma_wait3A_218, %dma_wait3A_232, %dma_wait3A_233] : memref<2564x2x128xi32, #tpu.memory_space<hbm>> -> memref<1x2x128xi32, #tpu.memory_space<hbm>>
      %dma_wait3A_235 = tpu.memref_squeeze %dma_wait3A_234 : memref<1x2x128xi32, #tpu.memory_space<hbm>> -> memref<2x128xi32, #tpu.memory_space<hbm>>
      tpu.wait_dma2 semaphore(%arg14 : memref<!tpu.dma_semaphore, #tpu.memory_space<semaphore_mem>>) src(%dma_wait3A_235 : memref<2x128xi32, #tpu.memory_space<hbm>>) dst(%dma_wait3A_231 : memref<2x128xi32, #tpu.memory_space<vmem>>)
      %run_scoped3A_236 = arith.constant 3 : i32
      %run_scoped3A_237 = arith.constant 0 : i32
      "tpu.region"() ({
        %run_scoped3A_259 = tpu.sem_alloc : memref<!tpu.dma_semaphore, #tpu.memory_space<semaphore_mem>>
        %dma_start3A_260 = arith.constant 0 : i32
        %dma_start3A_261 = tpu.memref_slice %arg7[%run_scoped3A_236, %run_scoped3A_237, %dma_start3A_260] : memref<4x2x128xi32, #tpu.memory_space<vmem>> -> memref<1x1x128xi32, #tpu.memory_space<vmem>>
        %dma_start3A_262 = tpu.memref_squeeze %dma_start3A_261 : memref<1x1x128xi32, #tpu.memory_space<vmem>> -> memref<128xi32, #tpu.memory_space<vmem>>
        %dma_start3A_263 = arith.constant 0 : i32
        %dma_start3A_264 = arith.constant 0 : i32
        %dma_start3A_265 = tpu.memref_slice %arg9[%dma_start3A_263, %dma_start3A_264] : memref<10112x32xf32, #tpu.memory_space<vmem_shared>> -> memref<10112x32xf32, #tpu.memory_space<vmem_shared>>
        tpu.enqueue_indirect_dma source(%dma_start3A_265 : memref<10112x32xf32, #tpu.memory_space<vmem_shared>>) target(%arg8 : memref<128x32xf32, #tpu.memory_space<vmem>>) offsets(%dma_start3A_262 : memref<128xi32, #tpu.memory_space<vmem>>) semaphore(%run_scoped3A_259 : memref<!tpu.dma_semaphore, #tpu.memory_space<semaphore_mem>>)
        %dma_wait3A_266 = arith.constant 0 : i32
        %dma_wait3A_267 = tpu.memref_slice %arg7[%run_scoped3A_236, %run_scoped3A_237, %dma_wait3A_266] : memref<4x2x128xi32, #tpu.memory_space<vmem>> -> memref<1x1x128xi32, #tpu.memory_space<vmem>>
        %dma_wait3A_268 = tpu.memref_squeeze %dma_wait3A_267 : memref<1x1x128xi32, #tpu.memory_space<vmem>> -> memref<128xi32, #tpu.memory_space<vmem>>
        %dma_wait3A_269 = arith.constant 0 : i32
        %dma_wait3A_270 = arith.constant 0 : i32
        %dma_wait3A_271 = tpu.memref_slice %arg9[%dma_wait3A_269, %dma_wait3A_270] : memref<10112x32xf32, #tpu.memory_space<vmem_shared>> -> memref<10112x32xf32, #tpu.memory_space<vmem_shared>>
        tpu.wait_indirect_dma semaphore(%run_scoped3A_259 : memref<!tpu.dma_semaphore, #tpu.memory_space<semaphore_mem>>) src(%dma_wait3A_271 : memref<10112x32xf32, #tpu.memory_space<vmem_shared>>) dst(%arg8 : memref<128x32xf32, #tpu.memory_space<vmem>>)
        tpu.yield
      }) : () -> ()
      %run_scoped3A_238 = arith.constant 3 : i32
      %run_scoped3A_239 = arith.constant 1 : i32
      "tpu.region"() ({
        %run_scoped3A_259 = tpu.sem_alloc : memref<!tpu.dma_semaphore, #tpu.memory_space<semaphore_mem>>
        %dma_start3A_260 = arith.constant 0 : i32
        %dma_start3A_261 = tpu.memref_slice %arg7[%run_scoped3A_238, %run_scoped3A_239, %dma_start3A_260] : memref<4x2x128xi32, #tpu.memory_space<vmem>> -> memref<1x1x128xi32, #tpu.memory_space<vmem>>
        %dma_start3A_262 = tpu.memref_squeeze %dma_start3A_261 : memref<1x1x128xi32, #tpu.memory_space<vmem>> -> memref<128xi32, #tpu.memory_space<vmem>>
        %dma_start3A_263 = arith.constant 0 : i32
        %dma_start3A_264 = arith.constant 0 : i32
        %dma_start3A_265 = tpu.memref_slice %arg10[%dma_start3A_263, %dma_start3A_264] : memref<10112x32xf32, #tpu.memory_space<vmem_shared>> -> memref<10112x32xf32, #tpu.memory_space<vmem_shared>>
        tpu.enqueue_indirect_dma source(%arg8 : memref<128x32xf32, #tpu.memory_space<vmem>>) target(%dma_start3A_265 : memref<10112x32xf32, #tpu.memory_space<vmem_shared>>) offsets(%dma_start3A_262 : memref<128xi32, #tpu.memory_space<vmem>>) semaphore(%run_scoped3A_259 : memref<!tpu.dma_semaphore, #tpu.memory_space<semaphore_mem>>) {add = true}
        %dma_wait3A_266 = arith.constant 0 : i32
        %dma_wait3A_267 = tpu.memref_slice %arg7[%run_scoped3A_238, %run_scoped3A_239, %dma_wait3A_266] : memref<4x2x128xi32, #tpu.memory_space<vmem>> -> memref<1x1x128xi32, #tpu.memory_space<vmem>>
        %dma_wait3A_268 = tpu.memref_squeeze %dma_wait3A_267 : memref<1x1x128xi32, #tpu.memory_space<vmem>> -> memref<128xi32, #tpu.memory_space<vmem>>
        %dma_wait3A_269 = arith.constant 0 : i32
        %dma_wait3A_270 = arith.constant 0 : i32
        %dma_wait3A_271 = tpu.memref_slice %arg10[%dma_wait3A_269, %dma_wait3A_270] : memref<10112x32xf32, #tpu.memory_space<vmem_shared>> -> memref<10112x32xf32, #tpu.memory_space<vmem_shared>>
        tpu.wait_indirect_dma semaphore(%run_scoped3A_259 : memref<!tpu.dma_semaphore, #tpu.memory_space<semaphore_mem>>) src(%arg8 : memref<128x32xf32, #tpu.memory_space<vmem>>) dst(%dma_wait3A_271 : memref<10112x32xf32, #tpu.memory_space<vmem_shared>>)
        tpu.yield
      }) : () -> ()
      %add3A_240 = arith.constant 5 : i32
      %add3A_241 = arith.addi %add3A_95, %add3A_240 : i32
      %dma_start3A_242 = arith.constant 1 : i32
      %dma_start3A_243 = arith.constant 0 : i32
      %dma_start3A_244 = arith.constant 0 : i32
      %dma_start3A_245 = tpu.memref_slice %arg7[%dma_start3A_242, %dma_start3A_243, %dma_start3A_244] : memref<4x2x128xi32, #tpu.memory_space<vmem>> -> memref<1x2x128xi32, #tpu.memory_space<vmem>>
      %dma_start3A_246 = tpu.memref_squeeze %dma_start3A_245 : memref<1x2x128xi32, #tpu.memory_space<vmem>> -> memref<2x128xi32, #tpu.memory_space<vmem>>
      %dma_start3A_247 = arith.constant 0 : i32
      %dma_start3A_248 = arith.constant 0 : i32
      %dma_start3A_249 = tpu.memref_slice %arg4[%add3A_241, %dma_start3A_247, %dma_start3A_248] : memref<2564x2x128xi32, #tpu.memory_space<hbm>> -> memref<1x2x128xi32, #tpu.memory_space<hbm>>
      %dma_start3A_250 = tpu.memref_squeeze %dma_start3A_249 : memref<1x2x128xi32, #tpu.memory_space<hbm>> -> memref<2x128xi32, #tpu.memory_space<hbm>>
      %dma_start3A_251 = arith.constant 0 : i32
      %dma_start3A_252 = arith.constant 0 : i32
      %dma_start3A_253 = tpu.memref_slice %arg7[%dma_start3A_242, %dma_start3A_251, %dma_start3A_252] : memref<4x2x128xi32, #tpu.memory_space<vmem>> -> memref<1x2x128xi32, #tpu.memory_space<vmem>>
      %dma_start3A_254 = tpu.memref_squeeze %dma_start3A_253 : memref<1x2x128xi32, #tpu.memory_space<vmem>> -> memref<2x128xi32, #tpu.memory_space<vmem>>
      %dma_start3A_255 = arith.constant 0 : i32
      %dma_start3A_256 = arith.constant 0 : i32
      %dma_start3A_257 = tpu.memref_slice %arg4[%add3A_241, %dma_start3A_255, %dma_start3A_256] : memref<2564x2x128xi32, #tpu.memory_space<hbm>> -> memref<1x2x128xi32, #tpu.memory_space<hbm>>
      %dma_start3A_258 = tpu.memref_squeeze %dma_start3A_257 : memref<1x2x128xi32, #tpu.memory_space<hbm>> -> memref<2x128xi32, #tpu.memory_space<hbm>>
      tpu.enqueue_dma source(%dma_start3A_258 : memref<2x128xi32, #tpu.memory_space<hbm>>) target(%dma_start3A_254 : memref<2x128xi32, #tpu.memory_space<vmem>>) target_semaphore(%arg12 : memref<!tpu.dma_semaphore, #tpu.memory_space<semaphore_mem>>)
    }
    %while3A_55 = arith.constant 1 : i32
    scf.for %while3A_92 = %while3A_53 to %while3A_49 step %while3A_55  : i32 {
      %mul3A_93 = arith.constant 4 : i32
      %mul3A_94 = arith.muli %while3A_92, %mul3A_93 : i32
      %add3A_95 = arith.addi %mul3A_2, %mul3A_94 : i32
      %dma_wait3A_96 = arith.constant 0 : i32
      %dma_wait3A_97 = arith.constant 0 : i32
      %dma_wait3A_98 = arith.constant 0 : i32
      %dma_wait3A_99 = arith.constant 0 : i32
      %dma_wait3A_100 = tpu.memref_slice %arg7[%dma_wait3A_97, %dma_wait3A_98, %dma_wait3A_99] : memref<4x2x128xi32, #tpu.memory_space<vmem>> -> memref<1x2x128xi32, #tpu.memory_space<vmem>>
      %dma_wait3A_101 = tpu.memref_squeeze %dma_wait3A_100 : memref<1x2x128xi32, #tpu.memory_space<vmem>> -> memref<2x128xi32, #tpu.memory_space<vmem>>
      %dma_wait3A_102 = arith.constant 0 : i32
      %dma_wait3A_103 = arith.constant 0 : i32
      %dma_wait3A_104 = tpu.memref_slice %arg4[%dma_wait3A_96, %dma_wait3A_102, %dma_wait3A_103] : memref<2564x2x128xi32, #tpu.memory_space<hbm>> -> memref<1x2x128xi32, #tpu.memory_space<hbm>>
      %dma_wait3A_105 = tpu.memref_squeeze %dma_wait3A_104 : memref<1x2x128xi32, #tpu.memory_space<hbm>> -> memref<2x128xi32, #tpu.memory_space<hbm>>
      %dma_wait3A_106 = arith.constant 0 : i32
      %dma_wait3A_107 = arith.constant 0 : i32
      %dma_wait3A_108 = tpu.memref_slice %arg7[%dma_wait3A_97, %dma_wait3A_106, %dma_wait3A_107] : memref<4x2x128xi32, #tpu.memory_space<vmem>> -> memref<1x2x128xi32, #tpu.memory_space<vmem>>
      %dma_wait3A_109 = tpu.memref_squeeze %dma_wait3A_108 : memref<1x2x128xi32, #tpu.memory_space<vmem>> -> memref<2x128xi32, #tpu.memory_space<vmem>>
      %dma_wait3A_110 = arith.constant 0 : i32
      %dma_wait3A_111 = arith.constant 0 : i32
      %dma_wait3A_112 = tpu.memref_slice %arg4[%dma_wait3A_96, %dma_wait3A_110, %dma_wait3A_111] : memref<2564x2x128xi32, #tpu.memory_space<hbm>> -> memref<1x2x128xi32, #tpu.memory_space<hbm>>
      %dma_wait3A_113 = tpu.memref_squeeze %dma_wait3A_112 : memref<1x2x128xi32, #tpu.memory_space<hbm>> -> memref<2x128xi32, #tpu.memory_space<hbm>>
      tpu.wait_dma2 semaphore(%arg11 : memref<!tpu.dma_semaphore, #tpu.memory_space<semaphore_mem>>) src(%dma_wait3A_113 : memref<2x128xi32, #tpu.memory_space<hbm>>) dst(%dma_wait3A_109 : memref<2x128xi32, #tpu.memory_space<vmem>>)
      %run_scoped3A = arith.constant 0 : i32
      %run_scoped3A_114 = arith.constant 0 : i32
      "tpu.region"() ({
        %run_scoped3A_259 = tpu.sem_alloc : memref<!tpu.dma_semaphore, #tpu.memory_space<semaphore_mem>>
        %dma_start3A_260 = arith.constant 0 : i32
        %dma_start3A_261 = tpu.memref_slice %arg7[%run_scoped3A, %run_scoped3A_114, %dma_start3A_260] : memref<4x2x128xi32, #tpu.memory_space<vmem>> -> memref<1x1x128xi32, #tpu.memory_space<vmem>>
        %dma_start3A_262 = tpu.memref_squeeze %dma_start3A_261 : memref<1x1x128xi32, #tpu.memory_space<vmem>> -> memref<128xi32, #tpu.memory_space<vmem>>
        %dma_start3A_263 = arith.constant 0 : i32
        %dma_start3A_264 = arith.constant 0 : i32
        %dma_start3A_265 = tpu.memref_slice %arg9[%dma_start3A_263, %dma_start3A_264] : memref<10112x32xf32, #tpu.memory_space<vmem_shared>> -> memref<10112x32xf32, #tpu.memory_space<vmem_shared>>
        tpu.enqueue_indirect_dma source(%dma_start3A_265 : memref<10112x32xf32, #tpu.memory_space<vmem_shared>>) target(%arg8 : memref<128x32xf32, #tpu.memory_space<vmem>>) offsets(%dma_start3A_262 : memref<128xi32, #tpu.memory_space<vmem>>) semaphore(%run_scoped3A_259 : memref<!tpu.dma_semaphore, #tpu.memory_space<semaphore_mem>>)
        %dma_wait3A_266 = arith.constant 0 : i32
        %dma_wait3A_267 = tpu.memref_slice %arg7[%run_scoped3A, %run_scoped3A_114, %dma_wait3A_266] : memref<4x2x128xi32, #tpu.memory_space<vmem>> -> memref<1x1x128xi32, #tpu.memory_space<vmem>>
        %dma_wait3A_268 = tpu.memref_squeeze %dma_wait3A_267 : memref<1x1x128xi32, #tpu.memory_space<vmem>> -> memref<128xi32, #tpu.memory_space<vmem>>
        %dma_wait3A_269 = arith.constant 0 : i32
        %dma_wait3A_270 = arith.constant 0 : i32
        %dma_wait3A_271 = tpu.memref_slice %arg9[%dma_wait3A_269, %dma_wait3A_270] : memref<10112x32xf32, #tpu.memory_space<vmem_shared>> -> memref<10112x32xf32, #tpu.memory_space<vmem_shared>>
        tpu.wait_indirect_dma semaphore(%run_scoped3A_259 : memref<!tpu.dma_semaphore, #tpu.memory_space<semaphore_mem>>) src(%dma_wait3A_271 : memref<10112x32xf32, #tpu.memory_space<vmem_shared>>) dst(%arg8 : memref<128x32xf32, #tpu.memory_space<vmem>>)
        tpu.yield
      }) : () -> ()
      %run_scoped3A_115 = arith.constant 0 : i32
      %run_scoped3A_116 = arith.constant 1 : i32
      "tpu.region"() ({
        %run_scoped3A_259 = tpu.sem_alloc : memref<!tpu.dma_semaphore, #tpu.memory_space<semaphore_mem>>
        %dma_start3A_260 = arith.constant 0 : i32
        %dma_start3A_261 = tpu.memref_slice %arg7[%run_scoped3A_115, %run_scoped3A_116, %dma_start3A_260] : memref<4x2x128xi32, #tpu.memory_space<vmem>> -> memref<1x1x128xi32, #tpu.memory_space<vmem>>
        %dma_start3A_262 = tpu.memref_squeeze %dma_start3A_261 : memref<1x1x128xi32, #tpu.memory_space<vmem>> -> memref<128xi32, #tpu.memory_space<vmem>>
        %dma_start3A_263 = arith.constant 0 : i32
        %dma_start3A_264 = arith.constant 0 : i32
        %dma_start3A_265 = tpu.memref_slice %arg10[%dma_start3A_263, %dma_start3A_264] : memref<10112x32xf32, #tpu.memory_space<vmem_shared>> -> memref<10112x32xf32, #tpu.memory_space<vmem_shared>>
        tpu.enqueue_indirect_dma source(%arg8 : memref<128x32xf32, #tpu.memory_space<vmem>>) target(%dma_start3A_265 : memref<10112x32xf32, #tpu.memory_space<vmem_shared>>) offsets(%dma_start3A_262 : memref<128xi32, #tpu.memory_space<vmem>>) semaphore(%run_scoped3A_259 : memref<!tpu.dma_semaphore, #tpu.memory_space<semaphore_mem>>) {add = true}
        %dma_wait3A_266 = arith.constant 0 : i32
        %dma_wait3A_267 = tpu.memref_slice %arg7[%run_scoped3A_115, %run_scoped3A_116, %dma_wait3A_266] : memref<4x2x128xi32, #tpu.memory_space<vmem>> -> memref<1x1x128xi32, #tpu.memory_space<vmem>>
        %dma_wait3A_268 = tpu.memref_squeeze %dma_wait3A_267 : memref<1x1x128xi32, #tpu.memory_space<vmem>> -> memref<128xi32, #tpu.memory_space<vmem>>
        %dma_wait3A_269 = arith.constant 0 : i32
        %dma_wait3A_270 = arith.constant 0 : i32
        %dma_wait3A_271 = tpu.memref_slice %arg10[%dma_wait3A_269, %dma_wait3A_270] : memref<10112x32xf32, #tpu.memory_space<vmem_shared>> -> memref<10112x32xf32, #tpu.memory_space<vmem_shared>>
        tpu.wait_indirect_dma semaphore(%run_scoped3A_259 : memref<!tpu.dma_semaphore, #tpu.memory_space<semaphore_mem>>) src(%arg8 : memref<128x32xf32, #tpu.memory_space<vmem>>) dst(%dma_wait3A_271 : memref<10112x32xf32, #tpu.memory_space<vmem_shared>>)
        tpu.yield
      }) : () -> ()
      %add3A_117 = arith.constant 2 : i32
      %add3A_118 = arith.addi %add3A_95, %add3A_117 : i32
      %dma_start3A_119 = arith.constant 2 : i32
      %dma_start3A_120 = arith.constant 0 : i32
      %dma_start3A_121 = arith.constant 0 : i32
      %dma_start3A_122 = tpu.memref_slice %arg7[%dma_start3A_119, %dma_start3A_120, %dma_start3A_121] : memref<4x2x128xi32, #tpu.memory_space<vmem>> -> memref<1x2x128xi32, #tpu.memory_space<vmem>>
      %dma_start3A_123 = tpu.memref_squeeze %dma_start3A_122 : memref<1x2x128xi32, #tpu.memory_space<vmem>> -> memref<2x128xi32, #tpu.memory_space<vmem>>
      %dma_start3A_124 = arith.constant 0 : i32
      %dma_start3A_125 = arith.constant 0 : i32
      %dma_start3A_126 = tpu.memref_slice %arg4[%add3A_118, %dma_start3A_124, %dma_start3A_125] : memref<2564x2x128xi32, #tpu.memory_space<hbm>> -> memref<1x2x128xi32, #tpu.memory_space<hbm>>
      %dma_start3A_127 = tpu.memref_squeeze %dma_start3A_126 : memref<1x2x128xi32, #tpu.memory_space<hbm>> -> memref<2x128xi32, #tpu.memory_space<hbm>>
      %dma_start3A_128 = arith.constant 0 : i32
      %dma_start3A_129 = arith.constant 0 : i32
      %dma_start3A_130 = tpu.memref_slice %arg7[%dma_start3A_119, %dma_start3A_128, %dma_start3A_129] : memref<4x2x128xi32, #tpu.memory_space<vmem>> -> memref<1x2x128xi32, #tpu.memory_space<vmem>>
      %dma_start3A_131 = tpu.memref_squeeze %dma_start3A_130 : memref<1x2x128xi32, #tpu.memory_space<vmem>> -> memref<2x128xi32, #tpu.memory_space<vmem>>
      %dma_start3A_132 = arith.constant 0 : i32
      %dma_start3A_133 = arith.constant 0 : i32
      %dma_start3A_134 = tpu.memref_slice %arg4[%add3A_118, %dma_start3A_132, %dma_start3A_133] : memref<2564x2x128xi32, #tpu.memory_space<hbm>> -> memref<1x2x128xi32, #tpu.memory_space<hbm>>
      %dma_start3A_135 = tpu.memref_squeeze %dma_start3A_134 : memref<1x2x128xi32, #tpu.memory_space<hbm>> -> memref<2x128xi32, #tpu.memory_space<hbm>>
      tpu.enqueue_dma source(%dma_start3A_135 : memref<2x128xi32, #tpu.memory_space<hbm>>) target(%dma_start3A_131 : memref<2x128xi32, #tpu.memory_space<vmem>>) target_semaphore(%arg13 : memref<!tpu.dma_semaphore, #tpu.memory_space<semaphore_mem>>)
      %dma_wait3A_136 = arith.constant 0 : i32
      %dma_wait3A_137 = arith.constant 1 : i32
      %dma_wait3A_138 = arith.constant 0 : i32
      %dma_wait3A_139 = arith.constant 0 : i32
      %dma_wait3A_140 = tpu.memref_slice %arg7[%dma_wait3A_137, %dma_wait3A_138, %dma_wait3A_139] : memref<4x2x128xi32, #tpu.memory_space<vmem>> -> memref<1x2x128xi32, #tpu.memory_space<vmem>>
      %dma_wait3A_141 = tpu.memref_squeeze %dma_wait3A_140 : memref<1x2x128xi32, #tpu.memory_space<vmem>> -> memref<2x128xi32, #tpu.memory_space<vmem>>
      %dma_wait3A_142 = arith.constant 0 : i32
      %dma_wait3A_143 = arith.constant 0 : i32
      %dma_wait3A_144 = tpu.memref_slice %arg4[%dma_wait3A_136, %dma_wait3A_142, %dma_wait3A_143] : memref<2564x2x128xi32, #tpu.memory_space<hbm>> -> memref<1x2x128xi32, #tpu.memory_space<hbm>>
      %dma_wait3A_145 = tpu.memref_squeeze %dma_wait3A_144 : memref<1x2x128xi32, #tpu.memory_space<hbm>> -> memref<2x128xi32, #tpu.memory_space<hbm>>
      %dma_wait3A_146 = arith.constant 0 : i32
      %dma_wait3A_147 = arith.constant 0 : i32
      %dma_wait3A_148 = tpu.memref_slice %arg7[%dma_wait3A_137, %dma_wait3A_146, %dma_wait3A_147] : memref<4x2x128xi32, #tpu.memory_space<vmem>> -> memref<1x2x128xi32, #tpu.memory_space<vmem>>
      %dma_wait3A_149 = tpu.memref_squeeze %dma_wait3A_148 : memref<1x2x128xi32, #tpu.memory_space<vmem>> -> memref<2x128xi32, #tpu.memory_space<vmem>>
      %dma_wait3A_150 = arith.constant 0 : i32
      %dma_wait3A_151 = arith.constant 0 : i32
      %dma_wait3A_152 = tpu.memref_slice %arg4[%dma_wait3A_136, %dma_wait3A_150, %dma_wait3A_151] : memref<2564x2x128xi32, #tpu.memory_space<hbm>> -> memref<1x2x128xi32, #tpu.memory_space<hbm>>
      %dma_wait3A_153 = tpu.memref_squeeze %dma_wait3A_152 : memref<1x2x128xi32, #tpu.memory_space<hbm>> -> memref<2x128xi32, #tpu.memory_space<hbm>>
      tpu.wait_dma2 semaphore(%arg12 : memref<!tpu.dma_semaphore, #tpu.memory_space<semaphore_mem>>) src(%dma_wait3A_153 : memref<2x128xi32, #tpu.memory_space<hbm>>) dst(%dma_wait3A_149 : memref<2x128xi32, #tpu.memory_space<vmem>>)
      %run_scoped3A_154 = arith.constant 1 : i32
      %run_scoped3A_155 = arith.constant 0 : i32
      "tpu.region"() ({
        %run_scoped3A_259 = tpu.sem_alloc : memref<!tpu.dma_semaphore, #tpu.memory_space<semaphore_mem>>
        %dma_start3A_260 = arith.constant 0 : i32
        %dma_start3A_261 = tpu.memref_slice %arg7[%run_scoped3A_154, %run_scoped3A_155, %dma_start3A_260] : memref<4x2x128xi32, #tpu.memory_space<vmem>> -> memref<1x1x128xi32, #tpu.memory_space<vmem>>
        %dma_start3A_262 = tpu.memref_squeeze %dma_start3A_261 : memref<1x1x128xi32, #tpu.memory_space<vmem>> -> memref<128xi32, #tpu.memory_space<vmem>>
        %dma_start3A_263 = arith.constant 0 : i32
        %dma_start3A_264 = arith.constant 0 : i32
        %dma_start3A_265 = tpu.memref_slice %arg9[%dma_start3A_263, %dma_start3A_264] : memref<10112x32xf32, #tpu.memory_space<vmem_shared>> -> memref<10112x32xf32, #tpu.memory_space<vmem_shared>>
        tpu.enqueue_indirect_dma source(%dma_start3A_265 : memref<10112x32xf32, #tpu.memory_space<vmem_shared>>) target(%arg8 : memref<128x32xf32, #tpu.memory_space<vmem>>) offsets(%dma_start3A_262 : memref<128xi32, #tpu.memory_space<vmem>>) semaphore(%run_scoped3A_259 : memref<!tpu.dma_semaphore, #tpu.memory_space<semaphore_mem>>)
        %dma_wait3A_266 = arith.constant 0 : i32
        %dma_wait3A_267 = tpu.memref_slice %arg7[%run_scoped3A_154, %run_scoped3A_155, %dma_wait3A_266] : memref<4x2x128xi32, #tpu.memory_space<vmem>> -> memref<1x1x128xi32, #tpu.memory_space<vmem>>
        %dma_wait3A_268 = tpu.memref_squeeze %dma_wait3A_267 : memref<1x1x128xi32, #tpu.memory_space<vmem>> -> memref<128xi32, #tpu.memory_space<vmem>>
        %dma_wait3A_269 = arith.constant 0 : i32
        %dma_wait3A_270 = arith.constant 0 : i32
        %dma_wait3A_271 = tpu.memref_slice %arg9[%dma_wait3A_269, %dma_wait3A_270] : memref<10112x32xf32, #tpu.memory_space<vmem_shared>> -> memref<10112x32xf32, #tpu.memory_space<vmem_shared>>
        tpu.wait_indirect_dma semaphore(%run_scoped3A_259 : memref<!tpu.dma_semaphore, #tpu.memory_space<semaphore_mem>>) src(%dma_wait3A_271 : memref<10112x32xf32, #tpu.memory_space<vmem_shared>>) dst(%arg8 : memref<128x32xf32, #tpu.memory_space<vmem>>)
        tpu.yield
      }) : () -> ()
      %run_scoped3A_156 = arith.constant 1 : i32
      %run_scoped3A_157 = arith.constant 1 : i32
      "tpu.region"() ({
        %run_scoped3A_259 = tpu.sem_alloc : memref<!tpu.dma_semaphore, #tpu.memory_space<semaphore_mem>>
        %dma_start3A_260 = arith.constant 0 : i32
        %dma_start3A_261 = tpu.memref_slice %arg7[%run_scoped3A_156, %run_scoped3A_157, %dma_start3A_260] : memref<4x2x128xi32, #tpu.memory_space<vmem>> -> memref<1x1x128xi32, #tpu.memory_space<vmem>>
        %dma_start3A_262 = tpu.memref_squeeze %dma_start3A_261 : memref<1x1x128xi32, #tpu.memory_space<vmem>> -> memref<128xi32, #tpu.memory_space<vmem>>
        %dma_start3A_263 = arith.constant 0 : i32
        %dma_start3A_264 = arith.constant 0 : i32
        %dma_start3A_265 = tpu.memref_slice %arg10[%dma_start3A_263, %dma_start3A_264] : memref<10112x32xf32, #tpu.memory_space<vmem_shared>> -> memref<10112x32xf32, #tpu.memory_space<vmem_shared>>
        tpu.enqueue_indirect_dma source(%arg8 : memref<128x32xf32, #tpu.memory_space<vmem>>) target(%dma_start3A_265 : memref<10112x32xf32, #tpu.memory_space<vmem_shared>>) offsets(%dma_start3A_262 : memref<128xi32, #tpu.memory_space<vmem>>) semaphore(%run_scoped3A_259 : memref<!tpu.dma_semaphore, #tpu.memory_space<semaphore_mem>>) {add = true}
        %dma_wait3A_266 = arith.constant 0 : i32
        %dma_wait3A_267 = tpu.memref_slice %arg7[%run_scoped3A_156, %run_scoped3A_157, %dma_wait3A_266] : memref<4x2x128xi32, #tpu.memory_space<vmem>> -> memref<1x1x128xi32, #tpu.memory_space<vmem>>
        %dma_wait3A_268 = tpu.memref_squeeze %dma_wait3A_267 : memref<1x1x128xi32, #tpu.memory_space<vmem>> -> memref<128xi32, #tpu.memory_space<vmem>>
        %dma_wait3A_269 = arith.constant 0 : i32
        %dma_wait3A_270 = arith.constant 0 : i32
        %dma_wait3A_271 = tpu.memref_slice %arg10[%dma_wait3A_269, %dma_wait3A_270] : memref<10112x32xf32, #tpu.memory_space<vmem_shared>> -> memref<10112x32xf32, #tpu.memory_space<vmem_shared>>
        tpu.wait_indirect_dma semaphore(%run_scoped3A_259 : memref<!tpu.dma_semaphore, #tpu.memory_space<semaphore_mem>>) src(%arg8 : memref<128x32xf32, #tpu.memory_space<vmem>>) dst(%dma_wait3A_271 : memref<10112x32xf32, #tpu.memory_space<vmem_shared>>)
        tpu.yield
      }) : () -> ()
      %add3A_158 = arith.constant 3 : i32
      %add3A_159 = arith.addi %add3A_95, %add3A_158 : i32
      %dma_start3A_160 = arith.constant 3 : i32
      %dma_start3A_161 = arith.constant 0 : i32
      %dma_start3A_162 = arith.constant 0 : i32
      %dma_start3A_163 = tpu.memref_slice %arg7[%dma_start3A_160, %dma_start3A_161, %dma_start3A_162] : memref<4x2x128xi32, #tpu.memory_space<vmem>> -> memref<1x2x128xi32, #tpu.memory_space<vmem>>
      %dma_start3A_164 = tpu.memref_squeeze %dma_start3A_163 : memref<1x2x128xi32, #tpu.memory_space<vmem>> -> memref<2x128xi32, #tpu.memory_space<vmem>>
      %dma_start3A_165 = arith.constant 0 : i32
      %dma_start3A_166 = arith.constant 0 : i32
      %dma_start3A_167 = tpu.memref_slice %arg4[%add3A_159, %dma_start3A_165, %dma_start3A_166] : memref<2564x2x128xi32, #tpu.memory_space<hbm>> -> memref<1x2x128xi32, #tpu.memory_space<hbm>>
      %dma_start3A_168 = tpu.memref_squeeze %dma_start3A_167 : memref<1x2x128xi32, #tpu.memory_space<hbm>> -> memref<2x128xi32, #tpu.memory_space<hbm>>
      %dma_start3A_169 = arith.constant 0 : i32
      %dma_start3A_170 = arith.constant 0 : i32
      %dma_start3A_171 = tpu.memref_slice %arg7[%dma_start3A_160, %dma_start3A_169, %dma_start3A_170] : memref<4x2x128xi32, #tpu.memory_space<vmem>> -> memref<1x2x128xi32, #tpu.memory_space<vmem>>
      %dma_start3A_172 = tpu.memref_squeeze %dma_start3A_171 : memref<1x2x128xi32, #tpu.memory_space<vmem>> -> memref<2x128xi32, #tpu.memory_space<vmem>>
      %dma_start3A_173 = arith.constant 0 : i32
      %dma_start3A_174 = arith.constant 0 : i32
      %dma_start3A_175 = tpu.memref_slice %arg4[%add3A_159, %dma_start3A_173, %dma_start3A_174] : memref<2564x2x128xi32, #tpu.memory_space<hbm>> -> memref<1x2x128xi32, #tpu.memory_space<hbm>>
      %dma_start3A_176 = tpu.memref_squeeze %dma_start3A_175 : memref<1x2x128xi32, #tpu.memory_space<hbm>> -> memref<2x128xi32, #tpu.memory_space<hbm>>
      tpu.enqueue_dma source(%dma_start3A_176 : memref<2x128xi32, #tpu.memory_space<hbm>>) target(%dma_start3A_172 : memref<2x128xi32, #tpu.memory_space<vmem>>) target_semaphore(%arg14 : memref<!tpu.dma_semaphore, #tpu.memory_space<semaphore_mem>>)
      %dma_wait3A_177 = arith.constant 0 : i32
      %dma_wait3A_178 = arith.constant 2 : i32
      %dma_wait3A_179 = arith.constant 0 : i32
      %dma_wait3A_180 = arith.constant 0 : i32
      %dma_wait3A_181 = tpu.memref_slice %arg7[%dma_wait3A_178, %dma_wait3A_179, %dma_wait3A_180] : memref<4x2x128xi32, #tpu.memory_space<vmem>> -> memref<1x2x128xi32, #tpu.memory_space<vmem>>
      %dma_wait3A_182 = tpu.memref_squeeze %dma_wait3A_181 : memref<1x2x128xi32, #tpu.memory_space<vmem>> -> memref<2x128xi32, #tpu.memory_space<vmem>>
      %dma_wait3A_183 = arith.constant 0 : i32
      %dma_wait3A_184 = arith.constant 0 : i32
      %dma_wait3A_185 = tpu.memref_slice %arg4[%dma_wait3A_177, %dma_wait3A_183, %dma_wait3A_184] : memref<2564x2x128xi32, #tpu.memory_space<hbm>> -> memref<1x2x128xi32, #tpu.memory_space<hbm>>
      %dma_wait3A_186 = tpu.memref_squeeze %dma_wait3A_185 : memref<1x2x128xi32, #tpu.memory_space<hbm>> -> memref<2x128xi32, #tpu.memory_space<hbm>>
      %dma_wait3A_187 = arith.constant 0 : i32
      %dma_wait3A_188 = arith.constant 0 : i32
      %dma_wait3A_189 = tpu.memref_slice %arg7[%dma_wait3A_178, %dma_wait3A_187, %dma_wait3A_188] : memref<4x2x128xi32, #tpu.memory_space<vmem>> -> memref<1x2x128xi32, #tpu.memory_space<vmem>>
      %dma_wait3A_190 = tpu.memref_squeeze %dma_wait3A_189 : memref<1x2x128xi32, #tpu.memory_space<vmem>> -> memref<2x128xi32, #tpu.memory_space<vmem>>
      %dma_wait3A_191 = arith.constant 0 : i32
      %dma_wait3A_192 = arith.constant 0 : i32
      %dma_wait3A_193 = tpu.memref_slice %arg4[%dma_wait3A_177, %dma_wait3A_191, %dma_wait3A_192] : memref<2564x2x128xi32, #tpu.memory_space<hbm>> -> memref<1x2x128xi32, #tpu.memory_space<hbm>>
      %dma_wait3A_194 = tpu.memref_squeeze %dma_wait3A_193 : memref<1x2x128xi32, #tpu.memory_space<hbm>> -> memref<2x128xi32, #tpu.memory_space<hbm>>
      tpu.wait_dma2 semaphore(%arg13 : memref<!tpu.dma_semaphore, #tpu.memory_space<semaphore_mem>>) src(%dma_wait3A_194 : memref<2x128xi32, #tpu.memory_space<hbm>>) dst(%dma_wait3A_190 : memref<2x128xi32, #tpu.memory_space<vmem>>)
      %run_scoped3A_195 = arith.constant 2 : i32
      %run_scoped3A_196 = arith.constant 0 : i32
      "tpu.region"() ({
        %run_scoped3A_259 = tpu.sem_alloc : memref<!tpu.dma_semaphore, #tpu.memory_space<semaphore_mem>>
        %dma_start3A_260 = arith.constant 0 : i32
        %dma_start3A_261 = tpu.memref_slice %arg7[%run_scoped3A_195, %run_scoped3A_196, %dma_start3A_260] : memref<4x2x128xi32, #tpu.memory_space<vmem>> -> memref<1x1x128xi32, #tpu.memory_space<vmem>>
        %dma_start3A_262 = tpu.memref_squeeze %dma_start3A_261 : memref<1x1x128xi32, #tpu.memory_space<vmem>> -> memref<128xi32, #tpu.memory_space<vmem>>
        %dma_start3A_263 = arith.constant 0 : i32
        %dma_start3A_264 = arith.constant 0 : i32
        %dma_start3A_265 = tpu.memref_slice %arg9[%dma_start3A_263, %dma_start3A_264] : memref<10112x32xf32, #tpu.memory_space<vmem_shared>> -> memref<10112x32xf32, #tpu.memory_space<vmem_shared>>
        tpu.enqueue_indirect_dma source(%dma_start3A_265 : memref<10112x32xf32, #tpu.memory_space<vmem_shared>>) target(%arg8 : memref<128x32xf32, #tpu.memory_space<vmem>>) offsets(%dma_start3A_262 : memref<128xi32, #tpu.memory_space<vmem>>) semaphore(%run_scoped3A_259 : memref<!tpu.dma_semaphore, #tpu.memory_space<semaphore_mem>>)
        %dma_wait3A_266 = arith.constant 0 : i32
        %dma_wait3A_267 = tpu.memref_slice %arg7[%run_scoped3A_195, %run_scoped3A_196, %dma_wait3A_266] : memref<4x2x128xi32, #tpu.memory_space<vmem>> -> memref<1x1x128xi32, #tpu.memory_space<vmem>>
        %dma_wait3A_268 = tpu.memref_squeeze %dma_wait3A_267 : memref<1x1x128xi32, #tpu.memory_space<vmem>> -> memref<128xi32, #tpu.memory_space<vmem>>
        %dma_wait3A_269 = arith.constant 0 : i32
        %dma_wait3A_270 = arith.constant 0 : i32
        %dma_wait3A_271 = tpu.memref_slice %arg9[%dma_wait3A_269, %dma_wait3A_270] : memref<10112x32xf32, #tpu.memory_space<vmem_shared>> -> memref<10112x32xf32, #tpu.memory_space<vmem_shared>>
        tpu.wait_indirect_dma semaphore(%run_scoped3A_259 : memref<!tpu.dma_semaphore, #tpu.memory_space<semaphore_mem>>) src(%dma_wait3A_271 : memref<10112x32xf32, #tpu.memory_space<vmem_shared>>) dst(%arg8 : memref<128x32xf32, #tpu.memory_space<vmem>>)
        tpu.yield
      }) : () -> ()
      %run_scoped3A_197 = arith.constant 2 : i32
      %run_scoped3A_198 = arith.constant 1 : i32
      "tpu.region"() ({
        %run_scoped3A_259 = tpu.sem_alloc : memref<!tpu.dma_semaphore, #tpu.memory_space<semaphore_mem>>
        %dma_start3A_260 = arith.constant 0 : i32
        %dma_start3A_261 = tpu.memref_slice %arg7[%run_scoped3A_197, %run_scoped3A_198, %dma_start3A_260] : memref<4x2x128xi32, #tpu.memory_space<vmem>> -> memref<1x1x128xi32, #tpu.memory_space<vmem>>
        %dma_start3A_262 = tpu.memref_squeeze %dma_start3A_261 : memref<1x1x128xi32, #tpu.memory_space<vmem>> -> memref<128xi32, #tpu.memory_space<vmem>>
        %dma_start3A_263 = arith.constant 0 : i32
        %dma_start3A_264 = arith.constant 0 : i32
        %dma_start3A_265 = tpu.memref_slice %arg10[%dma_start3A_263, %dma_start3A_264] : memref<10112x32xf32, #tpu.memory_space<vmem_shared>> -> memref<10112x32xf32, #tpu.memory_space<vmem_shared>>
        tpu.enqueue_indirect_dma source(%arg8 : memref<128x32xf32, #tpu.memory_space<vmem>>) target(%dma_start3A_265 : memref<10112x32xf32, #tpu.memory_space<vmem_shared>>) offsets(%dma_start3A_262 : memref<128xi32, #tpu.memory_space<vmem>>) semaphore(%run_scoped3A_259 : memref<!tpu.dma_semaphore, #tpu.memory_space<semaphore_mem>>) {add = true}
        %dma_wait3A_266 = arith.constant 0 : i32
        %dma_wait3A_267 = tpu.memref_slice %arg7[%run_scoped3A_197, %run_scoped3A_198, %dma_wait3A_266] : memref<4x2x128xi32, #tpu.memory_space<vmem>> -> memref<1x1x128xi32, #tpu.memory_space<vmem>>
        %dma_wait3A_268 = tpu.memref_squeeze %dma_wait3A_267 : memref<1x1x128xi32, #tpu.memory_space<vmem>> -> memref<128xi32, #tpu.memory_space<vmem>>
        %dma_wait3A_269 = arith.constant 0 : i32
        %dma_wait3A_270 = arith.constant 0 : i32
        %dma_wait3A_271 = tpu.memref_slice %arg10[%dma_wait3A_269, %dma_wait3A_270] : memref<10112x32xf32, #tpu.memory_space<vmem_shared>> -> memref<10112x32xf32, #tpu.memory_space<vmem_shared>>
        tpu.wait_indirect_dma semaphore(%run_scoped3A_259 : memref<!tpu.dma_semaphore, #tpu.memory_space<semaphore_mem>>) src(%arg8 : memref<128x32xf32, #tpu.memory_space<vmem>>) dst(%dma_wait3A_271 : memref<10112x32xf32, #tpu.memory_space<vmem_shared>>)
        tpu.yield
      }) : () -> ()
      %add3A_199 = arith.constant 4 : i32
      %add3A_200 = arith.addi %add3A_95, %add3A_199 : i32
      %dma_start3A_201 = arith.constant 0 : i32
      %dma_start3A_202 = arith.constant 0 : i32
      %dma_start3A_203 = arith.constant 0 : i32
      %dma_start3A_204 = tpu.memref_slice %arg7[%dma_start3A_201, %dma_start3A_202, %dma_start3A_203] : memref<4x2x128xi32, #tpu.memory_space<vmem>> -> memref<1x2x128xi32, #tpu.memory_space<vmem>>
      %dma_start3A_205 = tpu.memref_squeeze %dma_start3A_204 : memref<1x2x128xi32, #tpu.memory_space<vmem>> -> memref<2x128xi32, #tpu.memory_space<vmem>>
      %dma_start3A_206 = arith.constant 0 : i32
      %dma_start3A_207 = arith.constant 0 : i32
      %dma_start3A_208 = tpu.memref_slice %arg4[%add3A_200, %dma_start3A_206, %dma_start3A_207] : memref<2564x2x128xi32, #tpu.memory_space<hbm>> -> memref<1x2x128xi32, #tpu.memory_space<hbm>>
      %dma_start3A_209 = tpu.memref_squeeze %dma_start3A_208 : memref<1x2x128xi32, #tpu.memory_space<hbm>> -> memref<2x128xi32, #tpu.memory_space<hbm>>
      %dma_start3A_210 = arith.constant 0 : i32
      %dma_start3A_211 = arith.constant 0 : i32
      %dma_start3A_212 = tpu.memref_slice %arg7[%dma_start3A_201, %dma_start3A_210, %dma_start3A_211] : memref<4x2x128xi32, #tpu.memory_space<vmem>> -> memref<1x2x128xi32, #tpu.memory_space<vmem>>
      %dma_start3A_213 = tpu.memref_squeeze %dma_start3A_212 : memref<1x2x128xi32, #tpu.memory_space<vmem>> -> memref<2x128xi32, #tpu.memory_space<vmem>>
      %dma_start3A_214 = arith.constant 0 : i32
      %dma_start3A_215 = arith.constant 0 : i32
      %dma_start3A_216 = tpu.memref_slice %arg4[%add3A_200, %dma_start3A_214, %dma_start3A_215] : memref<2564x2x128xi32, #tpu.memory_space<hbm>> -> memref<1x2x128xi32, #tpu.memory_space<hbm>>
      %dma_start3A_217 = tpu.memref_squeeze %dma_start3A_216 : memref<1x2x128xi32, #tpu.memory_space<hbm>> -> memref<2x128xi32, #tpu.memory_space<hbm>>
      tpu.enqueue_dma source(%dma_start3A_217 : memref<2x128xi32, #tpu.memory_space<hbm>>) target(%dma_start3A_213 : memref<2x128xi32, #tpu.memory_space<vmem>>) target_semaphore(%arg11 : memref<!tpu.dma_semaphore, #tpu.memory_space<semaphore_mem>>)
      %dma_wait3A_218 = arith.constant 0 : i32
      %dma_wait3A_219 = arith.constant 3 : i32
      %dma_wait3A_220 = arith.constant 0 : i32
      %dma_wait3A_221 = arith.constant 0 : i32
      %dma_wait3A_222 = tpu.memref_slice %arg7[%dma_wait3A_219, %dma_wait3A_220, %dma_wait3A_221] : memref<4x2x128xi32, #tpu.memory_space<vmem>> -> memref<1x2x128xi32, #tpu.memory_space<vmem>>
      %dma_wait3A_223 = tpu.memref_squeeze %dma_wait3A_222 : memref<1x2x128xi32, #tpu.memory_space<vmem>> -> memref<2x128xi32, #tpu.memory_space<vmem>>
      %dma_wait3A_224 = arith.constant 0 : i32
      %dma_wait3A_225 = arith.constant 0 : i32
      %dma_wait3A_226 = tpu.memref_slice %arg4[%dma_wait3A_218, %dma_wait3A_224, %dma_wait3A_225] : memref<2564x2x128xi32, #tpu.memory_space<hbm>> -> memref<1x2x128xi32, #tpu.memory_space<hbm>>
      %dma_wait3A_227 = tpu.memref_squeeze %dma_wait3A_226 : memref<1x2x128xi32, #tpu.memory_space<hbm>> -> memref<2x128xi32, #tpu.memory_space<hbm>>
      %dma_wait3A_228 = arith.constant 0 : i32
      %dma_wait3A_229 = arith.constant 0 : i32
      %dma_wait3A_230 = tpu.memref_slice %arg7[%dma_wait3A_219, %dma_wait3A_228, %dma_wait3A_229] : memref<4x2x128xi32, #tpu.memory_space<vmem>> -> memref<1x2x128xi32, #tpu.memory_space<vmem>>
      %dma_wait3A_231 = tpu.memref_squeeze %dma_wait3A_230 : memref<1x2x128xi32, #tpu.memory_space<vmem>> -> memref<2x128xi32, #tpu.memory_space<vmem>>
      %dma_wait3A_232 = arith.constant 0 : i32
      %dma_wait3A_233 = arith.constant 0 : i32
      %dma_wait3A_234 = tpu.memref_slice %arg4[%dma_wait3A_218, %dma_wait3A_232, %dma_wait3A_233] : memref<2564x2x128xi32, #tpu.memory_space<hbm>> -> memref<1x2x128xi32, #tpu.memory_space<hbm>>
      %dma_wait3A_235 = tpu.memref_squeeze %dma_wait3A_234 : memref<1x2x128xi32, #tpu.memory_space<hbm>> -> memref<2x128xi32, #tpu.memory_space<hbm>>
      tpu.wait_dma2 semaphore(%arg14 : memref<!tpu.dma_semaphore, #tpu.memory_space<semaphore_mem>>) src(%dma_wait3A_235 : memref<2x128xi32, #tpu.memory_space<hbm>>) dst(%dma_wait3A_231 : memref<2x128xi32, #tpu.memory_space<vmem>>)
      %run_scoped3A_236 = arith.constant 3 : i32
      %run_scoped3A_237 = arith.constant 0 : i32
      "tpu.region"() ({
        %run_scoped3A_259 = tpu.sem_alloc : memref<!tpu.dma_semaphore, #tpu.memory_space<semaphore_mem>>
        %dma_start3A_260 = arith.constant 0 : i32
        %dma_start3A_261 = tpu.memref_slice %arg7[%run_scoped3A_236, %run_scoped3A_237, %dma_start3A_260] : memref<4x2x128xi32, #tpu.memory_space<vmem>> -> memref<1x1x128xi32, #tpu.memory_space<vmem>>
        %dma_start3A_262 = tpu.memref_squeeze %dma_start3A_261 : memref<1x1x128xi32, #tpu.memory_space<vmem>> -> memref<128xi32, #tpu.memory_space<vmem>>
        %dma_start3A_263 = arith.constant 0 : i32
        %dma_start3A_264 = arith.constant 0 : i32
        %dma_start3A_265 = tpu.memref_slice %arg9[%dma_start3A_263, %dma_start3A_264] : memref<10112x32xf32, #tpu.memory_space<vmem_shared>> -> memref<10112x32xf32, #tpu.memory_space<vmem_shared>>
        tpu.enqueue_indirect_dma source(%dma_start3A_265 : memref<10112x32xf32, #tpu.memory_space<vmem_shared>>) target(%arg8 : memref<128x32xf32, #tpu.memory_space<vmem>>) offsets(%dma_start3A_262 : memref<128xi32, #tpu.memory_space<vmem>>) semaphore(%run_scoped3A_259 : memref<!tpu.dma_semaphore, #tpu.memory_space<semaphore_mem>>)
        %dma_wait3A_266 = arith.constant 0 : i32
        %dma_wait3A_267 = tpu.memref_slice %arg7[%run_scoped3A_236, %run_scoped3A_237, %dma_wait3A_266] : memref<4x2x128xi32, #tpu.memory_space<vmem>> -> memref<1x1x128xi32, #tpu.memory_space<vmem>>
        %dma_wait3A_268 = tpu.memref_squeeze %dma_wait3A_267 : memref<1x1x128xi32, #tpu.memory_space<vmem>> -> memref<128xi32, #tpu.memory_space<vmem>>
        %dma_wait3A_269 = arith.constant 0 : i32
        %dma_wait3A_270 = arith.constant 0 : i32
        %dma_wait3A_271 = tpu.memref_slice %arg9[%dma_wait3A_269, %dma_wait3A_270] : memref<10112x32xf32, #tpu.memory_space<vmem_shared>> -> memref<10112x32xf32, #tpu.memory_space<vmem_shared>>
        tpu.wait_indirect_dma semaphore(%run_scoped3A_259 : memref<!tpu.dma_semaphore, #tpu.memory_space<semaphore_mem>>) src(%dma_wait3A_271 : memref<10112x32xf32, #tpu.memory_space<vmem_shared>>) dst(%arg8 : memref<128x32xf32, #tpu.memory_space<vmem>>)
        tpu.yield
      }) : () -> ()
      %run_scoped3A_238 = arith.constant 3 : i32
      %run_scoped3A_239 = arith.constant 1 : i32
      "tpu.region"() ({
        %run_scoped3A_259 = tpu.sem_alloc : memref<!tpu.dma_semaphore, #tpu.memory_space<semaphore_mem>>
        %dma_start3A_260 = arith.constant 0 : i32
        %dma_start3A_261 = tpu.memref_slice %arg7[%run_scoped3A_238, %run_scoped3A_239, %dma_start3A_260] : memref<4x2x128xi32, #tpu.memory_space<vmem>> -> memref<1x1x128xi32, #tpu.memory_space<vmem>>
        %dma_start3A_262 = tpu.memref_squeeze %dma_start3A_261 : memref<1x1x128xi32, #tpu.memory_space<vmem>> -> memref<128xi32, #tpu.memory_space<vmem>>
        %dma_start3A_263 = arith.constant 0 : i32
        %dma_start3A_264 = arith.constant 0 : i32
        %dma_start3A_265 = tpu.memref_slice %arg10[%dma_start3A_263, %dma_start3A_264] : memref<10112x32xf32, #tpu.memory_space<vmem_shared>> -> memref<10112x32xf32, #tpu.memory_space<vmem_shared>>
        tpu.enqueue_indirect_dma source(%arg8 : memref<128x32xf32, #tpu.memory_space<vmem>>) target(%dma_start3A_265 : memref<10112x32xf32, #tpu.memory_space<vmem_shared>>) offsets(%dma_start3A_262 : memref<128xi32, #tpu.memory_space<vmem>>) semaphore(%run_scoped3A_259 : memref<!tpu.dma_semaphore, #tpu.memory_space<semaphore_mem>>) {add = true}
        %dma_wait3A_266 = arith.constant 0 : i32
        %dma_wait3A_267 = tpu.memref_slice %arg7[%run_scoped3A_238, %run_scoped3A_239, %dma_wait3A_266] : memref<4x2x128xi32, #tpu.memory_space<vmem>> -> memref<1x1x128xi32, #tpu.memory_space<vmem>>
        %dma_wait3A_268 = tpu.memref_squeeze %dma_wait3A_267 : memref<1x1x128xi32, #tpu.memory_space<vmem>> -> memref<128xi32, #tpu.memory_space<vmem>>
        %dma_wait3A_269 = arith.constant 0 : i32
        %dma_wait3A_270 = arith.constant 0 : i32
        %dma_wait3A_271 = tpu.memref_slice %arg10[%dma_wait3A_269, %dma_wait3A_270] : memref<10112x32xf32, #tpu.memory_space<vmem_shared>> -> memref<10112x32xf32, #tpu.memory_space<vmem_shared>>
        tpu.wait_indirect_dma semaphore(%run_scoped3A_259 : memref<!tpu.dma_semaphore, #tpu.memory_space<semaphore_mem>>) src(%arg8 : memref<128x32xf32, #tpu.memory_space<vmem>>) dst(%dma_wait3A_271 : memref<10112x32xf32, #tpu.memory_space<vmem_shared>>)
        tpu.yield
      }) : () -> ()
      %add3A_240 = arith.constant 5 : i32
      %add3A_241 = arith.addi %add3A_95, %add3A_240 : i32
      %dma_start3A_242 = arith.constant 1 : i32
      %dma_start3A_243 = arith.constant 0 : i32
      %dma_start3A_244 = arith.constant 0 : i32
      %dma_start3A_245 = tpu.memref_slice %arg7[%dma_start3A_242, %dma_start3A_243, %dma_start3A_244] : memref<4x2x128xi32, #tpu.memory_space<vmem>> -> memref<1x2x128xi32, #tpu.memory_space<vmem>>
      %dma_start3A_246 = tpu.memref_squeeze %dma_start3A_245 : memref<1x2x128xi32, #tpu.memory_space<vmem>> -> memref<2x128xi32, #tpu.memory_space<vmem>>
      %dma_start3A_247 = arith.constant 0 : i32
      %dma_start3A_248 = arith.constant 0 : i32
      %dma_start3A_249 = tpu.memref_slice %arg4[%add3A_241, %dma_start3A_247, %dma_start3A_248] : memref<2564x2x128xi32, #tpu.memory_space<hbm>> -> memref<1x2x128xi32, #tpu.memory_space<hbm>>
      %dma_start3A_250 = tpu.memref_squeeze %dma_start3A_249 : memref<1x2x128xi32, #tpu.memory_space<hbm>> -> memref<2x128xi32, #tpu.memory_space<hbm>>
      %dma_start3A_251 = arith.constant 0 : i32
      %dma_start3A_252 = arith.constant 0 : i32
      %dma_start3A_253 = tpu.memref_slice %arg7[%dma_start3A_242, %dma_start3A_251, %dma_start3A_252] : memref<4x2x128xi32, #tpu.memory_space<vmem>> -> memref<1x2x128xi32, #tpu.memory_space<vmem>>
      %dma_start3A_254 = tpu.memref_squeeze %dma_start3A_253 : memref<1x2x128xi32, #tpu.memory_space<vmem>> -> memref<2x128xi32, #tpu.memory_space<vmem>>
      %dma_start3A_255 = arith.constant 0 : i32
      %dma_start3A_256 = arith.constant 0 : i32
      %dma_start3A_257 = tpu.memref_slice %arg4[%add3A_241, %dma_start3A_255, %dma_start3A_256] : memref<2564x2x128xi32, #tpu.memory_space<hbm>> -> memref<1x2x128xi32, #tpu.memory_space<hbm>>
      %dma_start3A_258 = tpu.memref_squeeze %dma_start3A_257 : memref<1x2x128xi32, #tpu.memory_space<hbm>> -> memref<2x128xi32, #tpu.memory_space<hbm>>
      tpu.enqueue_dma source(%dma_start3A_258 : memref<2x128xi32, #tpu.memory_space<hbm>>) target(%dma_start3A_254 : memref<2x128xi32, #tpu.memory_space<vmem>>) target_semaphore(%arg12 : memref<!tpu.dma_semaphore, #tpu.memory_space<semaphore_mem>>)
    }
    %dma_wait3A = arith.constant 0 : i32
    %dma_wait3A_56 = arith.constant 0 : i32
    %dma_wait3A_57 = arith.constant 0 : i32
    %dma_wait3A_58 = arith.constant 0 : i32
    %dma_wait3A_59 = tpu.memref_slice %arg7[%dma_wait3A_56, %dma_wait3A_57, %dma_wait3A_58] : memref<4x2x128xi32, #tpu.memory_space<vmem>> -> memref<1x2x128xi32, #tpu.memory_space<vmem>>
    %dma_wait3A_60 = tpu.memref_squeeze %dma_wait3A_59 : memref<1x2x128xi32, #tpu.memory_space<vmem>> -> memref<2x128xi32, #tpu.memory_space<vmem>>
    %dma_wait3A_61 = arith.constant 0 : i32
    %dma_wait3A_62 = arith.constant 0 : i32
    %dma_wait3A_63 = tpu.memref_slice %arg4[%dma_wait3A, %dma_wait3A_61, %dma_wait3A_62] : memref<2564x2x128xi32, #tpu.memory_space<hbm>> -> memref<1x2x128xi32, #tpu.memory_space<hbm>>
    %dma_wait3A_64 = tpu.memref_squeeze %dma_wait3A_63 : memref<1x2x128xi32, #tpu.memory_space<hbm>> -> memref<2x128xi32, #tpu.memory_space<hbm>>
    %dma_wait3A_65 = arith.constant 0 : i32
    %dma_wait3A_66 = arith.constant 0 : i32
    %dma_wait3A_67 = tpu.memref_slice %arg7[%dma_wait3A_56, %dma_wait3A_65, %dma_wait3A_66] : memref<4x2x128xi32, #tpu.memory_space<vmem>> -> memref<1x2x128xi32, #tpu.memory_space<vmem>>
    %dma_wait3A_68 = tpu.memref_squeeze %dma_wait3A_67 : memref<1x2x128xi32, #tpu.memory_space<vmem>> -> memref<2x128xi32, #tpu.memory_space<vmem>>
    %dma_wait3A_69 = arith.constant 0 : i32
    %dma_wait3A_70 = arith.constant 0 : i32
    %dma_wait3A_71 = tpu.memref_slice %arg4[%dma_wait3A, %dma_wait3A_69, %dma_wait3A_70] : memref<2564x2x128xi32, #tpu.memory_space<hbm>> -> memref<1x2x128xi32, #tpu.memory_space<hbm>>
    %dma_wait3A_72 = tpu.memref_squeeze %dma_wait3A_71 : memref<1x2x128xi32, #tpu.memory_space<hbm>> -> memref<2x128xi32, #tpu.memory_space<hbm>>
    tpu.wait_dma2 semaphore(%arg11 : memref<!tpu.dma_semaphore, #tpu.memory_space<semaphore_mem>>) src(%dma_wait3A_72 : memref<2x128xi32, #tpu.memory_space<hbm>>) dst(%dma_wait3A_68 : memref<2x128xi32, #tpu.memory_space<vmem>>)
    %dma_wait3A_73 = arith.constant 0 : i32
    %dma_wait3A_74 = arith.constant 1 : i32
    %dma_wait3A_75 = arith.constant 0 : i32
    %dma_wait3A_76 = arith.constant 0 : i32
    %dma_wait3A_77 = tpu.memref_slice %arg7[%dma_wait3A_74, %dma_wait3A_75, %dma_wait3A_76] : memref<4x2x128xi32, #tpu.memory_space<vmem>> -> memref<1x2x128xi32, #tpu.memory_space<vmem>>
    %dma_wait3A_78 = tpu.memref_squeeze %dma_wait3A_77 : memref<1x2x128xi32, #tpu.memory_space<vmem>> -> memref<2x128xi32, #tpu.memory_space<vmem>>
    %dma_wait3A_79 = arith.constant 0 : i32
    %dma_wait3A_80 = arith.constant 0 : i32
    %dma_wait3A_81 = tpu.memref_slice %arg4[%dma_wait3A_73, %dma_wait3A_79, %dma_wait3A_80] : memref<2564x2x128xi32, #tpu.memory_space<hbm>> -> memref<1x2x128xi32, #tpu.memory_space<hbm>>
    %dma_wait3A_82 = tpu.memref_squeeze %dma_wait3A_81 : memref<1x2x128xi32, #tpu.memory_space<hbm>> -> memref<2x128xi32, #tpu.memory_space<hbm>>
    %dma_wait3A_83 = arith.constant 0 : i32
    %dma_wait3A_84 = arith.constant 0 : i32
    %dma_wait3A_85 = tpu.memref_slice %arg7[%dma_wait3A_74, %dma_wait3A_83, %dma_wait3A_84] : memref<4x2x128xi32, #tpu.memory_space<vmem>> -> memref<1x2x128xi32, #tpu.memory_space<vmem>>
    %dma_wait3A_86 = tpu.memref_squeeze %dma_wait3A_85 : memref<1x2x128xi32, #tpu.memory_space<vmem>> -> memref<2x128xi32, #tpu.memory_space<vmem>>
    %dma_wait3A_87 = arith.constant 0 : i32
    %dma_wait3A_88 = arith.constant 0 : i32
    %dma_wait3A_89 = tpu.memref_slice %arg4[%dma_wait3A_73, %dma_wait3A_87, %dma_wait3A_88] : memref<2564x2x128xi32, #tpu.memory_space<hbm>> -> memref<1x2x128xi32, #tpu.memory_space<hbm>>
    %dma_wait3A_90 = tpu.memref_squeeze %dma_wait3A_89 : memref<1x2x128xi32, #tpu.memory_space<hbm>> -> memref<2x128xi32, #tpu.memory_space<hbm>>
    tpu.wait_dma2 semaphore(%arg12 : memref<!tpu.dma_semaphore, #tpu.memory_space<semaphore_mem>>) src(%dma_wait3A_90 : memref<2x128xi32, #tpu.memory_space<hbm>>) dst(%dma_wait3A_86 : memref<2x128xi32, #tpu.memory_space<vmem>>)
    %barrier3A_91 = arith.constant 0 : index
    tpu.barrier barrier_id(%barrier3A_91)
    "tpu.region"() ({
      %run_scoped3A = tpu.sem_alloc : memref<!tpu.dma_semaphore, #tpu.memory_space<semaphore_mem>>
      %dma_start3A_92 = arith.constant 0 : i32
      %dma_start3A_93 = tpu.memref_slice %arg6[%arg0, %mul3A_0, %dma_start3A_92] : memref<2x10112x32xf32, #tpu.memory_space<hbm>> -> memref<1x632x32xf32, #tpu.memory_space<hbm>>
      %dma_start3A_94 = tpu.memref_squeeze %dma_start3A_93 : memref<1x632x32xf32, #tpu.memory_space<hbm>> -> memref<632x32xf32, #tpu.memory_space<hbm>>
      %dma_start3A_95 = arith.constant 0 : i32
      %dma_start3A_96 = tpu.memref_slice %arg10[%mul3A_0, %dma_start3A_95] : memref<10112x32xf32, #tpu.memory_space<vmem_shared>> -> memref<632x32xf32, #tpu.memory_space<vmem_shared>>
      tpu.enqueue_dma source(%dma_start3A_96 : memref<632x32xf32, #tpu.memory_space<vmem_shared>>) target(%dma_start3A_94 : memref<632x32xf32, #tpu.memory_space<hbm>>) target_semaphore(%run_scoped3A : memref<!tpu.dma_semaphore, #tpu.memory_space<semaphore_mem>>)
      %dma_wait3A_97 = arith.constant 0 : i32
      %dma_wait3A_98 = tpu.memref_slice %arg6[%arg0, %mul3A_0, %dma_wait3A_97] : memref<2x10112x32xf32, #tpu.memory_space<hbm>> -> memref<1x632x32xf32, #tpu.memory_space<hbm>>
      %dma_wait3A_99 = tpu.memref_squeeze %dma_wait3A_98 : memref<1x632x32xf32, #tpu.memory_space<hbm>> -> memref<632x32xf32, #tpu.memory_space<hbm>>
      %dma_wait3A_100 = arith.constant 0 : i32
      %dma_wait3A_101 = tpu.memref_slice %arg10[%mul3A_0, %dma_wait3A_100] : memref<10112x32xf32, #tpu.memory_space<vmem_shared>> -> memref<632x32xf32, #tpu.memory_space<vmem_shared>>
      tpu.wait_dma2 semaphore(%run_scoped3A : memref<!tpu.dma_semaphore, #tpu.memory_space<semaphore_mem>>) src(%dma_wait3A_101 : memref<632x32xf32, #tpu.memory_space<vmem_shared>>) dst(%dma_wait3A_99 : memref<632x32xf32, #tpu.memory_space<hbm>>)
      tpu.yield
    }) : () -> ()
    return
  }
}

#map = affine_map<(d0, d1) -> (0, 0)>
#map1 = affine_map<(d0, d1) -> (0, 0, 0)>
module attributes {stable_mosaic.version = 14 : i64} {
  func.func @k(%arg0: i32, %arg1: i32, %arg2: memref<10000x64xf32, #tpu.memory_space<hbm>>, %arg3: memref<10000x64xf32, #tpu.memory_space<hbm>>, %arg4: memref<2564x2x128xi32, #tpu.memory_space<hbm>>, %arg5: memref<10112x64xf32, #tpu.memory_space<hbm>>, %arg6: memref<2x10112x64xf32, #tpu.memory_space<hbm>>, %arg7: memref<4x2x128xi32, #tpu.memory_space<vmem>>, %arg8: memref<128x64xf32, #tpu.memory_space<vmem>>, %arg9: memref<10112x64xf32, #tpu.memory_space<vmem_shared>>, %arg10: memref<10112x64xf32, #tpu.memory_space<vmem_shared>>, %arg11: memref<!tpu.dma_semaphore, #tpu.memory_space<semaphore_mem>>, %arg12: memref<!tpu.dma_semaphore, #tpu.memory_space<semaphore_mem>>, %arg13: memref<!tpu.dma_semaphore, #tpu.memory_space<semaphore_mem>>, %arg14: memref<!tpu.dma_semaphore, #tpu.memory_space<semaphore_mem>>) attributes {dimension_semantics = [#tpu.dimension_semantics<core_parallel>, #tpu.dimension_semantics<subcore_parallel>], iteration_bounds = array<i64: 2, 16>, scalar_prefetch = 0 : i64, scratch_operands = 8 : i64, tpu.core_type = #tpu.core_type<sc_vector_subcore>, window_params = [{transform_indices = #map}, {transform_indices = #map}, {transform_indices = #map1}, {transform_indices = #map}, {transform_indices = #map1}]} {
    %mul3A = arith.constant 632 : i32
    %mul3A_0 = arith.muli %arg1, %mul3A : i32
    %mul3A_1 = arith.constant 160 : i32
    %mul3A_2 = arith.muli %arg1, %mul3A_1 : i32
    "tpu.region"() ({
      %run_scoped3A = tpu.sem_alloc : memref<!tpu.dma_semaphore, #tpu.memory_space<semaphore_mem>>
      %dma_start3A_92 = arith.constant 0 : i32
      %dma_start3A_93 = tpu.memref_slice %arg10[%mul3A_0, %dma_start3A_92] : memref<10112x64xf32, #tpu.memory_space<vmem_shared>> -> memref<632x64xf32, #tpu.memory_space<vmem_shared>>
      %dma_start3A_94 = arith.constant 0 : i32
      %dma_start3A_95 = tpu.memref_slice %arg5[%mul3A_0, %dma_start3A_94] : memref<10112x64xf32, #tpu.memory_space<hbm>> -> memref<632x64xf32, #tpu.memory_space<hbm>>
      tpu.enqueue_dma source(%dma_start3A_95 : memref<632x64xf32, #tpu.memory_space<hbm>>) target(%dma_start3A_93 : memref<632x64xf32, #tpu.memory_space<vmem_shared>>) target_semaphore(%run_scoped3A : memref<!tpu.dma_semaphore, #tpu.memory_space<semaphore_mem>>)
      %dma_wait3A_96 = arith.constant 0 : i32
      %dma_wait3A_97 = tpu.memref_slice %arg10[%mul3A_0, %dma_wait3A_96] : memref<10112x64xf32, #tpu.memory_space<vmem_shared>> -> memref<632x64xf32, #tpu.memory_space<vmem_shared>>
      %dma_wait3A_98 = arith.constant 0 : i32
      %dma_wait3A_99 = tpu.memref_slice %arg5[%mul3A_0, %dma_wait3A_98] : memref<10112x64xf32, #tpu.memory_space<hbm>> -> memref<632x64xf32, #tpu.memory_space<hbm>>
      tpu.wait_dma2 semaphore(%run_scoped3A : memref<!tpu.dma_semaphore, #tpu.memory_space<semaphore_mem>>) src(%dma_wait3A_99 : memref<632x64xf32, #tpu.memory_space<hbm>>) dst(%dma_wait3A_97 : memref<632x64xf32, #tpu.memory_space<vmem_shared>>)
      tpu.yield
    }) : () -> ()
    %eq3A = arith.constant 0 : i32
    %eq3A_3 = arith.cmpi eq, %arg0, %eq3A : i32
    %convert_element_type3A = arith.extui %eq3A_3 : i1 to i32
    %cond3A = arith.constant 0 : i32
    %cond3A_4 = arith.cmpi ne, %convert_element_type3A, %cond3A : i32
    scf.if %cond3A_4 {
      %lt3A = arith.constant 15 : i32
      %lt3A_92 = arith.cmpi slt, %arg1, %lt3A : i32
      %convert_element_type3A_93 = arith.extui %lt3A_92 : i1 to i32
      %cond3A_94 = arith.constant 0 : i32
      %cond3A_95 = arith.cmpi ne, %convert_element_type3A_93, %cond3A_94 : i32
      scf.if %cond3A_95 {
        "tpu.region"() ({
          %run_scoped3A = tpu.sem_alloc : memref<!tpu.dma_semaphore, #tpu.memory_space<semaphore_mem>>
          %dma_start3A_101 = arith.constant 0 : i32
          %dma_start3A_102 = tpu.memref_slice %arg9[%mul3A_0, %dma_start3A_101] : memref<10112x64xf32, #tpu.memory_space<vmem_shared>> -> memref<632x64xf32, #tpu.memory_space<vmem_shared>>
          %dma_start3A_103 = arith.constant 0 : i32
          %dma_start3A_104 = tpu.memref_slice %arg2[%mul3A_0, %dma_start3A_103] : memref<10000x64xf32, #tpu.memory_space<hbm>> -> memref<632x64xf32, #tpu.memory_space<hbm>>
          tpu.enqueue_dma source(%dma_start3A_104 : memref<632x64xf32, #tpu.memory_space<hbm>>) target(%dma_start3A_102 : memref<632x64xf32, #tpu.memory_space<vmem_shared>>) target_semaphore(%run_scoped3A : memref<!tpu.dma_semaphore, #tpu.memory_space<semaphore_mem>>)
          %dma_wait3A_105 = arith.constant 0 : i32
          %dma_wait3A_106 = tpu.memref_slice %arg9[%mul3A_0, %dma_wait3A_105] : memref<10112x64xf32, #tpu.memory_space<vmem_shared>> -> memref<632x64xf32, #tpu.memory_space<vmem_shared>>
          %dma_wait3A_107 = arith.constant 0 : i32
          %dma_wait3A_108 = tpu.memref_slice %arg2[%mul3A_0, %dma_wait3A_107] : memref<10000x64xf32, #tpu.memory_space<hbm>> -> memref<632x64xf32, #tpu.memory_space<hbm>>
          tpu.wait_dma2 semaphore(%run_scoped3A : memref<!tpu.dma_semaphore, #tpu.memory_space<semaphore_mem>>) src(%dma_wait3A_108 : memref<632x64xf32, #tpu.memory_space<hbm>>) dst(%dma_wait3A_106 : memref<632x64xf32, #tpu.memory_space<vmem_shared>>)
          tpu.yield
        }) : () -> ()
      } else {
      }
      %eq3A_96 = arith.constant 15 : i32
      %eq3A_97 = arith.cmpi eq, %arg1, %eq3A_96 : i32
      %convert_element_type3A_98 = arith.extui %eq3A_97 : i1 to i32
      %cond3A_99 = arith.constant 0 : i32
      %cond3A_100 = arith.cmpi ne, %convert_element_type3A_98, %cond3A_99 : i32
      scf.if %cond3A_100 {
        "tpu.region"() ({
          %run_scoped3A = tpu.sem_alloc : memref<!tpu.dma_semaphore, #tpu.memory_space<semaphore_mem>>
          %dma_start3A_101 = arith.constant 0 : i32
          %dma_start3A_102 = tpu.memref_slice %arg9[%mul3A_0, %dma_start3A_101] : memref<10112x64xf32, #tpu.memory_space<vmem_shared>> -> memref<520x64xf32, #tpu.memory_space<vmem_shared>>
          %dma_start3A_103 = arith.constant 0 : i32
          %dma_start3A_104 = tpu.memref_slice %arg2[%mul3A_0, %dma_start3A_103] : memref<10000x64xf32, #tpu.memory_space<hbm>> -> memref<520x64xf32, #tpu.memory_space<hbm>>
          tpu.enqueue_dma source(%dma_start3A_104 : memref<520x64xf32, #tpu.memory_space<hbm>>) target(%dma_start3A_102 : memref<520x64xf32, #tpu.memory_space<vmem_shared>>) target_semaphore(%run_scoped3A : memref<!tpu.dma_semaphore, #tpu.memory_space<semaphore_mem>>)
          %dma_wait3A_105 = arith.constant 0 : i32
          %dma_wait3A_106 = tpu.memref_slice %arg9[%mul3A_0, %dma_wait3A_105] : memref<10112x64xf32, #tpu.memory_space<vmem_shared>> -> memref<520x64xf32, #tpu.memory_space<vmem_shared>>
          %dma_wait3A_107 = arith.constant 0 : i32
          %dma_wait3A_108 = tpu.memref_slice %arg2[%mul3A_0, %dma_wait3A_107] : memref<10000x64xf32, #tpu.memory_space<hbm>> -> memref<520x64xf32, #tpu.memory_space<hbm>>
          tpu.wait_dma2 semaphore(%run_scoped3A : memref<!tpu.dma_semaphore, #tpu.memory_space<semaphore_mem>>) src(%dma_wait3A_108 : memref<520x64xf32, #tpu.memory_space<hbm>>) dst(%dma_wait3A_106 : memref<520x64xf32, #tpu.memory_space<vmem_shared>>)
          tpu.yield
        }) : () -> ()
      } else {
      }
    } else {
    }
    %eq3A_5 = arith.constant 1 : i32
    %eq3A_6 = arith.cmpi eq, %arg0, %eq3A_5 : i32
    %convert_element_type3A_7 = arith.extui %eq3A_6 : i1 to i32
    %cond3A_8 = arith.constant 0 : i32
    %cond3A_9 = arith.cmpi ne, %convert_element_type3A_7, %cond3A_8 : i32
    scf.if %cond3A_9 {
      %lt3A = arith.constant 15 : i32
      %lt3A_92 = arith.cmpi slt, %arg1, %lt3A : i32
      %convert_element_type3A_93 = arith.extui %lt3A_92 : i1 to i32
      %cond3A_94 = arith.constant 0 : i32
      %cond3A_95 = arith.cmpi ne, %convert_element_type3A_93, %cond3A_94 : i32
      scf.if %cond3A_95 {
        "tpu.region"() ({
          %run_scoped3A = tpu.sem_alloc : memref<!tpu.dma_semaphore, #tpu.memory_space<semaphore_mem>>
          %dma_start3A_101 = arith.constant 0 : i32
          %dma_start3A_102 = tpu.memref_slice %arg9[%mul3A_0, %dma_start3A_101] : memref<10112x64xf32, #tpu.memory_space<vmem_shared>> -> memref<632x64xf32, #tpu.memory_space<vmem_shared>>
          %dma_start3A_103 = arith.constant 0 : i32
          %dma_start3A_104 = tpu.memref_slice %arg3[%mul3A_0, %dma_start3A_103] : memref<10000x64xf32, #tpu.memory_space<hbm>> -> memref<632x64xf32, #tpu.memory_space<hbm>>
          tpu.enqueue_dma source(%dma_start3A_104 : memref<632x64xf32, #tpu.memory_space<hbm>>) target(%dma_start3A_102 : memref<632x64xf32, #tpu.memory_space<vmem_shared>>) target_semaphore(%run_scoped3A : memref<!tpu.dma_semaphore, #tpu.memory_space<semaphore_mem>>)
          %dma_wait3A_105 = arith.constant 0 : i32
          %dma_wait3A_106 = tpu.memref_slice %arg9[%mul3A_0, %dma_wait3A_105] : memref<10112x64xf32, #tpu.memory_space<vmem_shared>> -> memref<632x64xf32, #tpu.memory_space<vmem_shared>>
          %dma_wait3A_107 = arith.constant 0 : i32
          %dma_wait3A_108 = tpu.memref_slice %arg3[%mul3A_0, %dma_wait3A_107] : memref<10000x64xf32, #tpu.memory_space<hbm>> -> memref<632x64xf32, #tpu.memory_space<hbm>>
          tpu.wait_dma2 semaphore(%run_scoped3A : memref<!tpu.dma_semaphore, #tpu.memory_space<semaphore_mem>>) src(%dma_wait3A_108 : memref<632x64xf32, #tpu.memory_space<hbm>>) dst(%dma_wait3A_106 : memref<632x64xf32, #tpu.memory_space<vmem_shared>>)
          tpu.yield
        }) : () -> ()
      } else {
      }
      %eq3A_96 = arith.constant 15 : i32
      %eq3A_97 = arith.cmpi eq, %arg1, %eq3A_96 : i32
      %convert_element_type3A_98 = arith.extui %eq3A_97 : i1 to i32
      %cond3A_99 = arith.constant 0 : i32
      %cond3A_100 = arith.cmpi ne, %convert_element_type3A_98, %cond3A_99 : i32
      scf.if %cond3A_100 {
        "tpu.region"() ({
          %run_scoped3A = tpu.sem_alloc : memref<!tpu.dma_semaphore, #tpu.memory_space<semaphore_mem>>
          %dma_start3A_101 = arith.constant 0 : i32
          %dma_start3A_102 = tpu.memref_slice %arg9[%mul3A_0, %dma_start3A_101] : memref<10112x64xf32, #tpu.memory_space<vmem_shared>> -> memref<520x64xf32, #tpu.memory_space<vmem_shared>>
          %dma_start3A_103 = arith.constant 0 : i32
          %dma_start3A_104 = tpu.memref_slice %arg3[%mul3A_0, %dma_start3A_103] : memref<10000x64xf32, #tpu.memory_space<hbm>> -> memref<520x64xf32, #tpu.memory_space<hbm>>
          tpu.enqueue_dma source(%dma_start3A_104 : memref<520x64xf32, #tpu.memory_space<hbm>>) target(%dma_start3A_102 : memref<520x64xf32, #tpu.memory_space<vmem_shared>>) target_semaphore(%run_scoped3A : memref<!tpu.dma_semaphore, #tpu.memory_space<semaphore_mem>>)
          %dma_wait3A_105 = arith.constant 0 : i32
          %dma_wait3A_106 = tpu.memref_slice %arg9[%mul3A_0, %dma_wait3A_105] : memref<10112x64xf32, #tpu.memory_space<vmem_shared>> -> memref<520x64xf32, #tpu.memory_space<vmem_shared>>
          %dma_wait3A_107 = arith.constant 0 : i32
          %dma_wait3A_108 = tpu.memref_slice %arg3[%mul3A_0, %dma_wait3A_107] : memref<10000x64xf32, #tpu.memory_space<hbm>> -> memref<520x64xf32, #tpu.memory_space<hbm>>
          tpu.wait_dma2 semaphore(%run_scoped3A : memref<!tpu.dma_semaphore, #tpu.memory_space<semaphore_mem>>) src(%dma_wait3A_108 : memref<520x64xf32, #tpu.memory_space<hbm>>) dst(%dma_wait3A_106 : memref<520x64xf32, #tpu.memory_space<vmem_shared>>)
          tpu.yield
        }) : () -> ()
      } else {
      }
    } else {
    }
    %barrier3A = arith.constant 0 : index
    tpu.barrier barrier_id(%barrier3A)
    %add3A = arith.constant 0 : i32
    %add3A_10 = arith.addi %mul3A_2, %add3A : i32
    %dma_start3A = arith.constant 0 : i32
    %dma_start3A_11 = arith.constant 0 : i32
    %dma_start3A_12 = arith.constant 0 : i32
    %dma_start3A_13 = tpu.memref_slice %arg7[%dma_start3A, %dma_start3A_11, %dma_start3A_12] : memref<4x2x128xi32, #tpu.memory_space<vmem>> -> memref<1x2x128xi32, #tpu.memory_space<vmem>>
    %dma_start3A_14 = tpu.memref_squeeze %dma_start3A_13 : memref<1x2x128xi32, #tpu.memory_space<vmem>> -> memref<2x128xi32, #tpu.memory_space<vmem>>
    %dma_start3A_15 = arith.constant 0 : i32
    %dma_start3A_16 = arith.constant 0 : i32
    %dma_start3A_17 = tpu.memref_slice %arg4[%add3A_10, %dma_start3A_15, %dma_start3A_16] : memref<2564x2x128xi32, #tpu.memory_space<hbm>> -> memref<1x2x128xi32, #tpu.memory_space<hbm>>
    %dma_start3A_18 = tpu.memref_squeeze %dma_start3A_17 : memref<1x2x128xi32, #tpu.memory_space<hbm>> -> memref<2x128xi32, #tpu.memory_space<hbm>>
    %dma_start3A_19 = arith.constant 0 : i32
    %dma_start3A_20 = arith.constant 0 : i32
    %dma_start3A_21 = tpu.memref_slice %arg7[%dma_start3A, %dma_start3A_19, %dma_start3A_20] : memref<4x2x128xi32, #tpu.memory_space<vmem>> -> memref<1x2x128xi32, #tpu.memory_space<vmem>>
    %dma_start3A_22 = tpu.memref_squeeze %dma_start3A_21 : memref<1x2x128xi32, #tpu.memory_space<vmem>> -> memref<2x128xi32, #tpu.memory_space<vmem>>
    %dma_start3A_23 = arith.constant 0 : i32
    %dma_start3A_24 = arith.constant 0 : i32
    %dma_start3A_25 = tpu.memref_slice %arg4[%add3A_10, %dma_start3A_23, %dma_start3A_24] : memref<2564x2x128xi32, #tpu.memory_space<hbm>> -> memref<1x2x128xi32, #tpu.memory_space<hbm>>
    %dma_start3A_26 = tpu.memref_squeeze %dma_start3A_25 : memref<1x2x128xi32, #tpu.memory_space<hbm>> -> memref<2x128xi32, #tpu.memory_space<hbm>>
    tpu.enqueue_dma source(%dma_start3A_26 : memref<2x128xi32, #tpu.memory_space<hbm>>) target(%dma_start3A_22 : memref<2x128xi32, #tpu.memory_space<vmem>>) target_semaphore(%arg11 : memref<!tpu.dma_semaphore, #tpu.memory_space<semaphore_mem>>)
    %add3A_27 = arith.constant 1 : i32
    %add3A_28 = arith.addi %mul3A_2, %add3A_27 : i32
    %dma_start3A_29 = arith.constant 1 : i32
    %dma_start3A_30 = arith.constant 0 : i32
    %dma_start3A_31 = arith.constant 0 : i32
    %dma_start3A_32 = tpu.memref_slice %arg7[%dma_start3A_29, %dma_start3A_30, %dma_start3A_31] : memref<4x2x128xi32, #tpu.memory_space<vmem>> -> memref<1x2x128xi32, #tpu.memory_space<vmem>>
    %dma_start3A_33 = tpu.memref_squeeze %dma_start3A_32 : memref<1x2x128xi32, #tpu.memory_space<vmem>> -> memref<2x128xi32, #tpu.memory_space<vmem>>
    %dma_start3A_34 = arith.constant 0 : i32
    %dma_start3A_35 = arith.constant 0 : i32
    %dma_start3A_36 = tpu.memref_slice %arg4[%add3A_28, %dma_start3A_34, %dma_start3A_35] : memref<2564x2x128xi32, #tpu.memory_space<hbm>> -> memref<1x2x128xi32, #tpu.memory_space<hbm>>
    %dma_start3A_37 = tpu.memref_squeeze %dma_start3A_36 : memref<1x2x128xi32, #tpu.memory_space<hbm>> -> memref<2x128xi32, #tpu.memory_space<hbm>>
    %dma_start3A_38 = arith.constant 0 : i32
    %dma_start3A_39 = arith.constant 0 : i32
    %dma_start3A_40 = tpu.memref_slice %arg7[%dma_start3A_29, %dma_start3A_38, %dma_start3A_39] : memref<4x2x128xi32, #tpu.memory_space<vmem>> -> memref<1x2x128xi32, #tpu.memory_space<vmem>>
    %dma_start3A_41 = tpu.memref_squeeze %dma_start3A_40 : memref<1x2x128xi32, #tpu.memory_space<vmem>> -> memref<2x128xi32, #tpu.memory_space<vmem>>
    %dma_start3A_42 = arith.constant 0 : i32
    %dma_start3A_43 = arith.constant 0 : i32
    %dma_start3A_44 = tpu.memref_slice %arg4[%add3A_28, %dma_start3A_42, %dma_start3A_43] : memref<2564x2x128xi32, #tpu.memory_space<hbm>> -> memref<1x2x128xi32, #tpu.memory_space<hbm>>
    %dma_start3A_45 = tpu.memref_squeeze %dma_start3A_44 : memref<1x2x128xi32, #tpu.memory_space<hbm>> -> memref<2x128xi32, #tpu.memory_space<hbm>>
    tpu.enqueue_dma source(%dma_start3A_45 : memref<2x128xi32, #tpu.memory_space<hbm>>) target(%dma_start3A_41 : memref<2x128xi32, #tpu.memory_space<vmem>>) target_semaphore(%arg12 : memref<!tpu.dma_semaphore, #tpu.memory_space<semaphore_mem>>)
    %while3A = arith.constant 0 : i32
    %while3A_46 = arith.constant 0 : i32
    %while3A_47 = arith.constant 40 : i32
    %while3A_48 = arith.subi %while3A_47, %while3A_46 : i32
    %while3A_49 = arith.addi %while3A_46, %while3A_48 : i32
    %while3A_50 = arith.constant 1 : i32
    %while3A_51 = arith.divsi %while3A_48, %while3A_50 : i32
    %while3A_52 = arith.muli %while3A_51, %while3A_50 : i32
    %while3A_53 = arith.addi %while3A_46, %while3A_52 : i32
    %while3A_54 = arith.constant 1 : i32
    scf.for %while3A_92 = %while3A_46 to %while3A_53 step %while3A_54  : i32 {
      %mul3A_93 = arith.constant 4 : i32
      %mul3A_94 = arith.muli %while3A_92, %mul3A_93 : i32
      %add3A_95 = arith.addi %mul3A_2, %mul3A_94 : i32
      %dma_wait3A_96 = arith.constant 0 : i32
      %dma_wait3A_97 = arith.constant 0 : i32
      %dma_wait3A_98 = arith.constant 0 : i32
      %dma_wait3A_99 = arith.constant 0 : i32
      %dma_wait3A_100 = tpu.memref_slice %arg7[%dma_wait3A_97, %dma_wait3A_98, %dma_wait3A_99] : memref<4x2x128xi32, #tpu.memory_space<vmem>> -> memref<1x2x128xi32, #tpu.memory_space<vmem>>
      %dma_wait3A_101 = tpu.memref_squeeze %dma_wait3A_100 : memref<1x2x128xi32, #tpu.memory_space<vmem>> -> memref<2x128xi32, #tpu.memory_space<vmem>>
      %dma_wait3A_102 = arith.constant 0 : i32
      %dma_wait3A_103 = arith.constant 0 : i32
      %dma_wait3A_104 = tpu.memref_slice %arg4[%dma_wait3A_96, %dma_wait3A_102, %dma_wait3A_103] : memref<2564x2x128xi32, #tpu.memory_space<hbm>> -> memref<1x2x128xi32, #tpu.memory_space<hbm>>
      %dma_wait3A_105 = tpu.memref_squeeze %dma_wait3A_104 : memref<1x2x128xi32, #tpu.memory_space<hbm>> -> memref<2x128xi32, #tpu.memory_space<hbm>>
      %dma_wait3A_106 = arith.constant 0 : i32
      %dma_wait3A_107 = arith.constant 0 : i32
      %dma_wait3A_108 = tpu.memref_slice %arg7[%dma_wait3A_97, %dma_wait3A_106, %dma_wait3A_107] : memref<4x2x128xi32, #tpu.memory_space<vmem>> -> memref<1x2x128xi32, #tpu.memory_space<vmem>>
      %dma_wait3A_109 = tpu.memref_squeeze %dma_wait3A_108 : memref<1x2x128xi32, #tpu.memory_space<vmem>> -> memref<2x128xi32, #tpu.memory_space<vmem>>
      %dma_wait3A_110 = arith.constant 0 : i32
      %dma_wait3A_111 = arith.constant 0 : i32
      %dma_wait3A_112 = tpu.memref_slice %arg4[%dma_wait3A_96, %dma_wait3A_110, %dma_wait3A_111] : memref<2564x2x128xi32, #tpu.memory_space<hbm>> -> memref<1x2x128xi32, #tpu.memory_space<hbm>>
      %dma_wait3A_113 = tpu.memref_squeeze %dma_wait3A_112 : memref<1x2x128xi32, #tpu.memory_space<hbm>> -> memref<2x128xi32, #tpu.memory_space<hbm>>
      tpu.wait_dma2 semaphore(%arg11 : memref<!tpu.dma_semaphore, #tpu.memory_space<semaphore_mem>>) src(%dma_wait3A_113 : memref<2x128xi32, #tpu.memory_space<hbm>>) dst(%dma_wait3A_109 : memref<2x128xi32, #tpu.memory_space<vmem>>)
      %run_scoped3A = arith.constant 0 : i32
      %run_scoped3A_114 = arith.constant 0 : i32
      "tpu.region"() ({
        %run_scoped3A_259 = tpu.sem_alloc : memref<!tpu.dma_semaphore, #tpu.memory_space<semaphore_mem>>
        %dma_start3A_260 = arith.constant 0 : i32
        %dma_start3A_261 = tpu.memref_slice %arg7[%run_scoped3A, %run_scoped3A_114, %dma_start3A_260] : memref<4x2x128xi32, #tpu.memory_space<vmem>> -> memref<1x1x128xi32, #tpu.memory_space<vmem>>
        %dma_start3A_262 = tpu.memref_squeeze %dma_start3A_261 : memref<1x1x128xi32, #tpu.memory_space<vmem>> -> memref<128xi32, #tpu.memory_space<vmem>>
        %dma_start3A_263 = arith.constant 0 : i32
        %dma_start3A_264 = arith.constant 0 : i32
        %dma_start3A_265 = tpu.memref_slice %arg9[%dma_start3A_263, %dma_start3A_264] : memref<10112x64xf32, #tpu.memory_space<vmem_shared>> -> memref<10112x64xf32, #tpu.memory_space<vmem_shared>>
        tpu.enqueue_indirect_dma source(%dma_start3A_265 : memref<10112x64xf32, #tpu.memory_space<vmem_shared>>) target(%arg8 : memref<128x64xf32, #tpu.memory_space<vmem>>) offsets(%dma_start3A_262 : memref<128xi32, #tpu.memory_space<vmem>>) semaphore(%run_scoped3A_259 : memref<!tpu.dma_semaphore, #tpu.memory_space<semaphore_mem>>)
        %dma_wait3A_266 = arith.constant 0 : i32
        %dma_wait3A_267 = tpu.memref_slice %arg7[%run_scoped3A, %run_scoped3A_114, %dma_wait3A_266] : memref<4x2x128xi32, #tpu.memory_space<vmem>> -> memref<1x1x128xi32, #tpu.memory_space<vmem>>
        %dma_wait3A_268 = tpu.memref_squeeze %dma_wait3A_267 : memref<1x1x128xi32, #tpu.memory_space<vmem>> -> memref<128xi32, #tpu.memory_space<vmem>>
        %dma_wait3A_269 = arith.constant 0 : i32
        %dma_wait3A_270 = arith.constant 0 : i32
        %dma_wait3A_271 = tpu.memref_slice %arg9[%dma_wait3A_269, %dma_wait3A_270] : memref<10112x64xf32, #tpu.memory_space<vmem_shared>> -> memref<10112x64xf32, #tpu.memory_space<vmem_shared>>
        tpu.wait_indirect_dma semaphore(%run_scoped3A_259 : memref<!tpu.dma_semaphore, #tpu.memory_space<semaphore_mem>>) src(%dma_wait3A_271 : memref<10112x64xf32, #tpu.memory_space<vmem_shared>>) dst(%arg8 : memref<128x64xf32, #tpu.memory_space<vmem>>)
        tpu.yield
      }) : () -> ()
      %run_scoped3A_115 = arith.constant 0 : i32
      %run_scoped3A_116 = arith.constant 1 : i32
      "tpu.region"() ({
        %run_scoped3A_259 = tpu.sem_alloc : memref<!tpu.dma_semaphore, #tpu.memory_space<semaphore_mem>>
        %dma_start3A_260 = arith.constant 0 : i32
        %dma_start3A_261 = tpu.memref_slice %arg7[%run_scoped3A_115, %run_scoped3A_116, %dma_start3A_260] : memref<4x2x128xi32, #tpu.memory_space<vmem>> -> memref<1x1x128xi32, #tpu.memory_space<vmem>>
        %dma_start3A_262 = tpu.memref_squeeze %dma_start3A_261 : memref<1x1x128xi32, #tpu.memory_space<vmem>> -> memref<128xi32, #tpu.memory_space<vmem>>
        %dma_start3A_263 = arith.constant 0 : i32
        %dma_start3A_264 = arith.constant 0 : i32
        %dma_start3A_265 = tpu.memref_slice %arg10[%dma_start3A_263, %dma_start3A_264] : memref<10112x64xf32, #tpu.memory_space<vmem_shared>> -> memref<10112x64xf32, #tpu.memory_space<vmem_shared>>
        tpu.enqueue_indirect_dma source(%arg8 : memref<128x64xf32, #tpu.memory_space<vmem>>) target(%dma_start3A_265 : memref<10112x64xf32, #tpu.memory_space<vmem_shared>>) offsets(%dma_start3A_262 : memref<128xi32, #tpu.memory_space<vmem>>) semaphore(%run_scoped3A_259 : memref<!tpu.dma_semaphore, #tpu.memory_space<semaphore_mem>>) {add = true}
        %dma_wait3A_266 = arith.constant 0 : i32
        %dma_wait3A_267 = tpu.memref_slice %arg7[%run_scoped3A_115, %run_scoped3A_116, %dma_wait3A_266] : memref<4x2x128xi32, #tpu.memory_space<vmem>> -> memref<1x1x128xi32, #tpu.memory_space<vmem>>
        %dma_wait3A_268 = tpu.memref_squeeze %dma_wait3A_267 : memref<1x1x128xi32, #tpu.memory_space<vmem>> -> memref<128xi32, #tpu.memory_space<vmem>>
        %dma_wait3A_269 = arith.constant 0 : i32
        %dma_wait3A_270 = arith.constant 0 : i32
        %dma_wait3A_271 = tpu.memref_slice %arg10[%dma_wait3A_269, %dma_wait3A_270] : memref<10112x64xf32, #tpu.memory_space<vmem_shared>> -> memref<10112x64xf32, #tpu.memory_space<vmem_shared>>
        tpu.wait_indirect_dma semaphore(%run_scoped3A_259 : memref<!tpu.dma_semaphore, #tpu.memory_space<semaphore_mem>>) src(%arg8 : memref<128x64xf32, #tpu.memory_space<vmem>>) dst(%dma_wait3A_271 : memref<10112x64xf32, #tpu.memory_space<vmem_shared>>)
        tpu.yield
      }) : () -> ()
      %add3A_117 = arith.constant 2 : i32
      %add3A_118 = arith.addi %add3A_95, %add3A_117 : i32
      %dma_start3A_119 = arith.constant 2 : i32
      %dma_start3A_120 = arith.constant 0 : i32
      %dma_start3A_121 = arith.constant 0 : i32
      %dma_start3A_122 = tpu.memref_slice %arg7[%dma_start3A_119, %dma_start3A_120, %dma_start3A_121] : memref<4x2x128xi32, #tpu.memory_space<vmem>> -> memref<1x2x128xi32, #tpu.memory_space<vmem>>
      %dma_start3A_123 = tpu.memref_squeeze %dma_start3A_122 : memref<1x2x128xi32, #tpu.memory_space<vmem>> -> memref<2x128xi32, #tpu.memory_space<vmem>>
      %dma_start3A_124 = arith.constant 0 : i32
      %dma_start3A_125 = arith.constant 0 : i32
      %dma_start3A_126 = tpu.memref_slice %arg4[%add3A_118, %dma_start3A_124, %dma_start3A_125] : memref<2564x2x128xi32, #tpu.memory_space<hbm>> -> memref<1x2x128xi32, #tpu.memory_space<hbm>>
      %dma_start3A_127 = tpu.memref_squeeze %dma_start3A_126 : memref<1x2x128xi32, #tpu.memory_space<hbm>> -> memref<2x128xi32, #tpu.memory_space<hbm>>
      %dma_start3A_128 = arith.constant 0 : i32
      %dma_start3A_129 = arith.constant 0 : i32
      %dma_start3A_130 = tpu.memref_slice %arg7[%dma_start3A_119, %dma_start3A_128, %dma_start3A_129] : memref<4x2x128xi32, #tpu.memory_space<vmem>> -> memref<1x2x128xi32, #tpu.memory_space<vmem>>
      %dma_start3A_131 = tpu.memref_squeeze %dma_start3A_130 : memref<1x2x128xi32, #tpu.memory_space<vmem>> -> memref<2x128xi32, #tpu.memory_space<vmem>>
      %dma_start3A_132 = arith.constant 0 : i32
      %dma_start3A_133 = arith.constant 0 : i32
      %dma_start3A_134 = tpu.memref_slice %arg4[%add3A_118, %dma_start3A_132, %dma_start3A_133] : memref<2564x2x128xi32, #tpu.memory_space<hbm>> -> memref<1x2x128xi32, #tpu.memory_space<hbm>>
      %dma_start3A_135 = tpu.memref_squeeze %dma_start3A_134 : memref<1x2x128xi32, #tpu.memory_space<hbm>> -> memref<2x128xi32, #tpu.memory_space<hbm>>
      tpu.enqueue_dma source(%dma_start3A_135 : memref<2x128xi32, #tpu.memory_space<hbm>>) target(%dma_start3A_131 : memref<2x128xi32, #tpu.memory_space<vmem>>) target_semaphore(%arg13 : memref<!tpu.dma_semaphore, #tpu.memory_space<semaphore_mem>>)
      %dma_wait3A_136 = arith.constant 0 : i32
      %dma_wait3A_137 = arith.constant 1 : i32
      %dma_wait3A_138 = arith.constant 0 : i32
      %dma_wait3A_139 = arith.constant 0 : i32
      %dma_wait3A_140 = tpu.memref_slice %arg7[%dma_wait3A_137, %dma_wait3A_138, %dma_wait3A_139] : memref<4x2x128xi32, #tpu.memory_space<vmem>> -> memref<1x2x128xi32, #tpu.memory_space<vmem>>
      %dma_wait3A_141 = tpu.memref_squeeze %dma_wait3A_140 : memref<1x2x128xi32, #tpu.memory_space<vmem>> -> memref<2x128xi32, #tpu.memory_space<vmem>>
      %dma_wait3A_142 = arith.constant 0 : i32
      %dma_wait3A_143 = arith.constant 0 : i32
      %dma_wait3A_144 = tpu.memref_slice %arg4[%dma_wait3A_136, %dma_wait3A_142, %dma_wait3A_143] : memref<2564x2x128xi32, #tpu.memory_space<hbm>> -> memref<1x2x128xi32, #tpu.memory_space<hbm>>
      %dma_wait3A_145 = tpu.memref_squeeze %dma_wait3A_144 : memref<1x2x128xi32, #tpu.memory_space<hbm>> -> memref<2x128xi32, #tpu.memory_space<hbm>>
      %dma_wait3A_146 = arith.constant 0 : i32
      %dma_wait3A_147 = arith.constant 0 : i32
      %dma_wait3A_148 = tpu.memref_slice %arg7[%dma_wait3A_137, %dma_wait3A_146, %dma_wait3A_147] : memref<4x2x128xi32, #tpu.memory_space<vmem>> -> memref<1x2x128xi32, #tpu.memory_space<vmem>>
      %dma_wait3A_149 = tpu.memref_squeeze %dma_wait3A_148 : memref<1x2x128xi32, #tpu.memory_space<vmem>> -> memref<2x128xi32, #tpu.memory_space<vmem>>
      %dma_wait3A_150 = arith.constant 0 : i32
      %dma_wait3A_151 = arith.constant 0 : i32
      %dma_wait3A_152 = tpu.memref_slice %arg4[%dma_wait3A_136, %dma_wait3A_150, %dma_wait3A_151] : memref<2564x2x128xi32, #tpu.memory_space<hbm>> -> memref<1x2x128xi32, #tpu.memory_space<hbm>>
      %dma_wait3A_153 = tpu.memref_squeeze %dma_wait3A_152 : memref<1x2x128xi32, #tpu.memory_space<hbm>> -> memref<2x128xi32, #tpu.memory_space<hbm>>
      tpu.wait_dma2 semaphore(%arg12 : memref<!tpu.dma_semaphore, #tpu.memory_space<semaphore_mem>>) src(%dma_wait3A_153 : memref<2x128xi32, #tpu.memory_space<hbm>>) dst(%dma_wait3A_149 : memref<2x128xi32, #tpu.memory_space<vmem>>)
      %run_scoped3A_154 = arith.constant 1 : i32
      %run_scoped3A_155 = arith.constant 0 : i32
      "tpu.region"() ({
        %run_scoped3A_259 = tpu.sem_alloc : memref<!tpu.dma_semaphore, #tpu.memory_space<semaphore_mem>>
        %dma_start3A_260 = arith.constant 0 : i32
        %dma_start3A_261 = tpu.memref_slice %arg7[%run_scoped3A_154, %run_scoped3A_155, %dma_start3A_260] : memref<4x2x128xi32, #tpu.memory_space<vmem>> -> memref<1x1x128xi32, #tpu.memory_space<vmem>>
        %dma_start3A_262 = tpu.memref_squeeze %dma_start3A_261 : memref<1x1x128xi32, #tpu.memory_space<vmem>> -> memref<128xi32, #tpu.memory_space<vmem>>
        %dma_start3A_263 = arith.constant 0 : i32
        %dma_start3A_264 = arith.constant 0 : i32
        %dma_start3A_265 = tpu.memref_slice %arg9[%dma_start3A_263, %dma_start3A_264] : memref<10112x64xf32, #tpu.memory_space<vmem_shared>> -> memref<10112x64xf32, #tpu.memory_space<vmem_shared>>
        tpu.enqueue_indirect_dma source(%dma_start3A_265 : memref<10112x64xf32, #tpu.memory_space<vmem_shared>>) target(%arg8 : memref<128x64xf32, #tpu.memory_space<vmem>>) offsets(%dma_start3A_262 : memref<128xi32, #tpu.memory_space<vmem>>) semaphore(%run_scoped3A_259 : memref<!tpu.dma_semaphore, #tpu.memory_space<semaphore_mem>>)
        %dma_wait3A_266 = arith.constant 0 : i32
        %dma_wait3A_267 = tpu.memref_slice %arg7[%run_scoped3A_154, %run_scoped3A_155, %dma_wait3A_266] : memref<4x2x128xi32, #tpu.memory_space<vmem>> -> memref<1x1x128xi32, #tpu.memory_space<vmem>>
        %dma_wait3A_268 = tpu.memref_squeeze %dma_wait3A_267 : memref<1x1x128xi32, #tpu.memory_space<vmem>> -> memref<128xi32, #tpu.memory_space<vmem>>
        %dma_wait3A_269 = arith.constant 0 : i32
        %dma_wait3A_270 = arith.constant 0 : i32
        %dma_wait3A_271 = tpu.memref_slice %arg9[%dma_wait3A_269, %dma_wait3A_270] : memref<10112x64xf32, #tpu.memory_space<vmem_shared>> -> memref<10112x64xf32, #tpu.memory_space<vmem_shared>>
        tpu.wait_indirect_dma semaphore(%run_scoped3A_259 : memref<!tpu.dma_semaphore, #tpu.memory_space<semaphore_mem>>) src(%dma_wait3A_271 : memref<10112x64xf32, #tpu.memory_space<vmem_shared>>) dst(%arg8 : memref<128x64xf32, #tpu.memory_space<vmem>>)
        tpu.yield
      }) : () -> ()
      %run_scoped3A_156 = arith.constant 1 : i32
      %run_scoped3A_157 = arith.constant 1 : i32
      "tpu.region"() ({
        %run_scoped3A_259 = tpu.sem_alloc : memref<!tpu.dma_semaphore, #tpu.memory_space<semaphore_mem>>
        %dma_start3A_260 = arith.constant 0 : i32
        %dma_start3A_261 = tpu.memref_slice %arg7[%run_scoped3A_156, %run_scoped3A_157, %dma_start3A_260] : memref<4x2x128xi32, #tpu.memory_space<vmem>> -> memref<1x1x128xi32, #tpu.memory_space<vmem>>
        %dma_start3A_262 = tpu.memref_squeeze %dma_start3A_261 : memref<1x1x128xi32, #tpu.memory_space<vmem>> -> memref<128xi32, #tpu.memory_space<vmem>>
        %dma_start3A_263 = arith.constant 0 : i32
        %dma_start3A_264 = arith.constant 0 : i32
        %dma_start3A_265 = tpu.memref_slice %arg10[%dma_start3A_263, %dma_start3A_264] : memref<10112x64xf32, #tpu.memory_space<vmem_shared>> -> memref<10112x64xf32, #tpu.memory_space<vmem_shared>>
        tpu.enqueue_indirect_dma source(%arg8 : memref<128x64xf32, #tpu.memory_space<vmem>>) target(%dma_start3A_265 : memref<10112x64xf32, #tpu.memory_space<vmem_shared>>) offsets(%dma_start3A_262 : memref<128xi32, #tpu.memory_space<vmem>>) semaphore(%run_scoped3A_259 : memref<!tpu.dma_semaphore, #tpu.memory_space<semaphore_mem>>) {add = true}
        %dma_wait3A_266 = arith.constant 0 : i32
        %dma_wait3A_267 = tpu.memref_slice %arg7[%run_scoped3A_156, %run_scoped3A_157, %dma_wait3A_266] : memref<4x2x128xi32, #tpu.memory_space<vmem>> -> memref<1x1x128xi32, #tpu.memory_space<vmem>>
        %dma_wait3A_268 = tpu.memref_squeeze %dma_wait3A_267 : memref<1x1x128xi32, #tpu.memory_space<vmem>> -> memref<128xi32, #tpu.memory_space<vmem>>
        %dma_wait3A_269 = arith.constant 0 : i32
        %dma_wait3A_270 = arith.constant 0 : i32
        %dma_wait3A_271 = tpu.memref_slice %arg10[%dma_wait3A_269, %dma_wait3A_270] : memref<10112x64xf32, #tpu.memory_space<vmem_shared>> -> memref<10112x64xf32, #tpu.memory_space<vmem_shared>>
        tpu.wait_indirect_dma semaphore(%run_scoped3A_259 : memref<!tpu.dma_semaphore, #tpu.memory_space<semaphore_mem>>) src(%arg8 : memref<128x64xf32, #tpu.memory_space<vmem>>) dst(%dma_wait3A_271 : memref<10112x64xf32, #tpu.memory_space<vmem_shared>>)
        tpu.yield
      }) : () -> ()
      %add3A_158 = arith.constant 3 : i32
      %add3A_159 = arith.addi %add3A_95, %add3A_158 : i32
      %dma_start3A_160 = arith.constant 3 : i32
      %dma_start3A_161 = arith.constant 0 : i32
      %dma_start3A_162 = arith.constant 0 : i32
      %dma_start3A_163 = tpu.memref_slice %arg7[%dma_start3A_160, %dma_start3A_161, %dma_start3A_162] : memref<4x2x128xi32, #tpu.memory_space<vmem>> -> memref<1x2x128xi32, #tpu.memory_space<vmem>>
      %dma_start3A_164 = tpu.memref_squeeze %dma_start3A_163 : memref<1x2x128xi32, #tpu.memory_space<vmem>> -> memref<2x128xi32, #tpu.memory_space<vmem>>
      %dma_start3A_165 = arith.constant 0 : i32
      %dma_start3A_166 = arith.constant 0 : i32
      %dma_start3A_167 = tpu.memref_slice %arg4[%add3A_159, %dma_start3A_165, %dma_start3A_166] : memref<2564x2x128xi32, #tpu.memory_space<hbm>> -> memref<1x2x128xi32, #tpu.memory_space<hbm>>
      %dma_start3A_168 = tpu.memref_squeeze %dma_start3A_167 : memref<1x2x128xi32, #tpu.memory_space<hbm>> -> memref<2x128xi32, #tpu.memory_space<hbm>>
      %dma_start3A_169 = arith.constant 0 : i32
      %dma_start3A_170 = arith.constant 0 : i32
      %dma_start3A_171 = tpu.memref_slice %arg7[%dma_start3A_160, %dma_start3A_169, %dma_start3A_170] : memref<4x2x128xi32, #tpu.memory_space<vmem>> -> memref<1x2x128xi32, #tpu.memory_space<vmem>>
      %dma_start3A_172 = tpu.memref_squeeze %dma_start3A_171 : memref<1x2x128xi32, #tpu.memory_space<vmem>> -> memref<2x128xi32, #tpu.memory_space<vmem>>
      %dma_start3A_173 = arith.constant 0 : i32
      %dma_start3A_174 = arith.constant 0 : i32
      %dma_start3A_175 = tpu.memref_slice %arg4[%add3A_159, %dma_start3A_173, %dma_start3A_174] : memref<2564x2x128xi32, #tpu.memory_space<hbm>> -> memref<1x2x128xi32, #tpu.memory_space<hbm>>
      %dma_start3A_176 = tpu.memref_squeeze %dma_start3A_175 : memref<1x2x128xi32, #tpu.memory_space<hbm>> -> memref<2x128xi32, #tpu.memory_space<hbm>>
      tpu.enqueue_dma source(%dma_start3A_176 : memref<2x128xi32, #tpu.memory_space<hbm>>) target(%dma_start3A_172 : memref<2x128xi32, #tpu.memory_space<vmem>>) target_semaphore(%arg14 : memref<!tpu.dma_semaphore, #tpu.memory_space<semaphore_mem>>)
      %dma_wait3A_177 = arith.constant 0 : i32
      %dma_wait3A_178 = arith.constant 2 : i32
      %dma_wait3A_179 = arith.constant 0 : i32
      %dma_wait3A_180 = arith.constant 0 : i32
      %dma_wait3A_181 = tpu.memref_slice %arg7[%dma_wait3A_178, %dma_wait3A_179, %dma_wait3A_180] : memref<4x2x128xi32, #tpu.memory_space<vmem>> -> memref<1x2x128xi32, #tpu.memory_space<vmem>>
      %dma_wait3A_182 = tpu.memref_squeeze %dma_wait3A_181 : memref<1x2x128xi32, #tpu.memory_space<vmem>> -> memref<2x128xi32, #tpu.memory_space<vmem>>
      %dma_wait3A_183 = arith.constant 0 : i32
      %dma_wait3A_184 = arith.constant 0 : i32
      %dma_wait3A_185 = tpu.memref_slice %arg4[%dma_wait3A_177, %dma_wait3A_183, %dma_wait3A_184] : memref<2564x2x128xi32, #tpu.memory_space<hbm>> -> memref<1x2x128xi32, #tpu.memory_space<hbm>>
      %dma_wait3A_186 = tpu.memref_squeeze %dma_wait3A_185 : memref<1x2x128xi32, #tpu.memory_space<hbm>> -> memref<2x128xi32, #tpu.memory_space<hbm>>
      %dma_wait3A_187 = arith.constant 0 : i32
      %dma_wait3A_188 = arith.constant 0 : i32
      %dma_wait3A_189 = tpu.memref_slice %arg7[%dma_wait3A_178, %dma_wait3A_187, %dma_wait3A_188] : memref<4x2x128xi32, #tpu.memory_space<vmem>> -> memref<1x2x128xi32, #tpu.memory_space<vmem>>
      %dma_wait3A_190 = tpu.memref_squeeze %dma_wait3A_189 : memref<1x2x128xi32, #tpu.memory_space<vmem>> -> memref<2x128xi32, #tpu.memory_space<vmem>>
      %dma_wait3A_191 = arith.constant 0 : i32
      %dma_wait3A_192 = arith.constant 0 : i32
      %dma_wait3A_193 = tpu.memref_slice %arg4[%dma_wait3A_177, %dma_wait3A_191, %dma_wait3A_192] : memref<2564x2x128xi32, #tpu.memory_space<hbm>> -> memref<1x2x128xi32, #tpu.memory_space<hbm>>
      %dma_wait3A_194 = tpu.memref_squeeze %dma_wait3A_193 : memref<1x2x128xi32, #tpu.memory_space<hbm>> -> memref<2x128xi32, #tpu.memory_space<hbm>>
      tpu.wait_dma2 semaphore(%arg13 : memref<!tpu.dma_semaphore, #tpu.memory_space<semaphore_mem>>) src(%dma_wait3A_194 : memref<2x128xi32, #tpu.memory_space<hbm>>) dst(%dma_wait3A_190 : memref<2x128xi32, #tpu.memory_space<vmem>>)
      %run_scoped3A_195 = arith.constant 2 : i32
      %run_scoped3A_196 = arith.constant 0 : i32
      "tpu.region"() ({
        %run_scoped3A_259 = tpu.sem_alloc : memref<!tpu.dma_semaphore, #tpu.memory_space<semaphore_mem>>
        %dma_start3A_260 = arith.constant 0 : i32
        %dma_start3A_261 = tpu.memref_slice %arg7[%run_scoped3A_195, %run_scoped3A_196, %dma_start3A_260] : memref<4x2x128xi32, #tpu.memory_space<vmem>> -> memref<1x1x128xi32, #tpu.memory_space<vmem>>
        %dma_start3A_262 = tpu.memref_squeeze %dma_start3A_261 : memref<1x1x128xi32, #tpu.memory_space<vmem>> -> memref<128xi32, #tpu.memory_space<vmem>>
        %dma_start3A_263 = arith.constant 0 : i32
        %dma_start3A_264 = arith.constant 0 : i32
        %dma_start3A_265 = tpu.memref_slice %arg9[%dma_start3A_263, %dma_start3A_264] : memref<10112x64xf32, #tpu.memory_space<vmem_shared>> -> memref<10112x64xf32, #tpu.memory_space<vmem_shared>>
        tpu.enqueue_indirect_dma source(%dma_start3A_265 : memref<10112x64xf32, #tpu.memory_space<vmem_shared>>) target(%arg8 : memref<128x64xf32, #tpu.memory_space<vmem>>) offsets(%dma_start3A_262 : memref<128xi32, #tpu.memory_space<vmem>>) semaphore(%run_scoped3A_259 : memref<!tpu.dma_semaphore, #tpu.memory_space<semaphore_mem>>)
        %dma_wait3A_266 = arith.constant 0 : i32
        %dma_wait3A_267 = tpu.memref_slice %arg7[%run_scoped3A_195, %run_scoped3A_196, %dma_wait3A_266] : memref<4x2x128xi32, #tpu.memory_space<vmem>> -> memref<1x1x128xi32, #tpu.memory_space<vmem>>
        %dma_wait3A_268 = tpu.memref_squeeze %dma_wait3A_267 : memref<1x1x128xi32, #tpu.memory_space<vmem>> -> memref<128xi32, #tpu.memory_space<vmem>>
        %dma_wait3A_269 = arith.constant 0 : i32
        %dma_wait3A_270 = arith.constant 0 : i32
        %dma_wait3A_271 = tpu.memref_slice %arg9[%dma_wait3A_269, %dma_wait3A_270] : memref<10112x64xf32, #tpu.memory_space<vmem_shared>> -> memref<10112x64xf32, #tpu.memory_space<vmem_shared>>
        tpu.wait_indirect_dma semaphore(%run_scoped3A_259 : memref<!tpu.dma_semaphore, #tpu.memory_space<semaphore_mem>>) src(%dma_wait3A_271 : memref<10112x64xf32, #tpu.memory_space<vmem_shared>>) dst(%arg8 : memref<128x64xf32, #tpu.memory_space<vmem>>)
        tpu.yield
      }) : () -> ()
      %run_scoped3A_197 = arith.constant 2 : i32
      %run_scoped3A_198 = arith.constant 1 : i32
      "tpu.region"() ({
        %run_scoped3A_259 = tpu.sem_alloc : memref<!tpu.dma_semaphore, #tpu.memory_space<semaphore_mem>>
        %dma_start3A_260 = arith.constant 0 : i32
        %dma_start3A_261 = tpu.memref_slice %arg7[%run_scoped3A_197, %run_scoped3A_198, %dma_start3A_260] : memref<4x2x128xi32, #tpu.memory_space<vmem>> -> memref<1x1x128xi32, #tpu.memory_space<vmem>>
        %dma_start3A_262 = tpu.memref_squeeze %dma_start3A_261 : memref<1x1x128xi32, #tpu.memory_space<vmem>> -> memref<128xi32, #tpu.memory_space<vmem>>
        %dma_start3A_263 = arith.constant 0 : i32
        %dma_start3A_264 = arith.constant 0 : i32
        %dma_start3A_265 = tpu.memref_slice %arg10[%dma_start3A_263, %dma_start3A_264] : memref<10112x64xf32, #tpu.memory_space<vmem_shared>> -> memref<10112x64xf32, #tpu.memory_space<vmem_shared>>
        tpu.enqueue_indirect_dma source(%arg8 : memref<128x64xf32, #tpu.memory_space<vmem>>) target(%dma_start3A_265 : memref<10112x64xf32, #tpu.memory_space<vmem_shared>>) offsets(%dma_start3A_262 : memref<128xi32, #tpu.memory_space<vmem>>) semaphore(%run_scoped3A_259 : memref<!tpu.dma_semaphore, #tpu.memory_space<semaphore_mem>>) {add = true}
        %dma_wait3A_266 = arith.constant 0 : i32
        %dma_wait3A_267 = tpu.memref_slice %arg7[%run_scoped3A_197, %run_scoped3A_198, %dma_wait3A_266] : memref<4x2x128xi32, #tpu.memory_space<vmem>> -> memref<1x1x128xi32, #tpu.memory_space<vmem>>
        %dma_wait3A_268 = tpu.memref_squeeze %dma_wait3A_267 : memref<1x1x128xi32, #tpu.memory_space<vmem>> -> memref<128xi32, #tpu.memory_space<vmem>>
        %dma_wait3A_269 = arith.constant 0 : i32
        %dma_wait3A_270 = arith.constant 0 : i32
        %dma_wait3A_271 = tpu.memref_slice %arg10[%dma_wait3A_269, %dma_wait3A_270] : memref<10112x64xf32, #tpu.memory_space<vmem_shared>> -> memref<10112x64xf32, #tpu.memory_space<vmem_shared>>
        tpu.wait_indirect_dma semaphore(%run_scoped3A_259 : memref<!tpu.dma_semaphore, #tpu.memory_space<semaphore_mem>>) src(%arg8 : memref<128x64xf32, #tpu.memory_space<vmem>>) dst(%dma_wait3A_271 : memref<10112x64xf32, #tpu.memory_space<vmem_shared>>)
        tpu.yield
      }) : () -> ()
      %add3A_199 = arith.constant 4 : i32
      %add3A_200 = arith.addi %add3A_95, %add3A_199 : i32
      %dma_start3A_201 = arith.constant 0 : i32
      %dma_start3A_202 = arith.constant 0 : i32
      %dma_start3A_203 = arith.constant 0 : i32
      %dma_start3A_204 = tpu.memref_slice %arg7[%dma_start3A_201, %dma_start3A_202, %dma_start3A_203] : memref<4x2x128xi32, #tpu.memory_space<vmem>> -> memref<1x2x128xi32, #tpu.memory_space<vmem>>
      %dma_start3A_205 = tpu.memref_squeeze %dma_start3A_204 : memref<1x2x128xi32, #tpu.memory_space<vmem>> -> memref<2x128xi32, #tpu.memory_space<vmem>>
      %dma_start3A_206 = arith.constant 0 : i32
      %dma_start3A_207 = arith.constant 0 : i32
      %dma_start3A_208 = tpu.memref_slice %arg4[%add3A_200, %dma_start3A_206, %dma_start3A_207] : memref<2564x2x128xi32, #tpu.memory_space<hbm>> -> memref<1x2x128xi32, #tpu.memory_space<hbm>>
      %dma_start3A_209 = tpu.memref_squeeze %dma_start3A_208 : memref<1x2x128xi32, #tpu.memory_space<hbm>> -> memref<2x128xi32, #tpu.memory_space<hbm>>
      %dma_start3A_210 = arith.constant 0 : i32
      %dma_start3A_211 = arith.constant 0 : i32
      %dma_start3A_212 = tpu.memref_slice %arg7[%dma_start3A_201, %dma_start3A_210, %dma_start3A_211] : memref<4x2x128xi32, #tpu.memory_space<vmem>> -> memref<1x2x128xi32, #tpu.memory_space<vmem>>
      %dma_start3A_213 = tpu.memref_squeeze %dma_start3A_212 : memref<1x2x128xi32, #tpu.memory_space<vmem>> -> memref<2x128xi32, #tpu.memory_space<vmem>>
      %dma_start3A_214 = arith.constant 0 : i32
      %dma_start3A_215 = arith.constant 0 : i32
      %dma_start3A_216 = tpu.memref_slice %arg4[%add3A_200, %dma_start3A_214, %dma_start3A_215] : memref<2564x2x128xi32, #tpu.memory_space<hbm>> -> memref<1x2x128xi32, #tpu.memory_space<hbm>>
      %dma_start3A_217 = tpu.memref_squeeze %dma_start3A_216 : memref<1x2x128xi32, #tpu.memory_space<hbm>> -> memref<2x128xi32, #tpu.memory_space<hbm>>
      tpu.enqueue_dma source(%dma_start3A_217 : memref<2x128xi32, #tpu.memory_space<hbm>>) target(%dma_start3A_213 : memref<2x128xi32, #tpu.memory_space<vmem>>) target_semaphore(%arg11 : memref<!tpu.dma_semaphore, #tpu.memory_space<semaphore_mem>>)
      %dma_wait3A_218 = arith.constant 0 : i32
      %dma_wait3A_219 = arith.constant 3 : i32
      %dma_wait3A_220 = arith.constant 0 : i32
      %dma_wait3A_221 = arith.constant 0 : i32
      %dma_wait3A_222 = tpu.memref_slice %arg7[%dma_wait3A_219, %dma_wait3A_220, %dma_wait3A_221] : memref<4x2x128xi32, #tpu.memory_space<vmem>> -> memref<1x2x128xi32, #tpu.memory_space<vmem>>
      %dma_wait3A_223 = tpu.memref_squeeze %dma_wait3A_222 : memref<1x2x128xi32, #tpu.memory_space<vmem>> -> memref<2x128xi32, #tpu.memory_space<vmem>>
      %dma_wait3A_224 = arith.constant 0 : i32
      %dma_wait3A_225 = arith.constant 0 : i32
      %dma_wait3A_226 = tpu.memref_slice %arg4[%dma_wait3A_218, %dma_wait3A_224, %dma_wait3A_225] : memref<2564x2x128xi32, #tpu.memory_space<hbm>> -> memref<1x2x128xi32, #tpu.memory_space<hbm>>
      %dma_wait3A_227 = tpu.memref_squeeze %dma_wait3A_226 : memref<1x2x128xi32, #tpu.memory_space<hbm>> -> memref<2x128xi32, #tpu.memory_space<hbm>>
      %dma_wait3A_228 = arith.constant 0 : i32
      %dma_wait3A_229 = arith.constant 0 : i32
      %dma_wait3A_230 = tpu.memref_slice %arg7[%dma_wait3A_219, %dma_wait3A_228, %dma_wait3A_229] : memref<4x2x128xi32, #tpu.memory_space<vmem>> -> memref<1x2x128xi32, #tpu.memory_space<vmem>>
      %dma_wait3A_231 = tpu.memref_squeeze %dma_wait3A_230 : memref<1x2x128xi32, #tpu.memory_space<vmem>> -> memref<2x128xi32, #tpu.memory_space<vmem>>
      %dma_wait3A_232 = arith.constant 0 : i32
      %dma_wait3A_233 = arith.constant 0 : i32
      %dma_wait3A_234 = tpu.memref_slice %arg4[%dma_wait3A_218, %dma_wait3A_232, %dma_wait3A_233] : memref<2564x2x128xi32, #tpu.memory_space<hbm>> -> memref<1x2x128xi32, #tpu.memory_space<hbm>>
      %dma_wait3A_235 = tpu.memref_squeeze %dma_wait3A_234 : memref<1x2x128xi32, #tpu.memory_space<hbm>> -> memref<2x128xi32, #tpu.memory_space<hbm>>
      tpu.wait_dma2 semaphore(%arg14 : memref<!tpu.dma_semaphore, #tpu.memory_space<semaphore_mem>>) src(%dma_wait3A_235 : memref<2x128xi32, #tpu.memory_space<hbm>>) dst(%dma_wait3A_231 : memref<2x128xi32, #tpu.memory_space<vmem>>)
      %run_scoped3A_236 = arith.constant 3 : i32
      %run_scoped3A_237 = arith.constant 0 : i32
      "tpu.region"() ({
        %run_scoped3A_259 = tpu.sem_alloc : memref<!tpu.dma_semaphore, #tpu.memory_space<semaphore_mem>>
        %dma_start3A_260 = arith.constant 0 : i32
        %dma_start3A_261 = tpu.memref_slice %arg7[%run_scoped3A_236, %run_scoped3A_237, %dma_start3A_260] : memref<4x2x128xi32, #tpu.memory_space<vmem>> -> memref<1x1x128xi32, #tpu.memory_space<vmem>>
        %dma_start3A_262 = tpu.memref_squeeze %dma_start3A_261 : memref<1x1x128xi32, #tpu.memory_space<vmem>> -> memref<128xi32, #tpu.memory_space<vmem>>
        %dma_start3A_263 = arith.constant 0 : i32
        %dma_start3A_264 = arith.constant 0 : i32
        %dma_start3A_265 = tpu.memref_slice %arg9[%dma_start3A_263, %dma_start3A_264] : memref<10112x64xf32, #tpu.memory_space<vmem_shared>> -> memref<10112x64xf32, #tpu.memory_space<vmem_shared>>
        tpu.enqueue_indirect_dma source(%dma_start3A_265 : memref<10112x64xf32, #tpu.memory_space<vmem_shared>>) target(%arg8 : memref<128x64xf32, #tpu.memory_space<vmem>>) offsets(%dma_start3A_262 : memref<128xi32, #tpu.memory_space<vmem>>) semaphore(%run_scoped3A_259 : memref<!tpu.dma_semaphore, #tpu.memory_space<semaphore_mem>>)
        %dma_wait3A_266 = arith.constant 0 : i32
        %dma_wait3A_267 = tpu.memref_slice %arg7[%run_scoped3A_236, %run_scoped3A_237, %dma_wait3A_266] : memref<4x2x128xi32, #tpu.memory_space<vmem>> -> memref<1x1x128xi32, #tpu.memory_space<vmem>>
        %dma_wait3A_268 = tpu.memref_squeeze %dma_wait3A_267 : memref<1x1x128xi32, #tpu.memory_space<vmem>> -> memref<128xi32, #tpu.memory_space<vmem>>
        %dma_wait3A_269 = arith.constant 0 : i32
        %dma_wait3A_270 = arith.constant 0 : i32
        %dma_wait3A_271 = tpu.memref_slice %arg9[%dma_wait3A_269, %dma_wait3A_270] : memref<10112x64xf32, #tpu.memory_space<vmem_shared>> -> memref<10112x64xf32, #tpu.memory_space<vmem_shared>>
        tpu.wait_indirect_dma semaphore(%run_scoped3A_259 : memref<!tpu.dma_semaphore, #tpu.memory_space<semaphore_mem>>) src(%dma_wait3A_271 : memref<10112x64xf32, #tpu.memory_space<vmem_shared>>) dst(%arg8 : memref<128x64xf32, #tpu.memory_space<vmem>>)
        tpu.yield
      }) : () -> ()
      %run_scoped3A_238 = arith.constant 3 : i32
      %run_scoped3A_239 = arith.constant 1 : i32
      "tpu.region"() ({
        %run_scoped3A_259 = tpu.sem_alloc : memref<!tpu.dma_semaphore, #tpu.memory_space<semaphore_mem>>
        %dma_start3A_260 = arith.constant 0 : i32
        %dma_start3A_261 = tpu.memref_slice %arg7[%run_scoped3A_238, %run_scoped3A_239, %dma_start3A_260] : memref<4x2x128xi32, #tpu.memory_space<vmem>> -> memref<1x1x128xi32, #tpu.memory_space<vmem>>
        %dma_start3A_262 = tpu.memref_squeeze %dma_start3A_261 : memref<1x1x128xi32, #tpu.memory_space<vmem>> -> memref<128xi32, #tpu.memory_space<vmem>>
        %dma_start3A_263 = arith.constant 0 : i32
        %dma_start3A_264 = arith.constant 0 : i32
        %dma_start3A_265 = tpu.memref_slice %arg10[%dma_start3A_263, %dma_start3A_264] : memref<10112x64xf32, #tpu.memory_space<vmem_shared>> -> memref<10112x64xf32, #tpu.memory_space<vmem_shared>>
        tpu.enqueue_indirect_dma source(%arg8 : memref<128x64xf32, #tpu.memory_space<vmem>>) target(%dma_start3A_265 : memref<10112x64xf32, #tpu.memory_space<vmem_shared>>) offsets(%dma_start3A_262 : memref<128xi32, #tpu.memory_space<vmem>>) semaphore(%run_scoped3A_259 : memref<!tpu.dma_semaphore, #tpu.memory_space<semaphore_mem>>) {add = true}
        %dma_wait3A_266 = arith.constant 0 : i32
        %dma_wait3A_267 = tpu.memref_slice %arg7[%run_scoped3A_238, %run_scoped3A_239, %dma_wait3A_266] : memref<4x2x128xi32, #tpu.memory_space<vmem>> -> memref<1x1x128xi32, #tpu.memory_space<vmem>>
        %dma_wait3A_268 = tpu.memref_squeeze %dma_wait3A_267 : memref<1x1x128xi32, #tpu.memory_space<vmem>> -> memref<128xi32, #tpu.memory_space<vmem>>
        %dma_wait3A_269 = arith.constant 0 : i32
        %dma_wait3A_270 = arith.constant 0 : i32
        %dma_wait3A_271 = tpu.memref_slice %arg10[%dma_wait3A_269, %dma_wait3A_270] : memref<10112x64xf32, #tpu.memory_space<vmem_shared>> -> memref<10112x64xf32, #tpu.memory_space<vmem_shared>>
        tpu.wait_indirect_dma semaphore(%run_scoped3A_259 : memref<!tpu.dma_semaphore, #tpu.memory_space<semaphore_mem>>) src(%arg8 : memref<128x64xf32, #tpu.memory_space<vmem>>) dst(%dma_wait3A_271 : memref<10112x64xf32, #tpu.memory_space<vmem_shared>>)
        tpu.yield
      }) : () -> ()
      %add3A_240 = arith.constant 5 : i32
      %add3A_241 = arith.addi %add3A_95, %add3A_240 : i32
      %dma_start3A_242 = arith.constant 1 : i32
      %dma_start3A_243 = arith.constant 0 : i32
      %dma_start3A_244 = arith.constant 0 : i32
      %dma_start3A_245 = tpu.memref_slice %arg7[%dma_start3A_242, %dma_start3A_243, %dma_start3A_244] : memref<4x2x128xi32, #tpu.memory_space<vmem>> -> memref<1x2x128xi32, #tpu.memory_space<vmem>>
      %dma_start3A_246 = tpu.memref_squeeze %dma_start3A_245 : memref<1x2x128xi32, #tpu.memory_space<vmem>> -> memref<2x128xi32, #tpu.memory_space<vmem>>
      %dma_start3A_247 = arith.constant 0 : i32
      %dma_start3A_248 = arith.constant 0 : i32
      %dma_start3A_249 = tpu.memref_slice %arg4[%add3A_241, %dma_start3A_247, %dma_start3A_248] : memref<2564x2x128xi32, #tpu.memory_space<hbm>> -> memref<1x2x128xi32, #tpu.memory_space<hbm>>
      %dma_start3A_250 = tpu.memref_squeeze %dma_start3A_249 : memref<1x2x128xi32, #tpu.memory_space<hbm>> -> memref<2x128xi32, #tpu.memory_space<hbm>>
      %dma_start3A_251 = arith.constant 0 : i32
      %dma_start3A_252 = arith.constant 0 : i32
      %dma_start3A_253 = tpu.memref_slice %arg7[%dma_start3A_242, %dma_start3A_251, %dma_start3A_252] : memref<4x2x128xi32, #tpu.memory_space<vmem>> -> memref<1x2x128xi32, #tpu.memory_space<vmem>>
      %dma_start3A_254 = tpu.memref_squeeze %dma_start3A_253 : memref<1x2x128xi32, #tpu.memory_space<vmem>> -> memref<2x128xi32, #tpu.memory_space<vmem>>
      %dma_start3A_255 = arith.constant 0 : i32
      %dma_start3A_256 = arith.constant 0 : i32
      %dma_start3A_257 = tpu.memref_slice %arg4[%add3A_241, %dma_start3A_255, %dma_start3A_256] : memref<2564x2x128xi32, #tpu.memory_space<hbm>> -> memref<1x2x128xi32, #tpu.memory_space<hbm>>
      %dma_start3A_258 = tpu.memref_squeeze %dma_start3A_257 : memref<1x2x128xi32, #tpu.memory_space<hbm>> -> memref<2x128xi32, #tpu.memory_space<hbm>>
      tpu.enqueue_dma source(%dma_start3A_258 : memref<2x128xi32, #tpu.memory_space<hbm>>) target(%dma_start3A_254 : memref<2x128xi32, #tpu.memory_space<vmem>>) target_semaphore(%arg12 : memref<!tpu.dma_semaphore, #tpu.memory_space<semaphore_mem>>)
    }
    %while3A_55 = arith.constant 1 : i32
    scf.for %while3A_92 = %while3A_53 to %while3A_49 step %while3A_55  : i32 {
      %mul3A_93 = arith.constant 4 : i32
      %mul3A_94 = arith.muli %while3A_92, %mul3A_93 : i32
      %add3A_95 = arith.addi %mul3A_2, %mul3A_94 : i32
      %dma_wait3A_96 = arith.constant 0 : i32
      %dma_wait3A_97 = arith.constant 0 : i32
      %dma_wait3A_98 = arith.constant 0 : i32
      %dma_wait3A_99 = arith.constant 0 : i32
      %dma_wait3A_100 = tpu.memref_slice %arg7[%dma_wait3A_97, %dma_wait3A_98, %dma_wait3A_99] : memref<4x2x128xi32, #tpu.memory_space<vmem>> -> memref<1x2x128xi32, #tpu.memory_space<vmem>>
      %dma_wait3A_101 = tpu.memref_squeeze %dma_wait3A_100 : memref<1x2x128xi32, #tpu.memory_space<vmem>> -> memref<2x128xi32, #tpu.memory_space<vmem>>
      %dma_wait3A_102 = arith.constant 0 : i32
      %dma_wait3A_103 = arith.constant 0 : i32
      %dma_wait3A_104 = tpu.memref_slice %arg4[%dma_wait3A_96, %dma_wait3A_102, %dma_wait3A_103] : memref<2564x2x128xi32, #tpu.memory_space<hbm>> -> memref<1x2x128xi32, #tpu.memory_space<hbm>>
      %dma_wait3A_105 = tpu.memref_squeeze %dma_wait3A_104 : memref<1x2x128xi32, #tpu.memory_space<hbm>> -> memref<2x128xi32, #tpu.memory_space<hbm>>
      %dma_wait3A_106 = arith.constant 0 : i32
      %dma_wait3A_107 = arith.constant 0 : i32
      %dma_wait3A_108 = tpu.memref_slice %arg7[%dma_wait3A_97, %dma_wait3A_106, %dma_wait3A_107] : memref<4x2x128xi32, #tpu.memory_space<vmem>> -> memref<1x2x128xi32, #tpu.memory_space<vmem>>
      %dma_wait3A_109 = tpu.memref_squeeze %dma_wait3A_108 : memref<1x2x128xi32, #tpu.memory_space<vmem>> -> memref<2x128xi32, #tpu.memory_space<vmem>>
      %dma_wait3A_110 = arith.constant 0 : i32
      %dma_wait3A_111 = arith.constant 0 : i32
      %dma_wait3A_112 = tpu.memref_slice %arg4[%dma_wait3A_96, %dma_wait3A_110, %dma_wait3A_111] : memref<2564x2x128xi32, #tpu.memory_space<hbm>> -> memref<1x2x128xi32, #tpu.memory_space<hbm>>
      %dma_wait3A_113 = tpu.memref_squeeze %dma_wait3A_112 : memref<1x2x128xi32, #tpu.memory_space<hbm>> -> memref<2x128xi32, #tpu.memory_space<hbm>>
      tpu.wait_dma2 semaphore(%arg11 : memref<!tpu.dma_semaphore, #tpu.memory_space<semaphore_mem>>) src(%dma_wait3A_113 : memref<2x128xi32, #tpu.memory_space<hbm>>) dst(%dma_wait3A_109 : memref<2x128xi32, #tpu.memory_space<vmem>>)
      %run_scoped3A = arith.constant 0 : i32
      %run_scoped3A_114 = arith.constant 0 : i32
      "tpu.region"() ({
        %run_scoped3A_259 = tpu.sem_alloc : memref<!tpu.dma_semaphore, #tpu.memory_space<semaphore_mem>>
        %dma_start3A_260 = arith.constant 0 : i32
        %dma_start3A_261 = tpu.memref_slice %arg7[%run_scoped3A, %run_scoped3A_114, %dma_start3A_260] : memref<4x2x128xi32, #tpu.memory_space<vmem>> -> memref<1x1x128xi32, #tpu.memory_space<vmem>>
        %dma_start3A_262 = tpu.memref_squeeze %dma_start3A_261 : memref<1x1x128xi32, #tpu.memory_space<vmem>> -> memref<128xi32, #tpu.memory_space<vmem>>
        %dma_start3A_263 = arith.constant 0 : i32
        %dma_start3A_264 = arith.constant 0 : i32
        %dma_start3A_265 = tpu.memref_slice %arg9[%dma_start3A_263, %dma_start3A_264] : memref<10112x64xf32, #tpu.memory_space<vmem_shared>> -> memref<10112x64xf32, #tpu.memory_space<vmem_shared>>
        tpu.enqueue_indirect_dma source(%dma_start3A_265 : memref<10112x64xf32, #tpu.memory_space<vmem_shared>>) target(%arg8 : memref<128x64xf32, #tpu.memory_space<vmem>>) offsets(%dma_start3A_262 : memref<128xi32, #tpu.memory_space<vmem>>) semaphore(%run_scoped3A_259 : memref<!tpu.dma_semaphore, #tpu.memory_space<semaphore_mem>>)
        %dma_wait3A_266 = arith.constant 0 : i32
        %dma_wait3A_267 = tpu.memref_slice %arg7[%run_scoped3A, %run_scoped3A_114, %dma_wait3A_266] : memref<4x2x128xi32, #tpu.memory_space<vmem>> -> memref<1x1x128xi32, #tpu.memory_space<vmem>>
        %dma_wait3A_268 = tpu.memref_squeeze %dma_wait3A_267 : memref<1x1x128xi32, #tpu.memory_space<vmem>> -> memref<128xi32, #tpu.memory_space<vmem>>
        %dma_wait3A_269 = arith.constant 0 : i32
        %dma_wait3A_270 = arith.constant 0 : i32
        %dma_wait3A_271 = tpu.memref_slice %arg9[%dma_wait3A_269, %dma_wait3A_270] : memref<10112x64xf32, #tpu.memory_space<vmem_shared>> -> memref<10112x64xf32, #tpu.memory_space<vmem_shared>>
        tpu.wait_indirect_dma semaphore(%run_scoped3A_259 : memref<!tpu.dma_semaphore, #tpu.memory_space<semaphore_mem>>) src(%dma_wait3A_271 : memref<10112x64xf32, #tpu.memory_space<vmem_shared>>) dst(%arg8 : memref<128x64xf32, #tpu.memory_space<vmem>>)
        tpu.yield
      }) : () -> ()
      %run_scoped3A_115 = arith.constant 0 : i32
      %run_scoped3A_116 = arith.constant 1 : i32
      "tpu.region"() ({
        %run_scoped3A_259 = tpu.sem_alloc : memref<!tpu.dma_semaphore, #tpu.memory_space<semaphore_mem>>
        %dma_start3A_260 = arith.constant 0 : i32
        %dma_start3A_261 = tpu.memref_slice %arg7[%run_scoped3A_115, %run_scoped3A_116, %dma_start3A_260] : memref<4x2x128xi32, #tpu.memory_space<vmem>> -> memref<1x1x128xi32, #tpu.memory_space<vmem>>
        %dma_start3A_262 = tpu.memref_squeeze %dma_start3A_261 : memref<1x1x128xi32, #tpu.memory_space<vmem>> -> memref<128xi32, #tpu.memory_space<vmem>>
        %dma_start3A_263 = arith.constant 0 : i32
        %dma_start3A_264 = arith.constant 0 : i32
        %dma_start3A_265 = tpu.memref_slice %arg10[%dma_start3A_263, %dma_start3A_264] : memref<10112x64xf32, #tpu.memory_space<vmem_shared>> -> memref<10112x64xf32, #tpu.memory_space<vmem_shared>>
        tpu.enqueue_indirect_dma source(%arg8 : memref<128x64xf32, #tpu.memory_space<vmem>>) target(%dma_start3A_265 : memref<10112x64xf32, #tpu.memory_space<vmem_shared>>) offsets(%dma_start3A_262 : memref<128xi32, #tpu.memory_space<vmem>>) semaphore(%run_scoped3A_259 : memref<!tpu.dma_semaphore, #tpu.memory_space<semaphore_mem>>) {add = true}
        %dma_wait3A_266 = arith.constant 0 : i32
        %dma_wait3A_267 = tpu.memref_slice %arg7[%run_scoped3A_115, %run_scoped3A_116, %dma_wait3A_266] : memref<4x2x128xi32, #tpu.memory_space<vmem>> -> memref<1x1x128xi32, #tpu.memory_space<vmem>>
        %dma_wait3A_268 = tpu.memref_squeeze %dma_wait3A_267 : memref<1x1x128xi32, #tpu.memory_space<vmem>> -> memref<128xi32, #tpu.memory_space<vmem>>
        %dma_wait3A_269 = arith.constant 0 : i32
        %dma_wait3A_270 = arith.constant 0 : i32
        %dma_wait3A_271 = tpu.memref_slice %arg10[%dma_wait3A_269, %dma_wait3A_270] : memref<10112x64xf32, #tpu.memory_space<vmem_shared>> -> memref<10112x64xf32, #tpu.memory_space<vmem_shared>>
        tpu.wait_indirect_dma semaphore(%run_scoped3A_259 : memref<!tpu.dma_semaphore, #tpu.memory_space<semaphore_mem>>) src(%arg8 : memref<128x64xf32, #tpu.memory_space<vmem>>) dst(%dma_wait3A_271 : memref<10112x64xf32, #tpu.memory_space<vmem_shared>>)
        tpu.yield
      }) : () -> ()
      %add3A_117 = arith.constant 2 : i32
      %add3A_118 = arith.addi %add3A_95, %add3A_117 : i32
      %dma_start3A_119 = arith.constant 2 : i32
      %dma_start3A_120 = arith.constant 0 : i32
      %dma_start3A_121 = arith.constant 0 : i32
      %dma_start3A_122 = tpu.memref_slice %arg7[%dma_start3A_119, %dma_start3A_120, %dma_start3A_121] : memref<4x2x128xi32, #tpu.memory_space<vmem>> -> memref<1x2x128xi32, #tpu.memory_space<vmem>>
      %dma_start3A_123 = tpu.memref_squeeze %dma_start3A_122 : memref<1x2x128xi32, #tpu.memory_space<vmem>> -> memref<2x128xi32, #tpu.memory_space<vmem>>
      %dma_start3A_124 = arith.constant 0 : i32
      %dma_start3A_125 = arith.constant 0 : i32
      %dma_start3A_126 = tpu.memref_slice %arg4[%add3A_118, %dma_start3A_124, %dma_start3A_125] : memref<2564x2x128xi32, #tpu.memory_space<hbm>> -> memref<1x2x128xi32, #tpu.memory_space<hbm>>
      %dma_start3A_127 = tpu.memref_squeeze %dma_start3A_126 : memref<1x2x128xi32, #tpu.memory_space<hbm>> -> memref<2x128xi32, #tpu.memory_space<hbm>>
      %dma_start3A_128 = arith.constant 0 : i32
      %dma_start3A_129 = arith.constant 0 : i32
      %dma_start3A_130 = tpu.memref_slice %arg7[%dma_start3A_119, %dma_start3A_128, %dma_start3A_129] : memref<4x2x128xi32, #tpu.memory_space<vmem>> -> memref<1x2x128xi32, #tpu.memory_space<vmem>>
      %dma_start3A_131 = tpu.memref_squeeze %dma_start3A_130 : memref<1x2x128xi32, #tpu.memory_space<vmem>> -> memref<2x128xi32, #tpu.memory_space<vmem>>
      %dma_start3A_132 = arith.constant 0 : i32
      %dma_start3A_133 = arith.constant 0 : i32
      %dma_start3A_134 = tpu.memref_slice %arg4[%add3A_118, %dma_start3A_132, %dma_start3A_133] : memref<2564x2x128xi32, #tpu.memory_space<hbm>> -> memref<1x2x128xi32, #tpu.memory_space<hbm>>
      %dma_start3A_135 = tpu.memref_squeeze %dma_start3A_134 : memref<1x2x128xi32, #tpu.memory_space<hbm>> -> memref<2x128xi32, #tpu.memory_space<hbm>>
      tpu.enqueue_dma source(%dma_start3A_135 : memref<2x128xi32, #tpu.memory_space<hbm>>) target(%dma_start3A_131 : memref<2x128xi32, #tpu.memory_space<vmem>>) target_semaphore(%arg13 : memref<!tpu.dma_semaphore, #tpu.memory_space<semaphore_mem>>)
      %dma_wait3A_136 = arith.constant 0 : i32
      %dma_wait3A_137 = arith.constant 1 : i32
      %dma_wait3A_138 = arith.constant 0 : i32
      %dma_wait3A_139 = arith.constant 0 : i32
      %dma_wait3A_140 = tpu.memref_slice %arg7[%dma_wait3A_137, %dma_wait3A_138, %dma_wait3A_139] : memref<4x2x128xi32, #tpu.memory_space<vmem>> -> memref<1x2x128xi32, #tpu.memory_space<vmem>>
      %dma_wait3A_141 = tpu.memref_squeeze %dma_wait3A_140 : memref<1x2x128xi32, #tpu.memory_space<vmem>> -> memref<2x128xi32, #tpu.memory_space<vmem>>
      %dma_wait3A_142 = arith.constant 0 : i32
      %dma_wait3A_143 = arith.constant 0 : i32
      %dma_wait3A_144 = tpu.memref_slice %arg4[%dma_wait3A_136, %dma_wait3A_142, %dma_wait3A_143] : memref<2564x2x128xi32, #tpu.memory_space<hbm>> -> memref<1x2x128xi32, #tpu.memory_space<hbm>>
      %dma_wait3A_145 = tpu.memref_squeeze %dma_wait3A_144 : memref<1x2x128xi32, #tpu.memory_space<hbm>> -> memref<2x128xi32, #tpu.memory_space<hbm>>
      %dma_wait3A_146 = arith.constant 0 : i32
      %dma_wait3A_147 = arith.constant 0 : i32
      %dma_wait3A_148 = tpu.memref_slice %arg7[%dma_wait3A_137, %dma_wait3A_146, %dma_wait3A_147] : memref<4x2x128xi32, #tpu.memory_space<vmem>> -> memref<1x2x128xi32, #tpu.memory_space<vmem>>
      %dma_wait3A_149 = tpu.memref_squeeze %dma_wait3A_148 : memref<1x2x128xi32, #tpu.memory_space<vmem>> -> memref<2x128xi32, #tpu.memory_space<vmem>>
      %dma_wait3A_150 = arith.constant 0 : i32
      %dma_wait3A_151 = arith.constant 0 : i32
      %dma_wait3A_152 = tpu.memref_slice %arg4[%dma_wait3A_136, %dma_wait3A_150, %dma_wait3A_151] : memref<2564x2x128xi32, #tpu.memory_space<hbm>> -> memref<1x2x128xi32, #tpu.memory_space<hbm>>
      %dma_wait3A_153 = tpu.memref_squeeze %dma_wait3A_152 : memref<1x2x128xi32, #tpu.memory_space<hbm>> -> memref<2x128xi32, #tpu.memory_space<hbm>>
      tpu.wait_dma2 semaphore(%arg12 : memref<!tpu.dma_semaphore, #tpu.memory_space<semaphore_mem>>) src(%dma_wait3A_153 : memref<2x128xi32, #tpu.memory_space<hbm>>) dst(%dma_wait3A_149 : memref<2x128xi32, #tpu.memory_space<vmem>>)
      %run_scoped3A_154 = arith.constant 1 : i32
      %run_scoped3A_155 = arith.constant 0 : i32
      "tpu.region"() ({
        %run_scoped3A_259 = tpu.sem_alloc : memref<!tpu.dma_semaphore, #tpu.memory_space<semaphore_mem>>
        %dma_start3A_260 = arith.constant 0 : i32
        %dma_start3A_261 = tpu.memref_slice %arg7[%run_scoped3A_154, %run_scoped3A_155, %dma_start3A_260] : memref<4x2x128xi32, #tpu.memory_space<vmem>> -> memref<1x1x128xi32, #tpu.memory_space<vmem>>
        %dma_start3A_262 = tpu.memref_squeeze %dma_start3A_261 : memref<1x1x128xi32, #tpu.memory_space<vmem>> -> memref<128xi32, #tpu.memory_space<vmem>>
        %dma_start3A_263 = arith.constant 0 : i32
        %dma_start3A_264 = arith.constant 0 : i32
        %dma_start3A_265 = tpu.memref_slice %arg9[%dma_start3A_263, %dma_start3A_264] : memref<10112x64xf32, #tpu.memory_space<vmem_shared>> -> memref<10112x64xf32, #tpu.memory_space<vmem_shared>>
        tpu.enqueue_indirect_dma source(%dma_start3A_265 : memref<10112x64xf32, #tpu.memory_space<vmem_shared>>) target(%arg8 : memref<128x64xf32, #tpu.memory_space<vmem>>) offsets(%dma_start3A_262 : memref<128xi32, #tpu.memory_space<vmem>>) semaphore(%run_scoped3A_259 : memref<!tpu.dma_semaphore, #tpu.memory_space<semaphore_mem>>)
        %dma_wait3A_266 = arith.constant 0 : i32
        %dma_wait3A_267 = tpu.memref_slice %arg7[%run_scoped3A_154, %run_scoped3A_155, %dma_wait3A_266] : memref<4x2x128xi32, #tpu.memory_space<vmem>> -> memref<1x1x128xi32, #tpu.memory_space<vmem>>
        %dma_wait3A_268 = tpu.memref_squeeze %dma_wait3A_267 : memref<1x1x128xi32, #tpu.memory_space<vmem>> -> memref<128xi32, #tpu.memory_space<vmem>>
        %dma_wait3A_269 = arith.constant 0 : i32
        %dma_wait3A_270 = arith.constant 0 : i32
        %dma_wait3A_271 = tpu.memref_slice %arg9[%dma_wait3A_269, %dma_wait3A_270] : memref<10112x64xf32, #tpu.memory_space<vmem_shared>> -> memref<10112x64xf32, #tpu.memory_space<vmem_shared>>
        tpu.wait_indirect_dma semaphore(%run_scoped3A_259 : memref<!tpu.dma_semaphore, #tpu.memory_space<semaphore_mem>>) src(%dma_wait3A_271 : memref<10112x64xf32, #tpu.memory_space<vmem_shared>>) dst(%arg8 : memref<128x64xf32, #tpu.memory_space<vmem>>)
        tpu.yield
      }) : () -> ()
      %run_scoped3A_156 = arith.constant 1 : i32
      %run_scoped3A_157 = arith.constant 1 : i32
      "tpu.region"() ({
        %run_scoped3A_259 = tpu.sem_alloc : memref<!tpu.dma_semaphore, #tpu.memory_space<semaphore_mem>>
        %dma_start3A_260 = arith.constant 0 : i32
        %dma_start3A_261 = tpu.memref_slice %arg7[%run_scoped3A_156, %run_scoped3A_157, %dma_start3A_260] : memref<4x2x128xi32, #tpu.memory_space<vmem>> -> memref<1x1x128xi32, #tpu.memory_space<vmem>>
        %dma_start3A_262 = tpu.memref_squeeze %dma_start3A_261 : memref<1x1x128xi32, #tpu.memory_space<vmem>> -> memref<128xi32, #tpu.memory_space<vmem>>
        %dma_start3A_263 = arith.constant 0 : i32
        %dma_start3A_264 = arith.constant 0 : i32
        %dma_start3A_265 = tpu.memref_slice %arg10[%dma_start3A_263, %dma_start3A_264] : memref<10112x64xf32, #tpu.memory_space<vmem_shared>> -> memref<10112x64xf32, #tpu.memory_space<vmem_shared>>
        tpu.enqueue_indirect_dma source(%arg8 : memref<128x64xf32, #tpu.memory_space<vmem>>) target(%dma_start3A_265 : memref<10112x64xf32, #tpu.memory_space<vmem_shared>>) offsets(%dma_start3A_262 : memref<128xi32, #tpu.memory_space<vmem>>) semaphore(%run_scoped3A_259 : memref<!tpu.dma_semaphore, #tpu.memory_space<semaphore_mem>>) {add = true}
        %dma_wait3A_266 = arith.constant 0 : i32
        %dma_wait3A_267 = tpu.memref_slice %arg7[%run_scoped3A_156, %run_scoped3A_157, %dma_wait3A_266] : memref<4x2x128xi32, #tpu.memory_space<vmem>> -> memref<1x1x128xi32, #tpu.memory_space<vmem>>
        %dma_wait3A_268 = tpu.memref_squeeze %dma_wait3A_267 : memref<1x1x128xi32, #tpu.memory_space<vmem>> -> memref<128xi32, #tpu.memory_space<vmem>>
        %dma_wait3A_269 = arith.constant 0 : i32
        %dma_wait3A_270 = arith.constant 0 : i32
        %dma_wait3A_271 = tpu.memref_slice %arg10[%dma_wait3A_269, %dma_wait3A_270] : memref<10112x64xf32, #tpu.memory_space<vmem_shared>> -> memref<10112x64xf32, #tpu.memory_space<vmem_shared>>
        tpu.wait_indirect_dma semaphore(%run_scoped3A_259 : memref<!tpu.dma_semaphore, #tpu.memory_space<semaphore_mem>>) src(%arg8 : memref<128x64xf32, #tpu.memory_space<vmem>>) dst(%dma_wait3A_271 : memref<10112x64xf32, #tpu.memory_space<vmem_shared>>)
        tpu.yield
      }) : () -> ()
      %add3A_158 = arith.constant 3 : i32
      %add3A_159 = arith.addi %add3A_95, %add3A_158 : i32
      %dma_start3A_160 = arith.constant 3 : i32
      %dma_start3A_161 = arith.constant 0 : i32
      %dma_start3A_162 = arith.constant 0 : i32
      %dma_start3A_163 = tpu.memref_slice %arg7[%dma_start3A_160, %dma_start3A_161, %dma_start3A_162] : memref<4x2x128xi32, #tpu.memory_space<vmem>> -> memref<1x2x128xi32, #tpu.memory_space<vmem>>
      %dma_start3A_164 = tpu.memref_squeeze %dma_start3A_163 : memref<1x2x128xi32, #tpu.memory_space<vmem>> -> memref<2x128xi32, #tpu.memory_space<vmem>>
      %dma_start3A_165 = arith.constant 0 : i32
      %dma_start3A_166 = arith.constant 0 : i32
      %dma_start3A_167 = tpu.memref_slice %arg4[%add3A_159, %dma_start3A_165, %dma_start3A_166] : memref<2564x2x128xi32, #tpu.memory_space<hbm>> -> memref<1x2x128xi32, #tpu.memory_space<hbm>>
      %dma_start3A_168 = tpu.memref_squeeze %dma_start3A_167 : memref<1x2x128xi32, #tpu.memory_space<hbm>> -> memref<2x128xi32, #tpu.memory_space<hbm>>
      %dma_start3A_169 = arith.constant 0 : i32
      %dma_start3A_170 = arith.constant 0 : i32
      %dma_start3A_171 = tpu.memref_slice %arg7[%dma_start3A_160, %dma_start3A_169, %dma_start3A_170] : memref<4x2x128xi32, #tpu.memory_space<vmem>> -> memref<1x2x128xi32, #tpu.memory_space<vmem>>
      %dma_start3A_172 = tpu.memref_squeeze %dma_start3A_171 : memref<1x2x128xi32, #tpu.memory_space<vmem>> -> memref<2x128xi32, #tpu.memory_space<vmem>>
      %dma_start3A_173 = arith.constant 0 : i32
      %dma_start3A_174 = arith.constant 0 : i32
      %dma_start3A_175 = tpu.memref_slice %arg4[%add3A_159, %dma_start3A_173, %dma_start3A_174] : memref<2564x2x128xi32, #tpu.memory_space<hbm>> -> memref<1x2x128xi32, #tpu.memory_space<hbm>>
      %dma_start3A_176 = tpu.memref_squeeze %dma_start3A_175 : memref<1x2x128xi32, #tpu.memory_space<hbm>> -> memref<2x128xi32, #tpu.memory_space<hbm>>
      tpu.enqueue_dma source(%dma_start3A_176 : memref<2x128xi32, #tpu.memory_space<hbm>>) target(%dma_start3A_172 : memref<2x128xi32, #tpu.memory_space<vmem>>) target_semaphore(%arg14 : memref<!tpu.dma_semaphore, #tpu.memory_space<semaphore_mem>>)
      %dma_wait3A_177 = arith.constant 0 : i32
      %dma_wait3A_178 = arith.constant 2 : i32
      %dma_wait3A_179 = arith.constant 0 : i32
      %dma_wait3A_180 = arith.constant 0 : i32
      %dma_wait3A_181 = tpu.memref_slice %arg7[%dma_wait3A_178, %dma_wait3A_179, %dma_wait3A_180] : memref<4x2x128xi32, #tpu.memory_space<vmem>> -> memref<1x2x128xi32, #tpu.memory_space<vmem>>
      %dma_wait3A_182 = tpu.memref_squeeze %dma_wait3A_181 : memref<1x2x128xi32, #tpu.memory_space<vmem>> -> memref<2x128xi32, #tpu.memory_space<vmem>>
      %dma_wait3A_183 = arith.constant 0 : i32
      %dma_wait3A_184 = arith.constant 0 : i32
      %dma_wait3A_185 = tpu.memref_slice %arg4[%dma_wait3A_177, %dma_wait3A_183, %dma_wait3A_184] : memref<2564x2x128xi32, #tpu.memory_space<hbm>> -> memref<1x2x128xi32, #tpu.memory_space<hbm>>
      %dma_wait3A_186 = tpu.memref_squeeze %dma_wait3A_185 : memref<1x2x128xi32, #tpu.memory_space<hbm>> -> memref<2x128xi32, #tpu.memory_space<hbm>>
      %dma_wait3A_187 = arith.constant 0 : i32
      %dma_wait3A_188 = arith.constant 0 : i32
      %dma_wait3A_189 = tpu.memref_slice %arg7[%dma_wait3A_178, %dma_wait3A_187, %dma_wait3A_188] : memref<4x2x128xi32, #tpu.memory_space<vmem>> -> memref<1x2x128xi32, #tpu.memory_space<vmem>>
      %dma_wait3A_190 = tpu.memref_squeeze %dma_wait3A_189 : memref<1x2x128xi32, #tpu.memory_space<vmem>> -> memref<2x128xi32, #tpu.memory_space<vmem>>
      %dma_wait3A_191 = arith.constant 0 : i32
      %dma_wait3A_192 = arith.constant 0 : i32
      %dma_wait3A_193 = tpu.memref_slice %arg4[%dma_wait3A_177, %dma_wait3A_191, %dma_wait3A_192] : memref<2564x2x128xi32, #tpu.memory_space<hbm>> -> memref<1x2x128xi32, #tpu.memory_space<hbm>>
      %dma_wait3A_194 = tpu.memref_squeeze %dma_wait3A_193 : memref<1x2x128xi32, #tpu.memory_space<hbm>> -> memref<2x128xi32, #tpu.memory_space<hbm>>
      tpu.wait_dma2 semaphore(%arg13 : memref<!tpu.dma_semaphore, #tpu.memory_space<semaphore_mem>>) src(%dma_wait3A_194 : memref<2x128xi32, #tpu.memory_space<hbm>>) dst(%dma_wait3A_190 : memref<2x128xi32, #tpu.memory_space<vmem>>)
      %run_scoped3A_195 = arith.constant 2 : i32
      %run_scoped3A_196 = arith.constant 0 : i32
      "tpu.region"() ({
        %run_scoped3A_259 = tpu.sem_alloc : memref<!tpu.dma_semaphore, #tpu.memory_space<semaphore_mem>>
        %dma_start3A_260 = arith.constant 0 : i32
        %dma_start3A_261 = tpu.memref_slice %arg7[%run_scoped3A_195, %run_scoped3A_196, %dma_start3A_260] : memref<4x2x128xi32, #tpu.memory_space<vmem>> -> memref<1x1x128xi32, #tpu.memory_space<vmem>>
        %dma_start3A_262 = tpu.memref_squeeze %dma_start3A_261 : memref<1x1x128xi32, #tpu.memory_space<vmem>> -> memref<128xi32, #tpu.memory_space<vmem>>
        %dma_start3A_263 = arith.constant 0 : i32
        %dma_start3A_264 = arith.constant 0 : i32
        %dma_start3A_265 = tpu.memref_slice %arg9[%dma_start3A_263, %dma_start3A_264] : memref<10112x64xf32, #tpu.memory_space<vmem_shared>> -> memref<10112x64xf32, #tpu.memory_space<vmem_shared>>
        tpu.enqueue_indirect_dma source(%dma_start3A_265 : memref<10112x64xf32, #tpu.memory_space<vmem_shared>>) target(%arg8 : memref<128x64xf32, #tpu.memory_space<vmem>>) offsets(%dma_start3A_262 : memref<128xi32, #tpu.memory_space<vmem>>) semaphore(%run_scoped3A_259 : memref<!tpu.dma_semaphore, #tpu.memory_space<semaphore_mem>>)
        %dma_wait3A_266 = arith.constant 0 : i32
        %dma_wait3A_267 = tpu.memref_slice %arg7[%run_scoped3A_195, %run_scoped3A_196, %dma_wait3A_266] : memref<4x2x128xi32, #tpu.memory_space<vmem>> -> memref<1x1x128xi32, #tpu.memory_space<vmem>>
        %dma_wait3A_268 = tpu.memref_squeeze %dma_wait3A_267 : memref<1x1x128xi32, #tpu.memory_space<vmem>> -> memref<128xi32, #tpu.memory_space<vmem>>
        %dma_wait3A_269 = arith.constant 0 : i32
        %dma_wait3A_270 = arith.constant 0 : i32
        %dma_wait3A_271 = tpu.memref_slice %arg9[%dma_wait3A_269, %dma_wait3A_270] : memref<10112x64xf32, #tpu.memory_space<vmem_shared>> -> memref<10112x64xf32, #tpu.memory_space<vmem_shared>>
        tpu.wait_indirect_dma semaphore(%run_scoped3A_259 : memref<!tpu.dma_semaphore, #tpu.memory_space<semaphore_mem>>) src(%dma_wait3A_271 : memref<10112x64xf32, #tpu.memory_space<vmem_shared>>) dst(%arg8 : memref<128x64xf32, #tpu.memory_space<vmem>>)
        tpu.yield
      }) : () -> ()
      %run_scoped3A_197 = arith.constant 2 : i32
      %run_scoped3A_198 = arith.constant 1 : i32
      "tpu.region"() ({
        %run_scoped3A_259 = tpu.sem_alloc : memref<!tpu.dma_semaphore, #tpu.memory_space<semaphore_mem>>
        %dma_start3A_260 = arith.constant 0 : i32
        %dma_start3A_261 = tpu.memref_slice %arg7[%run_scoped3A_197, %run_scoped3A_198, %dma_start3A_260] : memref<4x2x128xi32, #tpu.memory_space<vmem>> -> memref<1x1x128xi32, #tpu.memory_space<vmem>>
        %dma_start3A_262 = tpu.memref_squeeze %dma_start3A_261 : memref<1x1x128xi32, #tpu.memory_space<vmem>> -> memref<128xi32, #tpu.memory_space<vmem>>
        %dma_start3A_263 = arith.constant 0 : i32
        %dma_start3A_264 = arith.constant 0 : i32
        %dma_start3A_265 = tpu.memref_slice %arg10[%dma_start3A_263, %dma_start3A_264] : memref<10112x64xf32, #tpu.memory_space<vmem_shared>> -> memref<10112x64xf32, #tpu.memory_space<vmem_shared>>
        tpu.enqueue_indirect_dma source(%arg8 : memref<128x64xf32, #tpu.memory_space<vmem>>) target(%dma_start3A_265 : memref<10112x64xf32, #tpu.memory_space<vmem_shared>>) offsets(%dma_start3A_262 : memref<128xi32, #tpu.memory_space<vmem>>) semaphore(%run_scoped3A_259 : memref<!tpu.dma_semaphore, #tpu.memory_space<semaphore_mem>>) {add = true}
        %dma_wait3A_266 = arith.constant 0 : i32
        %dma_wait3A_267 = tpu.memref_slice %arg7[%run_scoped3A_197, %run_scoped3A_198, %dma_wait3A_266] : memref<4x2x128xi32, #tpu.memory_space<vmem>> -> memref<1x1x128xi32, #tpu.memory_space<vmem>>
        %dma_wait3A_268 = tpu.memref_squeeze %dma_wait3A_267 : memref<1x1x128xi32, #tpu.memory_space<vmem>> -> memref<128xi32, #tpu.memory_space<vmem>>
        %dma_wait3A_269 = arith.constant 0 : i32
        %dma_wait3A_270 = arith.constant 0 : i32
        %dma_wait3A_271 = tpu.memref_slice %arg10[%dma_wait3A_269, %dma_wait3A_270] : memref<10112x64xf32, #tpu.memory_space<vmem_shared>> -> memref<10112x64xf32, #tpu.memory_space<vmem_shared>>
        tpu.wait_indirect_dma semaphore(%run_scoped3A_259 : memref<!tpu.dma_semaphore, #tpu.memory_space<semaphore_mem>>) src(%arg8 : memref<128x64xf32, #tpu.memory_space<vmem>>) dst(%dma_wait3A_271 : memref<10112x64xf32, #tpu.memory_space<vmem_shared>>)
        tpu.yield
      }) : () -> ()
      %add3A_199 = arith.constant 4 : i32
      %add3A_200 = arith.addi %add3A_95, %add3A_199 : i32
      %dma_start3A_201 = arith.constant 0 : i32
      %dma_start3A_202 = arith.constant 0 : i32
      %dma_start3A_203 = arith.constant 0 : i32
      %dma_start3A_204 = tpu.memref_slice %arg7[%dma_start3A_201, %dma_start3A_202, %dma_start3A_203] : memref<4x2x128xi32, #tpu.memory_space<vmem>> -> memref<1x2x128xi32, #tpu.memory_space<vmem>>
      %dma_start3A_205 = tpu.memref_squeeze %dma_start3A_204 : memref<1x2x128xi32, #tpu.memory_space<vmem>> -> memref<2x128xi32, #tpu.memory_space<vmem>>
      %dma_start3A_206 = arith.constant 0 : i32
      %dma_start3A_207 = arith.constant 0 : i32
      %dma_start3A_208 = tpu.memref_slice %arg4[%add3A_200, %dma_start3A_206, %dma_start3A_207] : memref<2564x2x128xi32, #tpu.memory_space<hbm>> -> memref<1x2x128xi32, #tpu.memory_space<hbm>>
      %dma_start3A_209 = tpu.memref_squeeze %dma_start3A_208 : memref<1x2x128xi32, #tpu.memory_space<hbm>> -> memref<2x128xi32, #tpu.memory_space<hbm>>
      %dma_start3A_210 = arith.constant 0 : i32
      %dma_start3A_211 = arith.constant 0 : i32
      %dma_start3A_212 = tpu.memref_slice %arg7[%dma_start3A_201, %dma_start3A_210, %dma_start3A_211] : memref<4x2x128xi32, #tpu.memory_space<vmem>> -> memref<1x2x128xi32, #tpu.memory_space<vmem>>
      %dma_start3A_213 = tpu.memref_squeeze %dma_start3A_212 : memref<1x2x128xi32, #tpu.memory_space<vmem>> -> memref<2x128xi32, #tpu.memory_space<vmem>>
      %dma_start3A_214 = arith.constant 0 : i32
      %dma_start3A_215 = arith.constant 0 : i32
      %dma_start3A_216 = tpu.memref_slice %arg4[%add3A_200, %dma_start3A_214, %dma_start3A_215] : memref<2564x2x128xi32, #tpu.memory_space<hbm>> -> memref<1x2x128xi32, #tpu.memory_space<hbm>>
      %dma_start3A_217 = tpu.memref_squeeze %dma_start3A_216 : memref<1x2x128xi32, #tpu.memory_space<hbm>> -> memref<2x128xi32, #tpu.memory_space<hbm>>
      tpu.enqueue_dma source(%dma_start3A_217 : memref<2x128xi32, #tpu.memory_space<hbm>>) target(%dma_start3A_213 : memref<2x128xi32, #tpu.memory_space<vmem>>) target_semaphore(%arg11 : memref<!tpu.dma_semaphore, #tpu.memory_space<semaphore_mem>>)
      %dma_wait3A_218 = arith.constant 0 : i32
      %dma_wait3A_219 = arith.constant 3 : i32
      %dma_wait3A_220 = arith.constant 0 : i32
      %dma_wait3A_221 = arith.constant 0 : i32
      %dma_wait3A_222 = tpu.memref_slice %arg7[%dma_wait3A_219, %dma_wait3A_220, %dma_wait3A_221] : memref<4x2x128xi32, #tpu.memory_space<vmem>> -> memref<1x2x128xi32, #tpu.memory_space<vmem>>
      %dma_wait3A_223 = tpu.memref_squeeze %dma_wait3A_222 : memref<1x2x128xi32, #tpu.memory_space<vmem>> -> memref<2x128xi32, #tpu.memory_space<vmem>>
      %dma_wait3A_224 = arith.constant 0 : i32
      %dma_wait3A_225 = arith.constant 0 : i32
      %dma_wait3A_226 = tpu.memref_slice %arg4[%dma_wait3A_218, %dma_wait3A_224, %dma_wait3A_225] : memref<2564x2x128xi32, #tpu.memory_space<hbm>> -> memref<1x2x128xi32, #tpu.memory_space<hbm>>
      %dma_wait3A_227 = tpu.memref_squeeze %dma_wait3A_226 : memref<1x2x128xi32, #tpu.memory_space<hbm>> -> memref<2x128xi32, #tpu.memory_space<hbm>>
      %dma_wait3A_228 = arith.constant 0 : i32
      %dma_wait3A_229 = arith.constant 0 : i32
      %dma_wait3A_230 = tpu.memref_slice %arg7[%dma_wait3A_219, %dma_wait3A_228, %dma_wait3A_229] : memref<4x2x128xi32, #tpu.memory_space<vmem>> -> memref<1x2x128xi32, #tpu.memory_space<vmem>>
      %dma_wait3A_231 = tpu.memref_squeeze %dma_wait3A_230 : memref<1x2x128xi32, #tpu.memory_space<vmem>> -> memref<2x128xi32, #tpu.memory_space<vmem>>
      %dma_wait3A_232 = arith.constant 0 : i32
      %dma_wait3A_233 = arith.constant 0 : i32
      %dma_wait3A_234 = tpu.memref_slice %arg4[%dma_wait3A_218, %dma_wait3A_232, %dma_wait3A_233] : memref<2564x2x128xi32, #tpu.memory_space<hbm>> -> memref<1x2x128xi32, #tpu.memory_space<hbm>>
      %dma_wait3A_235 = tpu.memref_squeeze %dma_wait3A_234 : memref<1x2x128xi32, #tpu.memory_space<hbm>> -> memref<2x128xi32, #tpu.memory_space<hbm>>
      tpu.wait_dma2 semaphore(%arg14 : memref<!tpu.dma_semaphore, #tpu.memory_space<semaphore_mem>>) src(%dma_wait3A_235 : memref<2x128xi32, #tpu.memory_space<hbm>>) dst(%dma_wait3A_231 : memref<2x128xi32, #tpu.memory_space<vmem>>)
      %run_scoped3A_236 = arith.constant 3 : i32
      %run_scoped3A_237 = arith.constant 0 : i32
      "tpu.region"() ({
        %run_scoped3A_259 = tpu.sem_alloc : memref<!tpu.dma_semaphore, #tpu.memory_space<semaphore_mem>>
        %dma_start3A_260 = arith.constant 0 : i32
        %dma_start3A_261 = tpu.memref_slice %arg7[%run_scoped3A_236, %run_scoped3A_237, %dma_start3A_260] : memref<4x2x128xi32, #tpu.memory_space<vmem>> -> memref<1x1x128xi32, #tpu.memory_space<vmem>>
        %dma_start3A_262 = tpu.memref_squeeze %dma_start3A_261 : memref<1x1x128xi32, #tpu.memory_space<vmem>> -> memref<128xi32, #tpu.memory_space<vmem>>
        %dma_start3A_263 = arith.constant 0 : i32
        %dma_start3A_264 = arith.constant 0 : i32
        %dma_start3A_265 = tpu.memref_slice %arg9[%dma_start3A_263, %dma_start3A_264] : memref<10112x64xf32, #tpu.memory_space<vmem_shared>> -> memref<10112x64xf32, #tpu.memory_space<vmem_shared>>
        tpu.enqueue_indirect_dma source(%dma_start3A_265 : memref<10112x64xf32, #tpu.memory_space<vmem_shared>>) target(%arg8 : memref<128x64xf32, #tpu.memory_space<vmem>>) offsets(%dma_start3A_262 : memref<128xi32, #tpu.memory_space<vmem>>) semaphore(%run_scoped3A_259 : memref<!tpu.dma_semaphore, #tpu.memory_space<semaphore_mem>>)
        %dma_wait3A_266 = arith.constant 0 : i32
        %dma_wait3A_267 = tpu.memref_slice %arg7[%run_scoped3A_236, %run_scoped3A_237, %dma_wait3A_266] : memref<4x2x128xi32, #tpu.memory_space<vmem>> -> memref<1x1x128xi32, #tpu.memory_space<vmem>>
        %dma_wait3A_268 = tpu.memref_squeeze %dma_wait3A_267 : memref<1x1x128xi32, #tpu.memory_space<vmem>> -> memref<128xi32, #tpu.memory_space<vmem>>
        %dma_wait3A_269 = arith.constant 0 : i32
        %dma_wait3A_270 = arith.constant 0 : i32
        %dma_wait3A_271 = tpu.memref_slice %arg9[%dma_wait3A_269, %dma_wait3A_270] : memref<10112x64xf32, #tpu.memory_space<vmem_shared>> -> memref<10112x64xf32, #tpu.memory_space<vmem_shared>>
        tpu.wait_indirect_dma semaphore(%run_scoped3A_259 : memref<!tpu.dma_semaphore, #tpu.memory_space<semaphore_mem>>) src(%dma_wait3A_271 : memref<10112x64xf32, #tpu.memory_space<vmem_shared>>) dst(%arg8 : memref<128x64xf32, #tpu.memory_space<vmem>>)
        tpu.yield
      }) : () -> ()
      %run_scoped3A_238 = arith.constant 3 : i32
      %run_scoped3A_239 = arith.constant 1 : i32
      "tpu.region"() ({
        %run_scoped3A_259 = tpu.sem_alloc : memref<!tpu.dma_semaphore, #tpu.memory_space<semaphore_mem>>
        %dma_start3A_260 = arith.constant 0 : i32
        %dma_start3A_261 = tpu.memref_slice %arg7[%run_scoped3A_238, %run_scoped3A_239, %dma_start3A_260] : memref<4x2x128xi32, #tpu.memory_space<vmem>> -> memref<1x1x128xi32, #tpu.memory_space<vmem>>
        %dma_start3A_262 = tpu.memref_squeeze %dma_start3A_261 : memref<1x1x128xi32, #tpu.memory_space<vmem>> -> memref<128xi32, #tpu.memory_space<vmem>>
        %dma_start3A_263 = arith.constant 0 : i32
        %dma_start3A_264 = arith.constant 0 : i32
        %dma_start3A_265 = tpu.memref_slice %arg10[%dma_start3A_263, %dma_start3A_264] : memref<10112x64xf32, #tpu.memory_space<vmem_shared>> -> memref<10112x64xf32, #tpu.memory_space<vmem_shared>>
        tpu.enqueue_indirect_dma source(%arg8 : memref<128x64xf32, #tpu.memory_space<vmem>>) target(%dma_start3A_265 : memref<10112x64xf32, #tpu.memory_space<vmem_shared>>) offsets(%dma_start3A_262 : memref<128xi32, #tpu.memory_space<vmem>>) semaphore(%run_scoped3A_259 : memref<!tpu.dma_semaphore, #tpu.memory_space<semaphore_mem>>) {add = true}
        %dma_wait3A_266 = arith.constant 0 : i32
        %dma_wait3A_267 = tpu.memref_slice %arg7[%run_scoped3A_238, %run_scoped3A_239, %dma_wait3A_266] : memref<4x2x128xi32, #tpu.memory_space<vmem>> -> memref<1x1x128xi32, #tpu.memory_space<vmem>>
        %dma_wait3A_268 = tpu.memref_squeeze %dma_wait3A_267 : memref<1x1x128xi32, #tpu.memory_space<vmem>> -> memref<128xi32, #tpu.memory_space<vmem>>
        %dma_wait3A_269 = arith.constant 0 : i32
        %dma_wait3A_270 = arith.constant 0 : i32
        %dma_wait3A_271 = tpu.memref_slice %arg10[%dma_wait3A_269, %dma_wait3A_270] : memref<10112x64xf32, #tpu.memory_space<vmem_shared>> -> memref<10112x64xf32, #tpu.memory_space<vmem_shared>>
        tpu.wait_indirect_dma semaphore(%run_scoped3A_259 : memref<!tpu.dma_semaphore, #tpu.memory_space<semaphore_mem>>) src(%arg8 : memref<128x64xf32, #tpu.memory_space<vmem>>) dst(%dma_wait3A_271 : memref<10112x64xf32, #tpu.memory_space<vmem_shared>>)
        tpu.yield
      }) : () -> ()
      %add3A_240 = arith.constant 5 : i32
      %add3A_241 = arith.addi %add3A_95, %add3A_240 : i32
      %dma_start3A_242 = arith.constant 1 : i32
      %dma_start3A_243 = arith.constant 0 : i32
      %dma_start3A_244 = arith.constant 0 : i32
      %dma_start3A_245 = tpu.memref_slice %arg7[%dma_start3A_242, %dma_start3A_243, %dma_start3A_244] : memref<4x2x128xi32, #tpu.memory_space<vmem>> -> memref<1x2x128xi32, #tpu.memory_space<vmem>>
      %dma_start3A_246 = tpu.memref_squeeze %dma_start3A_245 : memref<1x2x128xi32, #tpu.memory_space<vmem>> -> memref<2x128xi32, #tpu.memory_space<vmem>>
      %dma_start3A_247 = arith.constant 0 : i32
      %dma_start3A_248 = arith.constant 0 : i32
      %dma_start3A_249 = tpu.memref_slice %arg4[%add3A_241, %dma_start3A_247, %dma_start3A_248] : memref<2564x2x128xi32, #tpu.memory_space<hbm>> -> memref<1x2x128xi32, #tpu.memory_space<hbm>>
      %dma_start3A_250 = tpu.memref_squeeze %dma_start3A_249 : memref<1x2x128xi32, #tpu.memory_space<hbm>> -> memref<2x128xi32, #tpu.memory_space<hbm>>
      %dma_start3A_251 = arith.constant 0 : i32
      %dma_start3A_252 = arith.constant 0 : i32
      %dma_start3A_253 = tpu.memref_slice %arg7[%dma_start3A_242, %dma_start3A_251, %dma_start3A_252] : memref<4x2x128xi32, #tpu.memory_space<vmem>> -> memref<1x2x128xi32, #tpu.memory_space<vmem>>
      %dma_start3A_254 = tpu.memref_squeeze %dma_start3A_253 : memref<1x2x128xi32, #tpu.memory_space<vmem>> -> memref<2x128xi32, #tpu.memory_space<vmem>>
      %dma_start3A_255 = arith.constant 0 : i32
      %dma_start3A_256 = arith.constant 0 : i32
      %dma_start3A_257 = tpu.memref_slice %arg4[%add3A_241, %dma_start3A_255, %dma_start3A_256] : memref<2564x2x128xi32, #tpu.memory_space<hbm>> -> memref<1x2x128xi32, #tpu.memory_space<hbm>>
      %dma_start3A_258 = tpu.memref_squeeze %dma_start3A_257 : memref<1x2x128xi32, #tpu.memory_space<hbm>> -> memref<2x128xi32, #tpu.memory_space<hbm>>
      tpu.enqueue_dma source(%dma_start3A_258 : memref<2x128xi32, #tpu.memory_space<hbm>>) target(%dma_start3A_254 : memref<2x128xi32, #tpu.memory_space<vmem>>) target_semaphore(%arg12 : memref<!tpu.dma_semaphore, #tpu.memory_space<semaphore_mem>>)
    }
    %dma_wait3A = arith.constant 0 : i32
    %dma_wait3A_56 = arith.constant 0 : i32
    %dma_wait3A_57 = arith.constant 0 : i32
    %dma_wait3A_58 = arith.constant 0 : i32
    %dma_wait3A_59 = tpu.memref_slice %arg7[%dma_wait3A_56, %dma_wait3A_57, %dma_wait3A_58] : memref<4x2x128xi32, #tpu.memory_space<vmem>> -> memref<1x2x128xi32, #tpu.memory_space<vmem>>
    %dma_wait3A_60 = tpu.memref_squeeze %dma_wait3A_59 : memref<1x2x128xi32, #tpu.memory_space<vmem>> -> memref<2x128xi32, #tpu.memory_space<vmem>>
    %dma_wait3A_61 = arith.constant 0 : i32
    %dma_wait3A_62 = arith.constant 0 : i32
    %dma_wait3A_63 = tpu.memref_slice %arg4[%dma_wait3A, %dma_wait3A_61, %dma_wait3A_62] : memref<2564x2x128xi32, #tpu.memory_space<hbm>> -> memref<1x2x128xi32, #tpu.memory_space<hbm>>
    %dma_wait3A_64 = tpu.memref_squeeze %dma_wait3A_63 : memref<1x2x128xi32, #tpu.memory_space<hbm>> -> memref<2x128xi32, #tpu.memory_space<hbm>>
    %dma_wait3A_65 = arith.constant 0 : i32
    %dma_wait3A_66 = arith.constant 0 : i32
    %dma_wait3A_67 = tpu.memref_slice %arg7[%dma_wait3A_56, %dma_wait3A_65, %dma_wait3A_66] : memref<4x2x128xi32, #tpu.memory_space<vmem>> -> memref<1x2x128xi32, #tpu.memory_space<vmem>>
    %dma_wait3A_68 = tpu.memref_squeeze %dma_wait3A_67 : memref<1x2x128xi32, #tpu.memory_space<vmem>> -> memref<2x128xi32, #tpu.memory_space<vmem>>
    %dma_wait3A_69 = arith.constant 0 : i32
    %dma_wait3A_70 = arith.constant 0 : i32
    %dma_wait3A_71 = tpu.memref_slice %arg4[%dma_wait3A, %dma_wait3A_69, %dma_wait3A_70] : memref<2564x2x128xi32, #tpu.memory_space<hbm>> -> memref<1x2x128xi32, #tpu.memory_space<hbm>>
    %dma_wait3A_72 = tpu.memref_squeeze %dma_wait3A_71 : memref<1x2x128xi32, #tpu.memory_space<hbm>> -> memref<2x128xi32, #tpu.memory_space<hbm>>
    tpu.wait_dma2 semaphore(%arg11 : memref<!tpu.dma_semaphore, #tpu.memory_space<semaphore_mem>>) src(%dma_wait3A_72 : memref<2x128xi32, #tpu.memory_space<hbm>>) dst(%dma_wait3A_68 : memref<2x128xi32, #tpu.memory_space<vmem>>)
    %dma_wait3A_73 = arith.constant 0 : i32
    %dma_wait3A_74 = arith.constant 1 : i32
    %dma_wait3A_75 = arith.constant 0 : i32
    %dma_wait3A_76 = arith.constant 0 : i32
    %dma_wait3A_77 = tpu.memref_slice %arg7[%dma_wait3A_74, %dma_wait3A_75, %dma_wait3A_76] : memref<4x2x128xi32, #tpu.memory_space<vmem>> -> memref<1x2x128xi32, #tpu.memory_space<vmem>>
    %dma_wait3A_78 = tpu.memref_squeeze %dma_wait3A_77 : memref<1x2x128xi32, #tpu.memory_space<vmem>> -> memref<2x128xi32, #tpu.memory_space<vmem>>
    %dma_wait3A_79 = arith.constant 0 : i32
    %dma_wait3A_80 = arith.constant 0 : i32
    %dma_wait3A_81 = tpu.memref_slice %arg4[%dma_wait3A_73, %dma_wait3A_79, %dma_wait3A_80] : memref<2564x2x128xi32, #tpu.memory_space<hbm>> -> memref<1x2x128xi32, #tpu.memory_space<hbm>>
    %dma_wait3A_82 = tpu.memref_squeeze %dma_wait3A_81 : memref<1x2x128xi32, #tpu.memory_space<hbm>> -> memref<2x128xi32, #tpu.memory_space<hbm>>
    %dma_wait3A_83 = arith.constant 0 : i32
    %dma_wait3A_84 = arith.constant 0 : i32
    %dma_wait3A_85 = tpu.memref_slice %arg7[%dma_wait3A_74, %dma_wait3A_83, %dma_wait3A_84] : memref<4x2x128xi32, #tpu.memory_space<vmem>> -> memref<1x2x128xi32, #tpu.memory_space<vmem>>
    %dma_wait3A_86 = tpu.memref_squeeze %dma_wait3A_85 : memref<1x2x128xi32, #tpu.memory_space<vmem>> -> memref<2x128xi32, #tpu.memory_space<vmem>>
    %dma_wait3A_87 = arith.constant 0 : i32
    %dma_wait3A_88 = arith.constant 0 : i32
    %dma_wait3A_89 = tpu.memref_slice %arg4[%dma_wait3A_73, %dma_wait3A_87, %dma_wait3A_88] : memref<2564x2x128xi32, #tpu.memory_space<hbm>> -> memref<1x2x128xi32, #tpu.memory_space<hbm>>
    %dma_wait3A_90 = tpu.memref_squeeze %dma_wait3A_89 : memref<1x2x128xi32, #tpu.memory_space<hbm>> -> memref<2x128xi32, #tpu.memory_space<hbm>>
    tpu.wait_dma2 semaphore(%arg12 : memref<!tpu.dma_semaphore, #tpu.memory_space<semaphore_mem>>) src(%dma_wait3A_90 : memref<2x128xi32, #tpu.memory_space<hbm>>) dst(%dma_wait3A_86 : memref<2x128xi32, #tpu.memory_space<vmem>>)
    %barrier3A_91 = arith.constant 0 : index
    tpu.barrier barrier_id(%barrier3A_91)
    "tpu.region"() ({
      %run_scoped3A = tpu.sem_alloc : memref<!tpu.dma_semaphore, #tpu.memory_space<semaphore_mem>>
      %dma_start3A_92 = arith.constant 0 : i32
      %dma_start3A_93 = tpu.memref_slice %arg6[%arg0, %mul3A_0, %dma_start3A_92] : memref<2x10112x64xf32, #tpu.memory_space<hbm>> -> memref<1x632x64xf32, #tpu.memory_space<hbm>>
      %dma_start3A_94 = tpu.memref_squeeze %dma_start3A_93 : memref<1x632x64xf32, #tpu.memory_space<hbm>> -> memref<632x64xf32, #tpu.memory_space<hbm>>
      %dma_start3A_95 = arith.constant 0 : i32
      %dma_start3A_96 = tpu.memref_slice %arg10[%mul3A_0, %dma_start3A_95] : memref<10112x64xf32, #tpu.memory_space<vmem_shared>> -> memref<632x64xf32, #tpu.memory_space<vmem_shared>>
      tpu.enqueue_dma source(%dma_start3A_96 : memref<632x64xf32, #tpu.memory_space<vmem_shared>>) target(%dma_start3A_94 : memref<632x64xf32, #tpu.memory_space<hbm>>) target_semaphore(%run_scoped3A : memref<!tpu.dma_semaphore, #tpu.memory_space<semaphore_mem>>)
      %dma_wait3A_97 = arith.constant 0 : i32
      %dma_wait3A_98 = tpu.memref_slice %arg6[%arg0, %mul3A_0, %dma_wait3A_97] : memref<2x10112x64xf32, #tpu.memory_space<hbm>> -> memref<1x632x64xf32, #tpu.memory_space<hbm>>
      %dma_wait3A_99 = tpu.memref_squeeze %dma_wait3A_98 : memref<1x632x64xf32, #tpu.memory_space<hbm>> -> memref<632x64xf32, #tpu.memory_space<hbm>>
      %dma_wait3A_100 = arith.constant 0 : i32
      %dma_wait3A_101 = tpu.memref_slice %arg10[%mul3A_0, %dma_wait3A_100] : memref<10112x64xf32, #tpu.memory_space<vmem_shared>> -> memref<632x64xf32, #tpu.memory_space<vmem_shared>>
      tpu.wait_dma2 semaphore(%run_scoped3A : memref<!tpu.dma_semaphore, #tpu.memory_space<semaphore_mem>>) src(%dma_wait3A_101 : memref<632x64xf32, #tpu.memory_space<vmem_shared>>) dst(%dma_wait3A_99 : memref<632x64xf32, #tpu.memory_space<hbm>>)
      tpu.yield
    }) : () -> ()
    return
  }
}

module attributes {stable_mosaic.version = 14 : i64} {
  func.func @body(%arg0: i32, %arg1: memref<2000x128xf32, #tpu.memory_space<vmem>>, %arg2: memref<128x128xf32, #tpu.memory_space<vmem>>, %arg3: memref<2000x16xf32, #tpu.memory_space<vmem>>, %arg4: memref<2000x16xf32, #tpu.memory_space<vmem>>, %arg5: memref<2000x64xf32, #tpu.memory_space<vmem>>, %arg6: memref<2000x64xf32, #tpu.memory_space<vmem>>) attributes {dimension_semantics = [#tpu.dimension_semantics<arbitrary>], iteration_bounds = array<i64: 5>, scalar_prefetch = 0 : i64, scratch_operands = 0 : i64, tpu.core_type = #tpu.core_type<tc>, window_params = [{transform_indices = @transform_0, window_bounds = array<i64: 2000, 128>}, {pipeline_mode = #tpu.pipeline_mode<synchronous>, transform_indices = @transform_1, window_bounds = array<i64: 128, 128>}, {transform_indices = @transform_2, window_bounds = array<i64: 2000, 16>}, {transform_indices = @transform_3, window_bounds = array<i64: 2000, 16>}, {transform_indices = @transform_4, window_bounds = array<i64: 2000, 64>}, {transform_indices = @transform_5, window_bounds = array<i64: 2000, 64>}]} {
    %get3A = arith.constant 0 : index
    %get3A_0 = arith.constant 0 : index
    %get3A_1 = vector.load %arg1[%get3A, %get3A_0] : memref<2000x128xf32, #tpu.memory_space<vmem>>, vector<2000x128xf32>
    %get3A_2 = arith.constant 0 : index
    %get3A_3 = arith.constant 0 : index
    %get3A_4 = vector.load %arg2[%get3A_2, %get3A_3] : memref<128x128xf32, #tpu.memory_space<vmem>>, vector<128x128xf32>
    %dot_general3A = arith.constant dense<0.000000e+00> : vector<2000x128xf32>
    %dot_general3A_5 = tpu.matmul %get3A_1, %get3A_4, %dot_general3A {dimension_numbers = #tpu.dot_dimension_numbers<[1], [0], [0], [1], [0, 0, 1, 1], [], []>, precision = #tpu.contract_precision<fp32>, transpose_lhs_hint = false} : vector<2000x128xf32>, vector<128x128xf32>, vector<2000x128xf32> -> vector<2000x128xf32>
    %get3A_6 = arith.constant 0 : index
    %get3A_7 = arith.constant 0 : index
    %get3A_8 = vector.load %arg3[%get3A_6, %get3A_7] : memref<2000x16xf32, #tpu.memory_space<vmem>>, vector<2000x1xf32>
    %add3A = arith.constant 1.000000e+00 : f32
    %add3A_9 = vector.broadcast %add3A : f32 to vector<2000x1xf32>
    %add3A_10 = arith.addf %add3A_9, %get3A_8 : vector<2000x1xf32>
    %get3A_11 = arith.constant 0 : index
    %get3A_12 = arith.constant 0 : index
    %get3A_13 = vector.load %arg4[%get3A_11, %get3A_12] : memref<2000x16xf32, #tpu.memory_space<vmem>>, vector<2000x1xf32>
    %add3A_14 = arith.addf %add3A_10, %get3A_13 : vector<2000x1xf32>
    %rsqrt3A = math.rsqrt %add3A_14 : vector<2000x1xf32>
    %mul3A = vector.broadcast %rsqrt3A : vector<2000x1xf32> to vector<2000x128xf32>
    %mul3A_15 = arith.mulf %dot_general3A_5, %mul3A : vector<2000x128xf32>
    %slice3A = vector.extract_strided_slice %mul3A_15 {offsets = [0, 0], sizes = [2000, 64], strides = [1, 1]} : vector<2000x128xf32> to vector<2000x64xf32>
    %swap3A = arith.constant 0 : index
    %swap3A_16 = arith.constant 0 : index
    %swap3A_17 = vector.load %arg5[%swap3A, %swap3A_16] : memref<2000x64xf32, #tpu.memory_space<vmem>>, vector<2000x64xf32>
    tpu.vector_store %arg5[%swap3A, %swap3A_16], %slice3A {strides = array<i32>} : memref<2000x64xf32, #tpu.memory_space<vmem>>, vector<2000x64xf32>,
    %slice3A_18 = vector.extract_strided_slice %mul3A_15 {offsets = [0, 64], sizes = [2000, 64], strides = [1, 1]} : vector<2000x128xf32> to vector<2000x64xf32>
    %swap3A_19 = arith.constant 0 : index
    %swap3A_20 = arith.constant 0 : index
    %swap3A_21 = vector.load %arg6[%swap3A_19, %swap3A_20] : memref<2000x64xf32, #tpu.memory_space<vmem>>, vector<2000x64xf32>
    tpu.vector_store %arg6[%swap3A_19, %swap3A_20], %slice3A_18 {strides = array<i32>} : memref<2000x64xf32, #tpu.memory_space<vmem>>, vector<2000x64xf32>,
    return
  }
  func.func @transform_0(%arg0: i32) -> (i32, i32) {
    %c0_i32 = arith.constant 0 : i32
    %c0_i32_0 = arith.constant 0 : i32
    return %arg0, %c0_i32 : i32, i32
  }
  func.func @transform_1(%arg0: i32) -> (i32, i32) {
    %c0_i32 = arith.constant 0 : i32
    %c0_i32_0 = arith.constant 0 : i32
    %c0_i32_1 = arith.constant 0 : i32
    return %c0_i32, %c0_i32_0 : i32, i32
  }
  func.func @transform_2(%arg0: i32) -> (i32, i32) {
    %c0_i32 = arith.constant 0 : i32
    %c0_i32_0 = arith.constant 0 : i32
    return %arg0, %c0_i32 : i32, i32
  }
  func.func @transform_3(%arg0: i32) -> (i32, i32) {
    %c0_i32 = arith.constant 0 : i32
    %c0_i32_0 = arith.constant 0 : i32
    return %arg0, %c0_i32 : i32, i32
  }
  func.func @transform_4(%arg0: i32) -> (i32, i32) {
    %c0_i32 = arith.constant 0 : i32
    %c0_i32_0 = arith.constant 0 : i32
    return %arg0, %c0_i32 : i32, i32
  }
  func.func @transform_5(%arg0: i32) -> (i32, i32) {
    %c0_i32 = arith.constant 0 : i32
    %c0_i32_0 = arith.constant 0 : i32
    return %arg0, %c0_i32 : i32, i32
  }
}

module attributes {stable_mosaic.version = 14 : i64} {
  func.func @body(%arg0: i32, %arg1: memref<2000x64xf32, #tpu.memory_space<vmem>>, %arg2: memref<2000x64xf32, #tpu.memory_space<vmem>>, %arg3: memref<2000x64xf32, #tpu.memory_space<vmem>>, %arg4: memref<2000x64xf32, #tpu.memory_space<vmem>>, %arg5: memref<2000x16xf32, #tpu.memory_space<vmem>>, %arg6: memref<2000x16xf32, #tpu.memory_space<vmem>>, %arg7: memref<1x128xf32, #tpu.memory_space<vmem>>, %arg8: memref<128x64xf32, #tpu.memory_space<vmem>>, %arg9: memref<2000x32xf32, #tpu.memory_space<vmem>>, %arg10: memref<2000x32xf32, #tpu.memory_space<vmem>>) attributes {dimension_semantics = [#tpu.dimension_semantics<arbitrary>], iteration_bounds = array<i64: 5>, scalar_prefetch = 0 : i64, scratch_operands = 0 : i64, tpu.core_type = #tpu.core_type<tc>, window_params = [{transform_indices = @transform_0, window_bounds = array<i64: 2000, 64>}, {transform_indices = @transform_1, window_bounds = array<i64: 2000, 64>}, {transform_indices = @transform_2, window_bounds = array<i64: 2000, 64>}, {transform_indices = @transform_3, window_bounds = array<i64: 2000, 64>}, {transform_indices = @transform_4, window_bounds = array<i64: 2000, 16>}, {transform_indices = @transform_5, window_bounds = array<i64: 2000, 16>}, {pipeline_mode = #tpu.pipeline_mode<synchronous>, transform_indices = @transform_6, window_bounds = array<i64: 1, 128>}, {pipeline_mode = #tpu.pipeline_mode<synchronous>, transform_indices = @transform_7, window_bounds = array<i64: 128, 64>}, {transform_indices = @transform_8, window_bounds = array<i64: 2000, 32>}, {transform_indices = @transform_9, window_bounds = array<i64: 2000, 32>}]} {
    %get3A = arith.constant 0 : index
    %get3A_0 = arith.constant 0 : index
    %get3A_1 = vector.load %arg5[%get3A, %get3A_0] : memref<2000x16xf32, #tpu.memory_space<vmem>>, vector<2000x1xf32>
    %add3A = arith.constant 1.000000e+00 : f32
    %add3A_2 = vector.broadcast %add3A : f32 to vector<2000x1xf32>
    %add3A_3 = arith.addf %add3A_2, %get3A_1 : vector<2000x1xf32>
    %get3A_4 = arith.constant 0 : index
    %get3A_5 = arith.constant 0 : index
    %get3A_6 = vector.load %arg6[%get3A_4, %get3A_5] : memref<2000x16xf32, #tpu.memory_space<vmem>>, vector<2000x1xf32>
    %add3A_7 = arith.addf %add3A_3, %get3A_6 : vector<2000x1xf32>
    %rsqrt3A = math.rsqrt %add3A_7 : vector<2000x1xf32>
    %get3A_8 = arith.constant 0 : index
    %get3A_9 = arith.constant 0 : index
    %get3A_10 = vector.load %arg1[%get3A_8, %get3A_9] : memref<2000x64xf32, #tpu.memory_space<vmem>>, vector<2000x64xf32>
    %get3A_11 = arith.constant 0 : index
    %get3A_12 = arith.constant 0 : index
    %get3A_13 = vector.load %arg2[%get3A_11, %get3A_12] : memref<2000x64xf32, #tpu.memory_space<vmem>>, vector<2000x64xf32>
    %concatenate3A = tpu.concatenate %get3A_10, %get3A_13 in 1 : vector<2000x64xf32>, vector<2000x64xf32> -> vector<2000x128xf32>
    %get3A_14 = arith.constant 0 : index
    %get3A_15 = arith.constant 0 : index
    %get3A_16 = vector.load %arg3[%get3A_14, %get3A_15] : memref<2000x64xf32, #tpu.memory_space<vmem>>, vector<2000x64xf32>
    %get3A_17 = arith.constant 0 : index
    %get3A_18 = arith.constant 0 : index
    %get3A_19 = vector.load %arg4[%get3A_17, %get3A_18] : memref<2000x64xf32, #tpu.memory_space<vmem>>, vector<2000x64xf32>
    %concatenate3A_20 = tpu.concatenate %get3A_16, %get3A_19 in 1 : vector<2000x64xf32>, vector<2000x64xf32> -> vector<2000x128xf32>
    %add3A_21 = arith.addf %concatenate3A, %concatenate3A_20 : vector<2000x128xf32>
    %mul3A = vector.broadcast %rsqrt3A : vector<2000x1xf32> to vector<2000x128xf32>
    %mul3A_22 = arith.mulf %add3A_21, %mul3A : vector<2000x128xf32>
    %get3A_23 = arith.constant 0 : index
    %get3A_24 = arith.constant 0 : index
    %get3A_25 = vector.load %arg7[%get3A_23, %get3A_24] : memref<1x128xf32, #tpu.memory_space<vmem>>, vector<1x128xf32>
    %add3A_26 = vector.broadcast %get3A_25 : vector<1x128xf32> to vector<2000x128xf32>
    %add3A_27 = arith.addf %mul3A_22, %add3A_26 : vector<2000x128xf32>
    %max3A = arith.constant 0.000000e+00 : f32
    %max3A_28 = vector.broadcast %max3A : f32 to vector<2000x128xf32>
    %max3A_29 = arith.maximumf %add3A_27, %max3A_28 : vector<2000x128xf32>
    %get3A_30 = arith.constant 0 : index
    %get3A_31 = arith.constant 0 : index
    %get3A_32 = vector.load %arg8[%get3A_30, %get3A_31] : memref<128x64xf32, #tpu.memory_space<vmem>>, vector<128x64xf32>
    %dot_general3A = arith.constant dense<0.000000e+00> : vector<2000x64xf32>
    %dot_general3A_33 = tpu.matmul %max3A_29, %get3A_32, %dot_general3A {dimension_numbers = #tpu.dot_dimension_numbers<[1], [0], [0], [1], [0, 0, 1, 1], [], []>, precision = #tpu.contract_precision<fp32>, transpose_lhs_hint = false} : vector<2000x128xf32>, vector<128x64xf32>, vector<2000x64xf32> -> vector<2000x64xf32>
    %mul3A_34 = vector.broadcast %rsqrt3A : vector<2000x1xf32> to vector<2000x64xf32>
    %mul3A_35 = arith.mulf %dot_general3A_33, %mul3A_34 : vector<2000x64xf32>
    %slice3A = vector.extract_strided_slice %mul3A_35 {offsets = [0, 0], sizes = [2000, 32], strides = [1, 1]} : vector<2000x64xf32> to vector<2000x32xf32>
    %swap3A = arith.constant 0 : index
    %swap3A_36 = arith.constant 0 : index
    %swap3A_37 = vector.load %arg9[%swap3A, %swap3A_36] : memref<2000x32xf32, #tpu.memory_space<vmem>>, vector<2000x32xf32>
    tpu.vector_store %arg9[%swap3A, %swap3A_36], %slice3A {strides = array<i32>} : memref<2000x32xf32, #tpu.memory_space<vmem>>, vector<2000x32xf32>,
    %slice3A_38 = vector.extract_strided_slice %mul3A_35 {offsets = [0, 32], sizes = [2000, 32], strides = [1, 1]} : vector<2000x64xf32> to vector<2000x32xf32>
    %swap3A_39 = arith.constant 0 : index
    %swap3A_40 = arith.constant 0 : index
    %swap3A_41 = vector.load %arg10[%swap3A_39, %swap3A_40] : memref<2000x32xf32, #tpu.memory_space<vmem>>, vector<2000x32xf32>
    tpu.vector_store %arg10[%swap3A_39, %swap3A_40], %slice3A_38 {strides = array<i32>} : memref<2000x32xf32, #tpu.memory_space<vmem>>, vector<2000x32xf32>,
    return
  }
  func.func @transform_0(%arg0: i32) -> (i32, i32) {
    %c0_i32 = arith.constant 0 : i32
    %c0_i32_0 = arith.constant 0 : i32
    return %arg0, %c0_i32 : i32, i32
  }
  func.func @transform_1(%arg0: i32) -> (i32, i32) {
    %c0_i32 = arith.constant 0 : i32
    %c0_i32_0 = arith.constant 0 : i32
    return %arg0, %c0_i32 : i32, i32
  }
  func.func @transform_2(%arg0: i32) -> (i32, i32) {
    %c0_i32 = arith.constant 0 : i32
    %c0_i32_0 = arith.constant 0 : i32
    return %arg0, %c0_i32 : i32, i32
  }
  func.func @transform_3(%arg0: i32) -> (i32, i32) {
    %c0_i32 = arith.constant 0 : i32
    %c0_i32_0 = arith.constant 0 : i32
    return %arg0, %c0_i32 : i32, i32
  }
  func.func @transform_4(%arg0: i32) -> (i32, i32) {
    %c0_i32 = arith.constant 0 : i32
    %c0_i32_0 = arith.constant 0 : i32
    return %arg0, %c0_i32 : i32, i32
  }
  func.func @transform_5(%arg0: i32) -> (i32, i32) {
    %c0_i32 = arith.constant 0 : i32
    %c0_i32_0 = arith.constant 0 : i32
    return %arg0, %c0_i32 : i32, i32
  }
  func.func @transform_6(%arg0: i32) -> (i32, i32) {
    %c0_i32 = arith.constant 0 : i32
    %c0_i32_0 = arith.constant 0 : i32
    %c0_i32_1 = arith.constant 0 : i32
    return %c0_i32, %c0_i32_0 : i32, i32
  }
  func.func @transform_7(%arg0: i32) -> (i32, i32) {
    %c0_i32 = arith.constant 0 : i32
    %c0_i32_0 = arith.constant 0 : i32
    %c0_i32_1 = arith.constant 0 : i32
    return %c0_i32, %c0_i32_0 : i32, i32
  }
  func.func @transform_8(%arg0: i32) -> (i32, i32) {
    %c0_i32 = arith.constant 0 : i32
    %c0_i32_0 = arith.constant 0 : i32
    return %arg0, %c0_i32 : i32, i32
  }
  func.func @transform_9(%arg0: i32) -> (i32, i32) {
    %c0_i32 = arith.constant 0 : i32
    %c0_i32_0 = arith.constant 0 : i32
    return %arg0, %c0_i32 : i32, i32
  }
}

module attributes {stable_mosaic.version = 14 : i64} {
  func.func @body(%arg0: i32, %arg1: memref<2000x32xf32, #tpu.memory_space<vmem>>, %arg2: memref<2000x32xf32, #tpu.memory_space<vmem>>, %arg3: memref<2000x32xf32, #tpu.memory_space<vmem>>, %arg4: memref<2000x32xf32, #tpu.memory_space<vmem>>, %arg5: memref<2000x16xf32, #tpu.memory_space<vmem>>, %arg6: memref<2000x16xf32, #tpu.memory_space<vmem>>, %arg7: memref<1x64xf32, #tpu.memory_space<vmem>>, %arg8: memref<2000x64xf32, #tpu.memory_space<vmem>>) attributes {dimension_semantics = [#tpu.dimension_semantics<arbitrary>], iteration_bounds = array<i64: 5>, scalar_prefetch = 0 : i64, scratch_operands = 0 : i64, tpu.core_type = #tpu.core_type<tc>, window_params = [{transform_indices = @transform_0, window_bounds = array<i64: 2000, 32>}, {transform_indices = @transform_1, window_bounds = array<i64: 2000, 32>}, {transform_indices = @transform_2, window_bounds = array<i64: 2000, 32>}, {transform_indices = @transform_3, window_bounds = array<i64: 2000, 32>}, {transform_indices = @transform_4, window_bounds = array<i64: 2000, 16>}, {transform_indices = @transform_5, window_bounds = array<i64: 2000, 16>}, {pipeline_mode = #tpu.pipeline_mode<synchronous>, transform_indices = @transform_6, window_bounds = array<i64: 1, 64>}, {transform_indices = @transform_7, window_bounds = array<i64: 2000, 64>}]} {
    %get3A = arith.constant 0 : index
    %get3A_0 = arith.constant 0 : index
    %get3A_1 = vector.load %arg5[%get3A, %get3A_0] : memref<2000x16xf32, #tpu.memory_space<vmem>>, vector<2000x1xf32>
    %add3A = arith.constant 1.000000e+00 : f32
    %add3A_2 = vector.broadcast %add3A : f32 to vector<2000x1xf32>
    %add3A_3 = arith.addf %add3A_2, %get3A_1 : vector<2000x1xf32>
    %get3A_4 = arith.constant 0 : index
    %get3A_5 = arith.constant 0 : index
    %get3A_6 = vector.load %arg6[%get3A_4, %get3A_5] : memref<2000x16xf32, #tpu.memory_space<vmem>>, vector<2000x1xf32>
    %add3A_7 = arith.addf %add3A_3, %get3A_6 : vector<2000x1xf32>
    %rsqrt3A = math.rsqrt %add3A_7 : vector<2000x1xf32>
    %get3A_8 = arith.constant 0 : index
    %get3A_9 = arith.constant 0 : index
    %get3A_10 = vector.load %arg1[%get3A_8, %get3A_9] : memref<2000x32xf32, #tpu.memory_space<vmem>>, vector<2000x32xf32>
    %get3A_11 = arith.constant 0 : index
    %get3A_12 = arith.constant 0 : index
    %get3A_13 = vector.load %arg2[%get3A_11, %get3A_12] : memref<2000x32xf32, #tpu.memory_space<vmem>>, vector<2000x32xf32>
    %concatenate3A = tpu.concatenate %get3A_10, %get3A_13 in 1 : vector<2000x32xf32>, vector<2000x32xf32> -> vector<2000x64xf32>
    %get3A_14 = arith.constant 0 : index
    %get3A_15 = arith.constant 0 : index
    %get3A_16 = vector.load %arg3[%get3A_14, %get3A_15] : memref<2000x32xf32, #tpu.memory_space<vmem>>, vector<2000x32xf32>
    %get3A_17 = arith.constant 0 : index
    %get3A_18 = arith.constant 0 : index
    %get3A_19 = vector.load %arg4[%get3A_17, %get3A_18] : memref<2000x32xf32, #tpu.memory_space<vmem>>, vector<2000x32xf32>
    %concatenate3A_20 = tpu.concatenate %get3A_16, %get3A_19 in 1 : vector<2000x32xf32>, vector<2000x32xf32> -> vector<2000x64xf32>
    %add3A_21 = arith.addf %concatenate3A, %concatenate3A_20 : vector<2000x64xf32>
    %mul3A = vector.broadcast %rsqrt3A : vector<2000x1xf32> to vector<2000x64xf32>
    %mul3A_22 = arith.mulf %add3A_21, %mul3A : vector<2000x64xf32>
    %get3A_23 = arith.constant 0 : index
    %get3A_24 = arith.constant 0 : index
    %get3A_25 = vector.load %arg7[%get3A_23, %get3A_24] : memref<1x64xf32, #tpu.memory_space<vmem>>, vector<1x64xf32>
    %add3A_26 = vector.broadcast %get3A_25 : vector<1x64xf32> to vector<2000x64xf32>
    %add3A_27 = arith.addf %mul3A_22, %add3A_26 : vector<2000x64xf32>
    %swap3A = arith.constant 0 : index
    %swap3A_28 = arith.constant 0 : index
    %swap3A_29 = vector.load %arg8[%swap3A, %swap3A_28] : memref<2000x64xf32, #tpu.memory_space<vmem>>, vector<2000x64xf32>
    tpu.vector_store %arg8[%swap3A, %swap3A_28], %add3A_27 {strides = array<i32>} : memref<2000x64xf32, #tpu.memory_space<vmem>>, vector<2000x64xf32>,
    return
  }
  func.func @transform_0(%arg0: i32) -> (i32, i32) {
    %c0_i32 = arith.constant 0 : i32
    %c0_i32_0 = arith.constant 0 : i32
    return %arg0, %c0_i32 : i32, i32
  }
  func.func @transform_1(%arg0: i32) -> (i32, i32) {
    %c0_i32 = arith.constant 0 : i32
    %c0_i32_0 = arith.constant 0 : i32
    return %arg0, %c0_i32 : i32, i32
  }
  func.func @transform_2(%arg0: i32) -> (i32, i32) {
    %c0_i32 = arith.constant 0 : i32
    %c0_i32_0 = arith.constant 0 : i32
    return %arg0, %c0_i32 : i32, i32
  }
  func.func @transform_3(%arg0: i32) -> (i32, i32) {
    %c0_i32 = arith.constant 0 : i32
    %c0_i32_0 = arith.constant 0 : i32
    return %arg0, %c0_i32 : i32, i32
  }
  func.func @transform_4(%arg0: i32) -> (i32, i32) {
    %c0_i32 = arith.constant 0 : i32
    %c0_i32_0 = arith.constant 0 : i32
    return %arg0, %c0_i32 : i32, i32
  }
  func.func @transform_5(%arg0: i32) -> (i32, i32) {
    %c0_i32 = arith.constant 0 : i32
    %c0_i32_0 = arith.constant 0 : i32
    return %arg0, %c0_i32 : i32, i32
  }
  func.func @transform_6(%arg0: i32) -> (i32, i32) {
    %c0_i32 = arith.constant 0 : i32
    %c0_i32_0 = arith.constant 0 : i32
    %c0_i32_1 = arith.constant 0 : i32
    return %c0_i32, %c0_i32_0 : i32, i32
  }
  func.func @transform_7(%arg0: i32) -> (i32, i32) {
    %c0_i32 = arith.constant 0 : i32
    %c0_i32_0 = arith.constant 0 : i32
    return %arg0, %c0_i32 : i32, i32
  }
}

</mosaic_0001>

<sc_bundles>
// kernel: kernel.11.cloned.1.call-start
scs
__scs_entry_jumppad:
0x0: {  	(pc) =	sbr.rel $0x88, $3  }
0x1: {  	(tag) =	ssettag $0x0;
	lr =	simm.s32 $0x1  }
0x2: {  	[smem:$0x3F9B] =	sst lr;
	_ =	strace $0xD0000000  }
0x3: {  	_ = 	snop  }
0x4: {  	_ = 	snop  }
0x5: {  	_ = 	snop  }
0x6: {  	_ = 	snop  }
0x7: {  	_ = 	snop  }
__scs_overlays_trampoline_lowered:
0x8: {  	[smem:$0x3FAA] =	sst s0  }
0x9: {  	[smem:$0x3FAB] =	sst s1  }
0xa: {  	[smem:$0x3FAC] =	sst s2  }
0xb: {  	[smem:$0x3FAD] =	sst s3  }
0xc: {  	[smem:$0x3FAE] =	sst s4  }
0xd: {  	[smem:$0x3FAF] =	sst s5  }
0xe: {  	[smem:$0x3FB0] =	sst s6  }
0xf: {  	[smem:$0x3FB1] =	sst s7  }
0x10: {  	[smem:$0x3FB2] =	sst s8  }
0x11: {  	[smem:$0x3FB3] =	sst s9;
	s0 =	simm.s32 @!p0 $0x0  }
0x12: {  	s1 =	sld [smem:$0x3F99];
	s0 =	simm.s32 @p0 $0x1  }
0x13: {  	[smem:$0x3FB4] =	sst s0;
	s0 =	simm.s32 @!p1 $0x0  }
0x14: {  	s2 =	sld [smem:$0x3F98];
	s0 =	simm.s32 @p1 $0x1  }
0x15: {  	[smem:$0x3FB5] =	sst s0;
	s0 =	simm.s32 @!p2 $0x0  }
0x16: {  	s3 =	sld [smem:$0x3FDB];
	s0 =	simm.s32 @p2 $0x1  }
0x17: {  	s4 =	simm.s32 $0x1BF5;
	[smem:$0x3FB7] =	sst s0  }
0x18: {  	s0 =	sld [smem:$0x3F9A];
	_ =	swait.ge [sflag:s4], $0x0  }
0x19: {  	s7 =	sld [smem:$0x3F9B]  }
0x1a: {  	s8 =	sadd.s32 $0xFFFFE003, lr  }
0x1b: {  	s9 =	sadd.s32 $0xFFFFFEF7, lr;
	s5 =	simm.s32 $0xFFFFFFFF;
	p2 =	slt.u32 s8, $0xFFFFF086  }
0x1c: {  	p1 =	slt.u32 s9, $0xF7A;
	s5 =	simm.s32 @!p2 $0x0  }
0x1d: {  	s5 =	simm.s32 @p1 $0x1;
	p0 =	seq.s32 s7, s2  }
0x1e: {  	s7 =	smul.u32 @!p0 $0xF7A, s2;
	p2 =	seq.s32 @!p0 s5, $0x0  }
0x1f: {  	s9 =	smul.u32 $0xF7A, s1;
	s8 =	simm.s32 @!p0 $0x1BF5;
	p2 =	por !p2, p0  }
0x20: {  	[sflag:s8] =	ssyncset.s32 @!p0 $0xFFFFF086;
	s6 =	sadd.s32 @!p0 s3, s7;
	s7 =	simm.s32 @!p0 $0x108  }
0x21: {  	s3 =	sadd.s32 s3, s9;
	s6 =	sadd.s32 @!p0 $0x88, s6;
	s7 =	simm.s32 @p2 $0x1082  }
0x22: {  	[simem:s7], [sflag:s8] =	dma.local @!p0 [hbm:s6], $0xF7A  }
0x23: {  	s9 =	sor.u32 $0xD0000000, s2;
	s6 =	simm.s32 $0x108;
	_ =	swait.ge @!p0 [sflag:s8], $0x0  }
0x24: {  	s3 =	sadd.s32 $0x88, s3;
	s6 =	simm.s32 @!p1 $0x1082;
	[sflag:s4] =	ssyncset.s32 $0xFFFFF086  }
0x25: {  	[simem:s6], [sflag:s4] =	dma.local [hbm:s3], $0xF7A  }
0x26: {  	[smem:$0x3F9B] =	sst s1;
	(tag) =	ssettag s2;
	_ =	strace s9  }
0x27: {  	s1 =	sld [smem:$0x3FAB]  }
0x28: {  	s2 =	sld [smem:$0x3FAC]  }
0x29: {  	s4 =	sld [smem:$0x3FAE]  }
0x2a: {  	p0 =	seq.s32 s5, $0x0;
	s5 =	sld [smem:$0x3FAF]  }
0x2b: {  	s6 =	sld [smem:$0x3FB0]  }
0x2c: {  	s7 =	sld [smem:$0x3FB1]  }
0x2d: {  	s3 =	simm.s32 $0x108;
	s8 =	sld [smem:$0x3FB2]  }
0x2e: {  	s3 =	simm.s32 @!p0 $0x1082;
	s9 =	sld [smem:$0x3FB3]  }
0x2f: {  	lr =	sadd.s32 s0, s3;
	s0 =	sld [smem:$0x3FAA]  }
0x30: {  	s3 =	sld [smem:$0x3FAD]  }
0x31: {  	[smem:$0x3FB6] =	sst s10  }
0x32: {  	s10 =	sld [smem:$0x3FB4];
	_ =	sdelay $0x3  }
0x33: {  	p0 =	seq.s32 s10, $0x1;
	s10 =	sld [smem:$0x3FB6];
	_ =	sdelay $0x3  }
0x34: {  	[smem:$0x3FB6] =	sst s10  }
0x35: {  	s10 =	sld [smem:$0x3FB5];
	_ =	sdelay $0x3  }
0x36: {  	p1 =	seq.s32 s10, $0x1;
	s10 =	sld [smem:$0x3FB6];
	_ =	sdelay $0x3  }
0x37: {  	[smem:$0x3FB6] =	sst s10  }
0x38: {  	s10 =	sld [smem:$0x3FB7]  }
0x39: {  	_ = 	snop;
	(pc) =	sbr.ind lr, $3  }
0x3a: {  	_ = 	snop  }
0x3b: {  	_ = 	snop  }
0x3c: {  	p2 =	seq.s32 s10, $0x1;
	s10 =	sld [smem:$0x3FB6]  }
0x3d: {  	_ =	shalt  }
0x3e: {  	_ =	shalt  }
0x3f: {  	_ =	shalt  }
0x40: {  	_ =	shalt  }
0x41: {  	_ =	shalt  }
0x42: {  	_ =	shalt  }
0x43: {  	_ =	shalt  }
0x44: {  	_ =	shalt  }
0x45: {  	_ =	shalt  }
0x46: {  	_ =	shalt  }
0x47: {  	_ =	shalt  }
0x48: {  	_ =	shalt  }
0x49: {  	_ =	shalt  }
0x4a: {  	_ =	shalt  }
0x4b: {  	_ =	shalt  }
0x4c: {  	_ =	shalt  }
0x4d: {  	_ =	shalt  }
0x4e: {  	_ =	shalt  }
0x4f: {  	_ =	shalt  }
0x50: {  	_ =	shalt  }
0x51: {  	_ =	shalt  }
0x52: {  	_ =	shalt  }
0x53: {  	_ =	shalt  }
0x54: {  	_ =	shalt  }
0x55: {  	_ =	shalt  }
0x56: {  	_ =	shalt  }
0x57: {  	_ =	shalt  }
0x58: {  	_ =	shalt  }
0x59: {  	_ =	shalt  }
0x5a: {  	_ =	shalt  }
0x5b: {  	_ =	shalt  }
0x5c: {  	_ =	shalt  }
0x5d: {  	_ =	shalt  }
0x5e: {  	_ =	shalt  }
0x5f: {  	_ =	shalt  }
0x60: {  	_ =	shalt  }
0x61: {  	_ =	shalt  }
0x62: {  	_ =	shalt  }
0x63: {  	_ =	shalt  }
0x64: {  	_ =	shalt  }
0x65: {  	_ =	shalt  }
0x66: {  	_ =	shalt  }
0x67: {  	_ =	shalt  }
0x68: {  	_ =	shalt  }
0x69: {  	_ =	shalt  }
0x6a: {  	_ =	shalt  }
0x6b: {  	_ =	shalt  }
0x6c: {  	_ =	shalt  }
0x6d: {  	_ =	shalt  }
0x6e: {  	_ =	shalt  }
0x6f: {  	_ =	shalt  }
0x70: {  	_ =	shalt  }
0x71: {  	_ =	shalt  }
0x72: {  	_ =	shalt  }
0x73: {  	_ =	shalt  }
0x74: {  	_ =	shalt  }
0x75: {  	_ =	shalt  }
0x76: {  	_ =	shalt  }
0x77: {  	_ =	shalt  }
0x78: {  	_ =	shalt  }
0x79: {  	_ =	shalt  }
0x7a: {  	_ =	shalt  }
0x7b: {  	_ =	shalt  }
0x7c: {  	_ =	shalt  }
0x7d: {  	_ =	shalt  }
0x7e: {  	_ =	shalt  }
0x7f: {  	_ =	shalt  }
0x80: {  	_ =	shalt  }
0x81: {  	_ =	shalt  }
0x82: {  	_ =	shalt  }
0x83: {  	_ =	shalt  }
0x84: {  	_ =	shalt  }
0x85: {  	_ =	shalt  }
0x86: {  	_ =	shalt  }
0x87: {  	_ =	shalt  }
.Lfunc_end0:
.L_simem_size_0:
called_computation.1_lowered:
.L_overlay_start_0:
0x88: {  	s2 =	sld [smem:$0x3FD9]  }
0x89: {  	s3 =	sld [smem:$0x3FFE];
	_ =	sdelay $0x1  }
0x8a: {  	s1 =	srdreg.scid  }
0x8b: {  	s0 =	sand.u32 $0x1, s1  }
0x8c: {  	s14 =	sshll.u32 s0, $0xA;
	s2 =	sadd.s32 s3, s2  }
0x8d: {  	s2 =	sadd.s32 s2, s14  }
0x8e: {  	[smem:$0x3FC2] =	sst s2  }
0x8f: {  	_ = 	snop  }
0x90: {  	s2 =	sld [smem:$0x3FD0];
	_ =	sdelay $0x2  }
0x91: {  	s15 =	simm.s32 $0xA;
	s4 =	simm.s32 $0x10  }
0x92: {  	[smem:s4], [sflag:s15] =	dma.local [hbm:s2], $0x1  }
0x93: {  	_ =	swait.eq [sflag:s15], $0x1  }
0x94: {  	[sflag:s15] =	ssyncset.done $0x0  }
0x95: {  	[sflag:s15] =	ssyncadd.s32 $0xFFFFFFFF  }
0x96: {  	s16 =	sld [smem:$0x10];
	(tm) =	ssettm $0x1  }
0x97: {  	s17 =	sld [smem:$0x3FFB];
	_ =	sdelay $0x3  }
0x98: {  	_ =	strace s17  }
0x99: {  	s3 =	sld [smem:$0x3FFC];
	_ =	sdelay $0x3  }
0x9a: {  	_ =	strace s3  }
0x9b: {  	s3 =	sld [smem:$0x3FFD];
	_ =	sdelay $0x3  }
0x9c: {  	_ =	strace s3  }
0x9d: {  	_ =	strace $0x8FFFFFFF  }
0x9e: {  	s18 =	sld [smem:$0x3FDB];
	_ =	sdelay $0x1  }
0x9f: {  	s19 =	simm.s32 $_scs_section_size  }
0xa0: {  	s5 =	simm.s32 $_size__tile_overlayer_lowered;
	s6 =	simm.s32 $_tile_overlayer_lowered  }
0xa1: {  	s22 =	simm.s32 $0x1BFF;
	s21 =	sshll.u32 s6, $0x1;
	s3 =	sadd.s32 s19, s18  }
0xa2: {  	s7 =	simm.s32 $0x0;
	s20 =	sshll.u32 s5, $0x1;
	s5 =	sadd.s32 s21, s3  }
0xa3: {  	[timem:s7], [sflag:s22] =	dma.local [hbm:s5], s20  }
0xa4: {  	_ =	swait.ge [sflag:s22], s20  }
0xa5: {  	s4 =	ssub.s32 $0x0, s20;
	[sflag:s22] =	ssyncset.done $0x0  }
0xa6: {  	[sflag:s22] =	ssyncadd.s32 s4;
	_ =	sdelay $0x1  }
0xa7: {  	s23 =	simm.s32 $0x1B8B  }
0xa8: {  	_ =	swait.ge [sflag:s23], $0x1  }
0xa9: {  	[sflag:s23] =	ssyncset.done $0x0  }
0xaa: {  	s25 =	simm.s32 $0x1B8E;
	s24 =	sld [smem:$0x3FFE];
	[sflag:s23] =	ssyncadd.s32 $0xFFFFFFFF  }
0xab: {  	s26 =	simm.s32 $execute0_lowered;
	[smem:$0x3FD2] =	sst s25  }
0xac: {  	s5 =	sshll.u32 s26, $0x1;
	_ =	strace $0x80000049;
	[dreg:$0x1] =	wrdreg $0xFFFFFFFF  }
0xad: {  	s28 =	simm.s32 $_size_execute0_lowered;
	s3 =	sadd.s32 s3, s5;
	[dreg:$0x0] =	wrdreg $0x0  }
0xae: {  	s5 =	sshll.u32 s28, $0x1;
	[dreg:$0x2] =	wrdreg s3  }
0xaf: {  	[dreg:$0x3] =	wrdreg s5  }
0xb0: {  	[dreg:$0x4] =	wrdreg $0xC0  }
0xb1: {  	_ =	task [dreg:s7], $0x5FFFF  }
0xb2: {  	[dreg:$0x1] =	wrdreg $0xFFFFFFFF  }
0xb3: {  	[dreg:$0x0] =	wrdreg $0x60  }
0xb4: {  	[dreg:$0x2] =	wrdreg s24  }
0xb5: {  	[dreg:$0x3] =	wrdreg s16  }
0xb6: {  	[dreg:$0x4] =	wrdreg $0xC2000  }
0xb7: {  	[dreg:$0x5] =	wrdreg $0x24000  }
0xb8: {  	[dreg:$0x6] =	wrdreg $0x9  }
0xb9: {  	_ =	task.clear_ibuf [dreg:s7], $0x7FFFF;
	_ =	strace $0x90000049  }
0xba: {  	s29 =	simm.s32 $0x9;
	_ =	strace $0x8000004B  }
0xbb: {  	_ =	swait.ge [sflag:s29], $0x1  }
0xbc: {  	[sflag:s29] =	ssyncadd.s32 $0xFFFFFFFF  }
0xbd: {  	_ =	strace $0x9000004B  }
0xbe: {  	_ =	sfence  }
0xbf: {  	s30 =	sld [smem:$0x0];
	_ =	sdelay $0x2  }
0xc0: {  	s31 =	sshll.u32 s1, $0xD;
	s1 =	sshrl.u32 s1, $0x2  }
0xc1: {  	s3 =	sand.u32 $0x4000, s31;
	s1 =	sadd.s32 s1, s30  }
0xc2: {  	s0 =	sor.u32 s3, s0;
	s1 =	sshll.u32 s1, $0x11  }
0xc3: {  	s0 =	sor.u32 s1, s0  }
0xc4: {  	s0 =	sadd.s32 $0x8F2B, s0  }
0xc5: {  	[sflag:s0] =	ssyncadd.remote.s32 $0x1  }
0xc6: {  	_ =	sfence.sel $0xFFFF  }
0xc7: {  	[dreg:$0x0] =	wrdreg $0xFFFFFFFF;
	(pc) =	sbr.abs _section_cstart, $3  }
0xc8: {  	[dreg:$0x1] =	wrdreg $0xFFFFFFFF  }
0xc9: {  	_ =	task.clear_ibuf [dreg:s7], $0x2FFFF;
	_ =	strace $0x9FFFFFFF  }
0xca: {  	(tm) =	ssettm $0x7FFFFFFF  }
0xcb: {  	_ =	shalt  }
tec
execute0_lowered:
.L_overlay_start_1:
0x0: {  	(tag) =	ssettag $0x1  }
0x1: {  	s0 =	rddreg [dreg:$0x0]  }
0x2: {  	s1 =	rddreg [dreg:$0x1]  }
0x3: {  	s2 =	rddreg [dreg:$0x2]  }
0x4: {  	s3 =	rddreg [dreg:$0x3]  }
0x5: {  	s16 =	stileid.u32;
	s5 =	srdreg.scid;
	s4 =	simm.s32 $0x0  }
0x6: {  	s19 =	simm.s32 $0x100;
	s20 =	simm.s32 $0x1;
	s21 =	simm.s32 $0x80  }
0x7: {  	s22 =	simm.s32 $0x400;
	s23 =	simm.s32 $0x200;
	s28 =	simm.s32 $0x3  }
0x8: {  	s29 =	simm.s32 $0x280;
	s30 =	simm.s32 $0x4;
	s7 =	smul.u32 $0x9E00, s16  }
0x9: {  	s31 =	simm.s32 $0x380;
	s5 =	sand.u32 $0x1, s5;
	s9 =	smul.u32 $0x1400, s16  }
0xa: {  	[smem:$0x7FF] =	sst s4;
	s25 =	sshll.u32 s16, $0x6;
	s6 =	smul.u32 $0x9E000, s5  }
0xb: {  	_ =	strace $0x8000004A;
	s11 =	ssub.s32 $0x2, s5;
	p3 =	seq.s32 s5, $0x1  }
0xc: {  	s8 =	sshrl.u32 s7, $0x3;
	s12 =	sadd.s32 s9, s0;
	s24 =	sshrl.u32 s11, $0x1  }
0xd: {  	s14 =	sadd.s32 s7, s2;
	p1 =	seq.s32 @p3 s16, $0xF;
	p4 =	seq.s32 @!p3 s16, $0xF  }
0xe: {  	s10 =	sadd.s32 s8, s0;
	s6 =	sadd.s32 s7, s6;
	s13 =	ssub.s32 s11, s24  }
0xf: {  	s1 =	sadd.s32 s1, s8;
	s9 =	sadd.s32 $0x2800, s12;
	s26 =	sadd.s32 $0x2820, s12  }
0x10: {  	p0 =	por !p1, !p3;
	p1 =	por p1, !p3;
	p2 =	por !p4, p3  }
0x11: {  	p3 =	por p4, p3;
	s24 =	simm.s32 $0x2;
	s6 =	sshrl.u32 s6, $0x3  }
0x12: {  	[dreg:$0x5] =	wrdreg s1;
	s1 =	sadd.s32 s7, s3;
	s7 =	sadd.s32 $0x9FA00, s10  }
0x13: {  	s8 =	sadd.s32 $0x8C000, s10;
	[dreg:$0x6] =	wrdreg s26;
	s12 =	smax.u32 s13, $0x1  }
0x14: {  	s13 =	sshrl.u32 s14, $0x3;
	s14 =	simm.s32 $0x5;
	s26 =	simm.s32 $0x300  }
0x15: {  	s0 =	sadd.s32 s6, s0;
	s6 =	sor.u32 $0x1C05, s25;
	s15 =	sshrl.u32 @!p0 s1, $0x3  }
0x16: {  	s16 =	sshrl.u32 @!p1 s1, $0x3;
	s17 =	sshrl.u32 @!p2 s1, $0x3;
	s18 =	sshrl.u32 @!p3 s1, $0x3  }
0x17: {  	s25 =	simm.s32 $0x180;
	s11 =	sadd.s32 $0xB3400, s0;
	s0 =	simm.s32 $0x0  }
.LBB2_1:
0x18: {  	s1 =	rddreg [dreg:$0x5]  }
0x19: {  	[spmem:s13], [sflag:s6] =	dma.local [hbm:s1], $0x13C0  }
0x1a: {  	_ =	swait.ge [sflag:s14], $0x13C0  }
0x1b: {  	[sflag:s14] =	ssyncset.done $0x0  }
0x1c: {  	s1 =	simm.s32 @!p0 $0x5;
	[sflag:s14] =	ssyncadd.s32 $0xFFFFEC40  }
0x1d: {  	[spmem:s15], [sflag:s6] =	dma.local @!p0 [hbm:s8], $0x1040  }
0x1e: {  	_ =	swait.ge @!p0 [sflag:s1], $0x1040  }
0x1f: {  	[sflag:s1] =	ssyncset.done @!p0 $0x0  }
0x20: {  	[sflag:s1] =	ssyncadd.s32 @!p0 $0xFFFFEFC0;
	s1 =	simm.s32 @!p1 $0x5  }
0x21: {  	[spmem:s16], [sflag:s6] =	dma.local @!p1 [hbm:s8], $0x13C0  }
0x22: {  	_ =	swait.ge @!p1 [sflag:s1], $0x13C0  }
0x23: {  	[sflag:s1] =	ssyncset.done @!p1 $0x0  }
0x24: {  	[sflag:s1] =	ssyncadd.s32 @!p1 $0xFFFFEC40;
	s1 =	simm.s32 @!p2 $0x5  }
0x25: {  	[spmem:s17], [sflag:s6] =	dma.local @!p2 [hbm:s7], $0x1040  }
0x26: {  	_ =	swait.ge @!p2 [sflag:s1], $0x1040  }
0x27: {  	[sflag:s1] =	ssyncset.done @!p2 $0x0  }
0x28: {  	[sflag:s1] =	ssyncadd.s32 @!p2 $0xFFFFEFC0;
	s1 =	simm.s32 @!p3 $0x5  }
0x29: {  	[spmem:s18], [sflag:s6] =	dma.local @!p3 [hbm:s7], $0x13C0  }
0x2a: {  	_ =	swait.ge @!p3 [sflag:s1], $0x13C0  }
0x2b: {  	[sflag:s1] =	ssyncset.done @!p3 $0x0  }
0x2c: {  	[sflag:s1] =	ssyncadd.s32 @!p3 $0xFFFFEC40  }
0x2d: {  	[bflag:$0x0] =	sbarrier.arrive $0xFFFF  }
0x2e: {  	[tilespmem:s4], [sflag:$0x1] =	stream.linear.gather [hbm4b:s9+s4], $0x100, $0x38;
	[tilespmem:$0x16000] =	vst v63  }
0x2f: {  	s5 =	rddreg [dreg:$0x6]  }
0x30: {  	[tilespmem:s19], [sflag:$0x2] =	stream.linear.gather [hbm4b:s5+s4], $0x100, $0x38;
	[tilespmem:$0x16000] =	vst v63  }
0x31: {  	_ =	swait.ge [sflag:s20], $0x100  }
0x32: {  	[sflag:s20] =	ssyncset.done $0x0  }
0x33: {  	[sflag:s20] =	ssyncadd.s32 $0xFFFFFF00  }
0x34: {  	[tilespmem:s22], [sflag:$0x5] =	stream.indirect.gather [spmem:s3], $0x40, s4, s21, $0xb8;
	[tilespmem:$0x16000] =	vst v63  }
0x35: {  	_ =	swait.ge [sflag:s14], $0x2000  }
0x36: {  	[sflag:s14] =	ssyncset.done $0x0  }
0x37: {  	[sflag:s14] =	ssyncadd.s32 $0xFFFFE000  }
0x38: {  	[spmem:s2] =	stream.indirect.scatter.add.f32 [tilespmem:s22], [sflag:$0x5], $0x40, s21, s21, $0xb8;
	[tilespmem:$0x16000] =	vst v63  }
0x39: {  	_ =	swait.ge [sflag:s14], $0x2000  }
0x3a: {  	s5 =	sadd.s32 $0xFFFFEC00, s9;
	[sflag:s14] =	ssyncset.done $0x0  }
0x3b: {  	s10 =	sadd.s32 $0x1440, s5;
	[sflag:s14] =	ssyncadd.s32 $0xFFFFE000  }
0x3c: {  	[tilespmem:s23], [sflag:$0x3] =	stream.linear.gather [hbm4b:s10+s4], $0x100, $0x38;
	[tilespmem:$0x16000] =	vst v63  }
0x3d: {  	_ =	swait.ge [sflag:s24], $0x100  }
0x3e: {  	[sflag:s24] =	ssyncset.done $0x0  }
0x3f: {  	[sflag:s24] =	ssyncadd.s32 $0xFFFFFF00  }
0x40: {  	[tilespmem:s22], [sflag:$0x5] =	stream.indirect.gather [spmem:s3], $0x40, s19, s21, $0xb8;
	[tilespmem:$0x16000] =	vst v63  }
0x41: {  	_ =	swait.ge [sflag:s14], $0x2000  }
0x42: {  	[sflag:s14] =	ssyncset.done $0x0  }
0x43: {  	[sflag:s14] =	ssyncadd.s32 $0xFFFFE000  }
0x44: {  	[spmem:s2] =	stream.indirect.scatter.add.f32 [tilespmem:s22], [sflag:$0x5], $0x40, s25, s21, $0xb8;
	[tilespmem:$0x16000] =	vst v63  }
0x45: {  	_ =	swait.ge [sflag:s14], $0x2000  }
0x46: {  	[sflag:s14] =	ssyncset.done $0x0  }
0x47: {  	s10 =	sadd.s32 $0x1460, s5;
	[sflag:s14] =	ssyncadd.s32 $0xFFFFE000  }
0x48: {  	[tilespmem:s26], [sflag:$0x4] =	stream.linear.gather [hbm4b:s10+s4], $0x100, $0x38;
	[tilespmem:$0x16000] =	vst v63  }
0x49: {  	_ =	swait.ge [sflag:s28], $0x100  }
0x4a: {  	[sflag:s28] =	ssyncset.done $0x0  }
0x4b: {  	[sflag:s28] =	ssyncadd.s32 $0xFFFFFF00  }
0x4c: {  	[tilespmem:s22], [sflag:$0x5] =	stream.indirect.gather [spmem:s3], $0x40, s23, s21, $0xb8;
	[tilespmem:$0x16000] =	vst v63  }
0x4d: {  	_ =	swait.ge [sflag:s14], $0x2000  }
0x4e: {  	[sflag:s14] =	ssyncset.done $0x0  }
0x4f: {  	[sflag:s14] =	ssyncadd.s32 $0xFFFFE000  }
0x50: {  	[spmem:s2] =	stream.indirect.scatter.add.f32 [tilespmem:s22], [sflag:$0x5], $0x40, s29, s21, $0xb8;
	[tilespmem:$0x16000] =	vst v63  }
0x51: {  	_ =	swait.ge [sflag:s14], $0x2000  }
0x52: {  	[sflag:s14] =	ssyncset.done $0x0  }
0x53: {  	s10 =	sadd.s32 $0x1480, s5;
	[sflag:s14] =	ssyncadd.s32 $0xFFFFE000  }
0x54: {  	[tilespmem:s4], [sflag:$0x1] =	stream.linear.gather [hbm4b:s10+s4], $0x100, $0x38;
	[tilespmem:$0x16000] =	vst v63  }
0x55: {  	_ =	swait.ge [sflag:s30], $0x100  }
0x56: {  	[sflag:s30] =	ssyncset.done $0x0  }
0x57: {  	[sflag:s30] =	ssyncadd.s32 $0xFFFFFF00  }
0x58: {  	[tilespmem:s22], [sflag:$0x5] =	stream.indirect.gather [spmem:s3], $0x40, s26, s21, $0xb8;
	[tilespmem:$0x16000] =	vst v63  }
0x59: {  	_ =	swait.ge [sflag:s14], $0x2000  }
0x5a: {  	[sflag:s14] =	ssyncset.done $0x0  }
0x5b: {  	[sflag:s14] =	ssyncadd.s32 $0xFFFFE000  }
0x5c: {  	[spmem:s2] =	stream.indirect.scatter.add.f32 [tilespmem:s22], [sflag:$0x5], $0x40, s31, s21, $0xb8;
	[tilespmem:$0x16000] =	vst v63  }
0x5d: {  	_ =	swait.ge [sflag:s14], $0x2000  }
0x5e: {  	[sflag:s14] =	ssyncset.done $0x0  }
0x5f: {  	s1 =	simm.s32 $0xFFFFEC80;
	s5 =	sadd.s32 $0x14A0, s5;
	[sflag:s14] =	ssyncadd.s32 $0xFFFFE000  }
.LBB2_2:
0x60: {  	[tilespmem:s19], [sflag:$0x2] =	stream.linear.gather [hbm4b:s5+s4], $0x100, $0x38;
	[tilespmem:$0x16000] =	vst v63  }
0x61: {  	s5 =	smov.u32 s1  }
0x62: {  	p4 =	sne.s32 s1, $0xFFFFFF80;
	s1 =	sadd.s32 $0x80, s1;
	_ =	swait.ge [sflag:s20], $0x100  }
0x63: {  	[sflag:s20] =	ssyncset.done $0x0  }
0x64: {  	[sflag:s20] =	ssyncadd.s32 $0xFFFFFF00  }
0x65: {  	[tilespmem:s22], [sflag:$0x5] =	stream.indirect.gather [spmem:s3], $0x40, s4, s21, $0xb8;
	[tilespmem:$0x16000] =	vst v63  }
0x66: {  	_ =	swait.ge [sflag:s14], $0x2000  }
0x67: {  	[sflag:s14] =	ssyncset.done $0x0  }
0x68: {  	[sflag:s14] =	ssyncadd.s32 $0xFFFFE000  }
0x69: {  	[spmem:s2] =	stream.indirect.scatter.add.f32 [tilespmem:s22], [sflag:$0x5], $0x40, s21, s21, $0xb8;
	[tilespmem:$0x16000] =	vst v63  }
0x6a: {  	_ =	swait.ge [sflag:s14], $0x2000  }
0x6b: {  	s5 =	sadd.s32 s5, s9;
	[sflag:s14] =	ssyncset.done $0x0  }
0x6c: {  	s10 =	sadd.s32 $0x1440, s5;
	[sflag:s14] =	ssyncadd.s32 $0xFFFFE000  }
0x6d: {  	[tilespmem:s23], [sflag:$0x3] =	stream.linear.gather [hbm4b:s10+s4], $0x100, $0x38;
	[tilespmem:$0x16000] =	vst v63  }
0x6e: {  	_ =	swait.ge [sflag:s24], $0x100  }
0x6f: {  	[sflag:s24] =	ssyncset.done $0x0  }
0x70: {  	[sflag:s24] =	ssyncadd.s32 $0xFFFFFF00  }
0x71: {  	[tilespmem:s22], [sflag:$0x5] =	stream.indirect.gather [spmem:s3], $0x40, s19, s21, $0xb8;
	[tilespmem:$0x16000] =	vst v63  }
0x72: {  	_ =	swait.ge [sflag:s14], $0x2000  }
0x73: {  	[sflag:s14] =	ssyncset.done $0x0  }
0x74: {  	[sflag:s14] =	ssyncadd.s32 $0xFFFFE000  }
0x75: {  	[spmem:s2] =	stream.indirect.scatter.add.f32 [tilespmem:s22], [sflag:$0x5], $0x40, s25, s21, $0xb8;
	[tilespmem:$0x16000] =	vst v63  }
0x76: {  	_ =	swait.ge [sflag:s14], $0x2000  }
0x77: {  	[sflag:s14] =	ssyncset.done $0x0  }
0x78: {  	s10 =	sadd.s32 $0x1460, s5;
	[sflag:s14] =	ssyncadd.s32 $0xFFFFE000  }
0x79: {  	[tilespmem:s26], [sflag:$0x4] =	stream.linear.gather [hbm4b:s10+s4], $0x100, $0x38;
	[tilespmem:$0x16000] =	vst v63  }
0x7a: {  	_ =	swait.ge [sflag:s28], $0x100  }
0x7b: {  	[sflag:s28] =	ssyncset.done $0x0  }
0x7c: {  	[sflag:s28] =	ssyncadd.s32 $0xFFFFFF00  }
0x7d: {  	[tilespmem:s22], [sflag:$0x5] =	stream.indirect.gather [spmem:s3], $0x40, s23, s21, $0xb8;
	[tilespmem:$0x16000] =	vst v63  }
0x7e: {  	_ =	swait.ge [sflag:s14], $0x2000  }
0x7f: {  	[sflag:s14] =	ssyncset.done $0x0  }
0x80: {  	[sflag:s14] =	ssyncadd.s32 $0xFFFFE000  }
0x81: {  	[spmem:s2] =	stream.indirect.scatter.add.f32 [tilespmem:s22], [sflag:$0x5], $0x40, s29, s21, $0xb8;
	[tilespmem:$0x16000] =	vst v63  }
0x82: {  	_ =	swait.ge [sflag:s14], $0x2000  }
0x83: {  	[sflag:s14] =	ssyncset.done $0x0  }
0x84: {  	s10 =	sadd.s32 $0x1480, s5;
	[sflag:s14] =	ssyncadd.s32 $0xFFFFE000  }
0x85: {  	[tilespmem:s4], [sflag:$0x1] =	stream.linear.gather [hbm4b:s10+s4], $0x100, $0x38;
	[tilespmem:$0x16000] =	vst v63  }
0x86: {  	_ =	swait.ge [sflag:s30], $0x100  }
0x87: {  	[sflag:s30] =	ssyncset.done $0x0  }
0x88: {  	[sflag:s30] =	ssyncadd.s32 $0xFFFFFF00  }
0x89: {  	[tilespmem:s22], [sflag:$0x5] =	stream.indirect.gather [spmem:s3], $0x40, s26, s21, $0xb8;
	[tilespmem:$0x16000] =	vst v63  }
0x8a: {  	_ =	swait.ge [sflag:s14], $0x2000  }
0x8b: {  	[sflag:s14] =	ssyncset.done $0x0  }
.Ltmp0:
0x8c: {  	[sflag:s14] =	ssyncadd.s32 $0xFFFFE000;
	(pc) =	sbr.rel @p4 .LBB2_2-.Ltmp0, $4  }
0x8d: {  	[spmem:s2] =	stream.indirect.scatter.add.f32 [tilespmem:s22], [sflag:$0x5], $0x40, s31, s21, $0xb8;
	[tilespmem:$0x16000] =	vst v63  }
0x8e: {  	_ =	swait.ge [sflag:s14], $0x2000  }
0x8f: {  	[sflag:s14] =	ssyncset.done $0x0  }
0x90: {  	s5 =	sadd.s32 $0x14A0, s5;
	[sflag:s14] =	ssyncadd.s32 $0xFFFFE000  }
0x91: {  	[tilespmem:s19], [sflag:$0x2] =	stream.linear.gather [hbm4b:s5+s4], $0x100, $0x38;
	[tilespmem:$0x16000] =	vst v63  }
0x92: {  	_ =	swait.ge [sflag:s20], $0x100  }
0x93: {  	[sflag:s20] =	ssyncset.done $0x0  }
0x94: {  	[sflag:s20] =	ssyncadd.s32 $0xFFFFFF00  }
0x95: {  	_ =	swait.ge [sflag:s24], $0x100  }
0x96: {  	s0 =	sadd.s32 $0x1, s0;
	[sflag:s24] =	ssyncset.done $0x0  }
0x97: {  	p4 =	sne.s32 s0, s12;
	[sflag:s24] =	ssyncadd.s32 $0xFFFFFF00  }
.Ltmp1:
0x98: {  	[bflag:$0x0] =	sbarrier.arrive $0xFFFF;
	(pc) =	sbr.rel @p4 .LBB2_1-.Ltmp1, $4  }
0x99: {  	[hbm:s11], [sflag:s6] =	dma.local [spmem:s13], $0x13C0  }
0x9a: {  	_ =	swait.ge [sflag:s14], $0x13C0  }
0x9b: {  	[sflag:s14] =	ssyncset.done $0x0  }
0x9c: {  	[sflag:s14] =	ssyncadd.s32 $0xFFFFEC40  }
0x9d: {  	_ =	sfence.sel $0x180000  }
0x9e: {  	[bflag:$0x0] =	sbarrier.arrive $0xFFFF  }
0x9f: {  	_ =	strace $0x9000004A  }
0xa0: {  	s0 =	stileid.u32;
	[bflag:$0x2] =	sbarrier.arrive $0xFFFF  }
0xa1: {  	p0 =	sne.s32 s0, $0x0;
	s0 =	rddreg [dreg:$0x4]  }
0xa2: {  	s0 =	sadd.s32 @!p0 $0x100000, s0  }
0xa3: {  	[sflag:s0] =	ssyncadd.tile.s32 @!p0 $0x1;
	_ =	shalt  }
.Lfunc_end2:
_tile_overlayer_lowered:
.L_overlay_start_2:
0xa4: {  	(tag) =	ssettag $0x2  }
0xa5: {  	s0 =	rddreg [dreg:$0x0];
	s2 =	stileid.u32  }
0xa6: {  	s1 =	rddreg [dreg:$0x1];
	p0 =	sne.s32 s2, $0x0  }
0xa7: {  	s3 =	rddreg [dreg:$0x2];
	[bflag:$0x3] =	sbarrier.arrive $0xFFFF;
	s2 =	simm.s32 @!p0 $0x1C05  }
0xa8: {  	[timem:s3], [sflag:s2] =	dma.local @!p0 [hbm:s0], s1  }
0xa9: {  	s0 =	simm.s32 @!p0 $0x5  }
0xaa: {  	_ =	swait.ge @!p0 [sflag:s0], s1  }
0xab: {  	s1 =	ssub.s32 @!p0 $0x0, s1;
	[sflag:s0] =	ssyncset.done @!p0 $0x0  }
0xac: {  	[sflag:s0] =	ssyncadd.s32 @!p0 s1  }
0xad: {  	[bflag:$0x3] =	sbarrier.arrive $0xFFFF  }
0xae: {  	_ =	shalt  }

// kernel: kernel.14.cloned.1.call-start
scs
__scs_entry_jumppad:
0x0: {  	(pc) =	sbr.rel $0x88, $3  }
0x1: {  	(tag) =	ssettag $0x0;
	lr =	simm.s32 $0x1  }
0x2: {  	[smem:$0x3F9B] =	sst lr;
	_ =	strace $0xD0000000  }
0x3: {  	_ = 	snop  }
0x4: {  	_ = 	snop  }
0x5: {  	_ = 	snop  }
0x6: {  	_ = 	snop  }
0x7: {  	_ = 	snop  }
__scs_overlays_trampoline_lowered:
0x8: {  	[smem:$0x3FAA] =	sst s0  }
0x9: {  	[smem:$0x3FAB] =	sst s1  }
0xa: {  	[smem:$0x3FAC] =	sst s2  }
0xb: {  	[smem:$0x3FAD] =	sst s3  }
0xc: {  	[smem:$0x3FAE] =	sst s4  }
0xd: {  	[smem:$0x3FAF] =	sst s5  }
0xe: {  	[smem:$0x3FB0] =	sst s6  }
0xf: {  	[smem:$0x3FB1] =	sst s7  }
0x10: {  	[smem:$0x3FB2] =	sst s8  }
0x11: {  	[smem:$0x3FB3] =	sst s9;
	s0 =	simm.s32 @!p0 $0x0  }
0x12: {  	s1 =	sld [smem:$0x3F99];
	s0 =	simm.s32 @p0 $0x1  }
0x13: {  	[smem:$0x3FB4] =	sst s0;
	s0 =	simm.s32 @!p1 $0x0  }
0x14: {  	s2 =	sld [smem:$0x3F98];
	s0 =	simm.s32 @p1 $0x1  }
0x15: {  	[smem:$0x3FB5] =	sst s0;
	s0 =	simm.s32 @!p2 $0x0  }
0x16: {  	s3 =	sld [smem:$0x3FDB];
	s0 =	simm.s32 @p2 $0x1  }
0x17: {  	s4 =	simm.s32 $0x1BF5;
	[smem:$0x3FB7] =	sst s0  }
0x18: {  	s0 =	sld [smem:$0x3F9A];
	_ =	swait.ge [sflag:s4], $0x0  }
0x19: {  	s7 =	sld [smem:$0x3F9B]  }
0x1a: {  	s8 =	sadd.s32 $0xFFFFE003, lr  }
0x1b: {  	s9 =	sadd.s32 $0xFFFFFEF7, lr;
	s5 =	simm.s32 $0xFFFFFFFF;
	p2 =	slt.u32 s8, $0xFFFFF086  }
0x1c: {  	p1 =	slt.u32 s9, $0xF7A;
	s5 =	simm.s32 @!p2 $0x0  }
0x1d: {  	s5 =	simm.s32 @p1 $0x1;
	p0 =	seq.s32 s7, s2  }
0x1e: {  	s7 =	smul.u32 @!p0 $0xF7A, s2;
	p2 =	seq.s32 @!p0 s5, $0x0  }
0x1f: {  	s9 =	smul.u32 $0xF7A, s1;
	s8 =	simm.s32 @!p0 $0x1BF5;
	p2 =	por !p2, p0  }
0x20: {  	[sflag:s8] =	ssyncset.s32 @!p0 $0xFFFFF086;
	s6 =	sadd.s32 @!p0 s3, s7;
	s7 =	simm.s32 @!p0 $0x108  }
0x21: {  	s3 =	sadd.s32 s3, s9;
	s6 =	sadd.s32 @!p0 $0x88, s6;
	s7 =	simm.s32 @p2 $0x1082  }
0x22: {  	[simem:s7], [sflag:s8] =	dma.local @!p0 [hbm:s6], $0xF7A  }
0x23: {  	s9 =	sor.u32 $0xD0000000, s2;
	s6 =	simm.s32 $0x108;
	_ =	swait.ge @!p0 [sflag:s8], $0x0  }
0x24: {  	s3 =	sadd.s32 $0x88, s3;
	s6 =	simm.s32 @!p1 $0x1082;
	[sflag:s4] =	ssyncset.s32 $0xFFFFF086  }
0x25: {  	[simem:s6], [sflag:s4] =	dma.local [hbm:s3], $0xF7A  }
0x26: {  	[smem:$0x3F9B] =	sst s1;
	(tag) =	ssettag s2;
	_ =	strace s9  }
0x27: {  	s1 =	sld [smem:$0x3FAB]  }
0x28: {  	s2 =	sld [smem:$0x3FAC]  }
0x29: {  	s4 =	sld [smem:$0x3FAE]  }
0x2a: {  	p0 =	seq.s32 s5, $0x0;
	s5 =	sld [smem:$0x3FAF]  }
0x2b: {  	s6 =	sld [smem:$0x3FB0]  }
0x2c: {  	s7 =	sld [smem:$0x3FB1]  }
0x2d: {  	s3 =	simm.s32 $0x108;
	s8 =	sld [smem:$0x3FB2]  }
0x2e: {  	s3 =	simm.s32 @!p0 $0x1082;
	s9 =	sld [smem:$0x3FB3]  }
0x2f: {  	lr =	sadd.s32 s0, s3;
	s0 =	sld [smem:$0x3FAA]  }
0x30: {  	s3 =	sld [smem:$0x3FAD]  }
0x31: {  	[smem:$0x3FB6] =	sst s10  }
0x32: {  	s10 =	sld [smem:$0x3FB4];
	_ =	sdelay $0x3  }
0x33: {  	p0 =	seq.s32 s10, $0x1;
	s10 =	sld [smem:$0x3FB6];
	_ =	sdelay $0x3  }
0x34: {  	[smem:$0x3FB6] =	sst s10  }
0x35: {  	s10 =	sld [smem:$0x3FB5];
	_ =	sdelay $0x3  }
0x36: {  	p1 =	seq.s32 s10, $0x1;
	s10 =	sld [smem:$0x3FB6];
	_ =	sdelay $0x3  }
0x37: {  	[smem:$0x3FB6] =	sst s10  }
0x38: {  	s10 =	sld [smem:$0x3FB7]  }
0x39: {  	_ = 	snop;
	(pc) =	sbr.ind lr, $3  }
0x3a: {  	_ = 	snop  }
0x3b: {  	_ = 	snop  }
0x3c: {  	p2 =	seq.s32 s10, $0x1;
	s10 =	sld [smem:$0x3FB6]  }
0x3d: {  	_ =	shalt  }
0x3e: {  	_ =	shalt  }
0x3f: {  	_ =	shalt  }
0x40: {  	_ =	shalt  }
0x41: {  	_ =	shalt  }
0x42: {  	_ =	shalt  }
0x43: {  	_ =	shalt  }
0x44: {  	_ =	shalt  }
0x45: {  	_ =	shalt  }
0x46: {  	_ =	shalt  }
0x47: {  	_ =	shalt  }
0x48: {  	_ =	shalt  }
0x49: {  	_ =	shalt  }
0x4a: {  	_ =	shalt  }
0x4b: {  	_ =	shalt  }
0x4c: {  	_ =	shalt  }
0x4d: {  	_ =	shalt  }
0x4e: {  	_ =	shalt  }
0x4f: {  	_ =	shalt  }
0x50: {  	_ =	shalt  }
0x51: {  	_ =	shalt  }
0x52: {  	_ =	shalt  }
0x53: {  	_ =	shalt  }
0x54: {  	_ =	shalt  }
0x55: {  	_ =	shalt  }
0x56: {  	_ =	shalt  }
0x57: {  	_ =	shalt  }
0x58: {  	_ =	shalt  }
0x59: {  	_ =	shalt  }
0x5a: {  	_ =	shalt  }
0x5b: {  	_ =	shalt  }
0x5c: {  	_ =	shalt  }
0x5d: {  	_ =	shalt  }
0x5e: {  	_ =	shalt  }
0x5f: {  	_ =	shalt  }
0x60: {  	_ =	shalt  }
0x61: {  	_ =	shalt  }
0x62: {  	_ =	shalt  }
0x63: {  	_ =	shalt  }
0x64: {  	_ =	shalt  }
0x65: {  	_ =	shalt  }
0x66: {  	_ =	shalt  }
0x67: {  	_ =	shalt  }
0x68: {  	_ =	shalt  }
0x69: {  	_ =	shalt  }
0x6a: {  	_ =	shalt  }
0x6b: {  	_ =	shalt  }
0x6c: {  	_ =	shalt  }
0x6d: {  	_ =	shalt  }
0x6e: {  	_ =	shalt  }
0x6f: {  	_ =	shalt  }
0x70: {  	_ =	shalt  }
0x71: {  	_ =	shalt  }
0x72: {  	_ =	shalt  }
0x73: {  	_ =	shalt  }
0x74: {  	_ =	shalt  }
0x75: {  	_ =	shalt  }
0x76: {  	_ =	shalt  }
0x77: {  	_ =	shalt  }
0x78: {  	_ =	shalt  }
0x79: {  	_ =	shalt  }
0x7a: {  	_ =	shalt  }
0x7b: {  	_ =	shalt  }
0x7c: {  	_ =	shalt  }
0x7d: {  	_ =	shalt  }
0x7e: {  	_ =	shalt  }
0x7f: {  	_ =	shalt  }
0x80: {  	_ =	shalt  }
0x81: {  	_ =	shalt  }
0x82: {  	_ =	shalt  }
0x83: {  	_ =	shalt  }
0x84: {  	_ =	shalt  }
0x85: {  	_ =	shalt  }
0x86: {  	_ =	shalt  }
0x87: {  	_ =	shalt  }
.Lfunc_end0:
.L_simem_size_0:
called_computation.2_lowered:
.L_overlay_start_0:
0x88: {  	s2 =	sld [smem:$0x3FD9]  }
0x89: {  	s3 =	sld [smem:$0x3FFE];
	_ =	sdelay $0x1  }
0x8a: {  	s1 =	srdreg.scid  }
0x8b: {  	s0 =	sand.u32 $0x1, s1  }
0x8c: {  	s14 =	sshll.u32 s0, $0xA;
	s2 =	sadd.s32 s3, s2  }
0x8d: {  	s2 =	sadd.s32 s2, s14  }
0x8e: {  	[smem:$0x3FC2] =	sst s2  }
0x8f: {  	_ = 	snop  }
0x90: {  	s2 =	sld [smem:$0x3FD0];
	_ =	sdelay $0x2  }
0x91: {  	s15 =	simm.s32 $0xA;
	s4 =	simm.s32 $0x10  }
0x92: {  	[smem:s4], [sflag:s15] =	dma.local [hbm:s2], $0x1  }
0x93: {  	_ =	swait.eq [sflag:s15], $0x1  }
0x94: {  	[sflag:s15] =	ssyncset.done $0x0  }
0x95: {  	[sflag:s15] =	ssyncadd.s32 $0xFFFFFFFF  }
0x96: {  	s16 =	sld [smem:$0x10];
	(tm) =	ssettm $0x1  }
0x97: {  	s17 =	sld [smem:$0x3FFB];
	_ =	sdelay $0x3  }
0x98: {  	_ =	strace s17  }
0x99: {  	s3 =	sld [smem:$0x3FFC];
	_ =	sdelay $0x3  }
0x9a: {  	_ =	strace s3  }
0x9b: {  	s3 =	sld [smem:$0x3FFD];
	_ =	sdelay $0x3  }
0x9c: {  	_ =	strace s3  }
0x9d: {  	_ =	strace $0x8FFFFFFF  }
0x9e: {  	s18 =	sld [smem:$0x3FDB];
	_ =	sdelay $0x1  }
0x9f: {  	s19 =	simm.s32 $_scs_section_size  }
0xa0: {  	s5 =	simm.s32 $_size__tile_overlayer_lowered;
	s6 =	simm.s32 $_tile_overlayer_lowered  }
0xa1: {  	s22 =	simm.s32 $0x1BFF;
	s21 =	sshll.u32 s6, $0x1;
	s3 =	sadd.s32 s19, s18  }
0xa2: {  	s7 =	simm.s32 $0x0;
	s20 =	sshll.u32 s5, $0x1;
	s5 =	sadd.s32 s21, s3  }
0xa3: {  	[timem:s7], [sflag:s22] =	dma.local [hbm:s5], s20  }
0xa4: {  	_ =	swait.ge [sflag:s22], s20  }
0xa5: {  	s4 =	ssub.s32 $0x0, s20;
	[sflag:s22] =	ssyncset.done $0x0  }
0xa6: {  	[sflag:s22] =	ssyncadd.s32 s4;
	_ =	sdelay $0x1  }
0xa7: {  	s23 =	simm.s32 $0x1B8B  }
0xa8: {  	_ =	swait.ge [sflag:s23], $0x1  }
0xa9: {  	[sflag:s23] =	ssyncset.done $0x0  }
0xaa: {  	s25 =	simm.s32 $0x1B8E;
	s24 =	sld [smem:$0x3FFE];
	[sflag:s23] =	ssyncadd.s32 $0xFFFFFFFF  }
0xab: {  	s26 =	simm.s32 $execute0_lowered;
	[smem:$0x3FD2] =	sst s25  }
0xac: {  	s5 =	sshll.u32 s26, $0x1;
	_ =	strace $0x8000004C;
	[dreg:$0x1] =	wrdreg $0xFFFFFFFF  }
0xad: {  	s28 =	simm.s32 $_size_execute0_lowered;
	s3 =	sadd.s32 s3, s5;
	[dreg:$0x0] =	wrdreg $0x0  }
0xae: {  	s5 =	sshll.u32 s28, $0x1;
	[dreg:$0x2] =	wrdreg s3  }
0xaf: {  	[dreg:$0x3] =	wrdreg s5  }
0xb0: {  	[dreg:$0x4] =	wrdreg $0xC0  }
0xb1: {  	_ =	task [dreg:s7], $0x5FFFF  }
0xb2: {  	[dreg:$0x1] =	wrdreg $0xFFFFFFFF  }
0xb3: {  	[dreg:$0x0] =	wrdreg $0x60  }
0xb4: {  	[dreg:$0x2] =	wrdreg s24  }
0xb5: {  	[dreg:$0x3] =	wrdreg s16  }
0xb6: {  	[dreg:$0x4] =	wrdreg $0x63000  }
0xb7: {  	[dreg:$0x5] =	wrdreg $0x14000  }
0xb8: {  	[dreg:$0x6] =	wrdreg $0x9  }
0xb9: {  	_ =	task.clear_ibuf [dreg:s7], $0x7FFFF;
	_ =	strace $0x9000004C  }
0xba: {  	s29 =	simm.s32 $0x9;
	_ =	strace $0x8000004E  }
0xbb: {  	_ =	swait.ge [sflag:s29], $0x1  }
0xbc: {  	[sflag:s29] =	ssyncadd.s32 $0xFFFFFFFF  }
0xbd: {  	_ =	strace $0x9000004E  }
0xbe: {  	_ =	sfence  }
0xbf: {  	s30 =	sld [smem:$0x0];
	_ =	sdelay $0x2  }
0xc0: {  	s31 =	sshll.u32 s1, $0xD;
	s1 =	sshrl.u32 s1, $0x2  }
0xc1: {  	s3 =	sand.u32 $0x4000, s31;
	s1 =	sadd.s32 s1, s30  }
0xc2: {  	s0 =	sor.u32 s3, s0;
	s1 =	sshll.u32 s1, $0x11  }
0xc3: {  	s0 =	sor.u32 s1, s0  }
0xc4: {  	s0 =	sadd.s32 $0x8F2B, s0  }
0xc5: {  	[sflag:s0] =	ssyncadd.remote.s32 $0x1  }
0xc6: {  	_ =	sfence.sel $0xFFFF  }
0xc7: {  	[dreg:$0x0] =	wrdreg $0xFFFFFFFF;
	(pc) =	sbr.abs _section_cstart, $3  }
0xc8: {  	[dreg:$0x1] =	wrdreg $0xFFFFFFFF  }
0xc9: {  	_ =	task.clear_ibuf [dreg:s7], $0x2FFFF;
	_ =	strace $0x9FFFFFFF  }
0xca: {  	(tm) =	ssettm $0x7FFFFFFF  }
0xcb: {  	_ =	shalt  }
tec
execute0_lowered:
.L_overlay_start_1:
0x0: {  	(tag) =	ssettag $0x1  }
0x1: {  	s0 =	rddreg [dreg:$0x0]  }
0x2: {  	s1 =	rddreg [dreg:$0x1]  }
0x3: {  	s2 =	rddreg [dreg:$0x2]  }
0x4: {  	s3 =	rddreg [dreg:$0x3];
	s16 =	stileid.u32;
	s4 =	simm.s32 $0x0  }
0x5: {  	s6 =	srdreg.scid;
	s14 =	simm.s32 $0x5;
	s19 =	simm.s32 $0x100  }
0x6: {  	s20 =	simm.s32 $0x1;
	s28 =	simm.s32 $0x3;
	s29 =	simm.s32 $0x280  }
0x7: {  	s30 =	simm.s32 $0x4;
	s31 =	simm.s32 $0x380;
	s5 =	smul.u32 $0x4F00, s16  }
0x8: {  	[smem:$0x7FF] =	sst s4;
	s7 =	sand.u32 $0x1, s6;
	s8 =	smul.u32 $0x1400, s16  }
0x9: {  	s24 =	sshll.u32 s16, $0x6;
	s9 =	ssub.s32 $0x2, s7;
	_ =	strace $0x8000004D  }
0xa: {  	s25 =	smul.u32 $0x4F000, s7;
	s6 =	sor.u32 $0x1C05, s24;
	p3 =	seq.s32 s7, $0x1  }
0xb: {  	s24 =	simm.s32 $0x2;
	s21 =	sshrl.u32 s5, $0x3;
	s22 =	sshrl.u32 s9, $0x1  }
0xc: {  	s13 =	sadd.s32 s5, s2;
	s18 =	sadd.s32 s5, s3;
	p1 =	seq.s32 @p3 s16, $0xF  }
0xd: {  	p4 =	seq.s32 @!p3 s16, $0xF;
	s10 =	sadd.s32 s21, s0;
	s0 =	sadd.s32 s8, s0  }
0xe: {  	s12 =	ssub.s32 s9, s22;
	s5 =	sadd.s32 s5, s25;
	s13 =	sshrl.u32 s13, $0x3  }
0xf: {  	p0 =	por !p1, !p3;
	p1 =	por p1, !p3;
	p2 =	por !p4, p3  }
0x10: {  	p3 =	por p4, p3;
	s21 =	simm.s32 $0x80;
	s22 =	simm.s32 $0x400  }
0x11: {  	s25 =	simm.s32 $0x180;
	s23 =	sadd.s32 $0x78A00, s10;
	s7 =	sadd.s32 $0x6EC00, s10  }
0x12: {  	s8 =	sadd.s32 $0x64E00, s10;
	s9 =	sadd.s32 $0x2800, s0;
	s0 =	sadd.s32 $0x2820, s0  }
0x13: {  	s26 =	sshrl.u32 s5, $0x3;
	s12 =	smax.u32 s12, $0x1;
	s15 =	sshrl.u32 @!p0 s18, $0x3  }
0x14: {  	s16 =	sshrl.u32 @!p1 s18, $0x3;
	s17 =	sshrl.u32 @!p2 s18, $0x3;
	[dreg:$0x5] =	wrdreg s23  }
0x15: {  	s18 =	sshrl.u32 @!p3 s18, $0x3;
	[dreg:$0x6] =	wrdreg s0;
	s11 =	sadd.s32 s1, s26  }
0x16: {  	s23 =	simm.s32 $0x200;
	s26 =	simm.s32 $0x300;
	s0 =	simm.s32 $0x0  }
.LBB2_1:
0x17: {  	s1 =	rddreg [dreg:$0x5]  }
0x18: {  	[spmem:s13], [sflag:s6] =	dma.local [hbm:s1], $0x9E0  }
0x19: {  	_ =	swait.ge [sflag:s14], $0x9E0  }
0x1a: {  	[sflag:s14] =	ssyncset.done $0x0  }
0x1b: {  	s1 =	simm.s32 @!p0 $0x5;
	[sflag:s14] =	ssyncadd.s32 $0xFFFFF620  }
0x1c: {  	[spmem:s15], [sflag:s6] =	dma.local @!p0 [hbm:s8], $0x820  }
0x1d: {  	_ =	swait.ge @!p0 [sflag:s1], $0x820  }
0x1e: {  	[sflag:s1] =	ssyncset.done @!p0 $0x0  }
0x1f: {  	[sflag:s1] =	ssyncadd.s32 @!p0 $0xFFFFF7E0;
	s1 =	simm.s32 @!p1 $0x5  }
0x20: {  	[spmem:s16], [sflag:s6] =	dma.local @!p1 [hbm:s8], $0x9E0  }
0x21: {  	_ =	swait.ge @!p1 [sflag:s1], $0x9E0  }
0x22: {  	[sflag:s1] =	ssyncset.done @!p1 $0x0  }
0x23: {  	[sflag:s1] =	ssyncadd.s32 @!p1 $0xFFFFF620;
	s1 =	simm.s32 @!p2 $0x5  }
0x24: {  	[spmem:s17], [sflag:s6] =	dma.local @!p2 [hbm:s7], $0x820  }
0x25: {  	_ =	swait.ge @!p2 [sflag:s1], $0x820  }
0x26: {  	[sflag:s1] =	ssyncset.done @!p2 $0x0  }
0x27: {  	[sflag:s1] =	ssyncadd.s32 @!p2 $0xFFFFF7E0;
	s1 =	simm.s32 @!p3 $0x5  }
0x28: {  	[spmem:s18], [sflag:s6] =	dma.local @!p3 [hbm:s7], $0x9E0  }
0x29: {  	_ =	swait.ge @!p3 [sflag:s1], $0x9E0  }
0x2a: {  	[sflag:s1] =	ssyncset.done @!p3 $0x0  }
0x2b: {  	[sflag:s1] =	ssyncadd.s32 @!p3 $0xFFFFF620  }
0x2c: {  	[bflag:$0x0] =	sbarrier.arrive $0xFFFF  }
0x2d: {  	[tilespmem:s4], [sflag:$0x1] =	stream.linear.gather [hbm4b:s9+s4], $0x100, $0x38;
	[tilespmem:$0xB200] =	vst v63  }
0x2e: {  	s5 =	rddreg [dreg:$0x6]  }
0x2f: {  	[tilespmem:s19], [sflag:$0x2] =	stream.linear.gather [hbm4b:s5+s4], $0x100, $0x38;
	[tilespmem:$0xB200] =	vst v63  }
0x30: {  	_ =	swait.ge [sflag:s20], $0x100  }
0x31: {  	[sflag:s20] =	ssyncset.done $0x0  }
0x32: {  	[sflag:s20] =	ssyncadd.s32 $0xFFFFFF00  }
0x33: {  	[tilespmem:s22], [sflag:$0x5] =	stream.indirect.gather [spmem:s3], $0x20, s4, s21, $0xb8;
	[tilespmem:$0xB200] =	vst v63  }
0x34: {  	_ =	swait.ge [sflag:s14], $0x1000  }
0x35: {  	[sflag:s14] =	ssyncset.done $0x0  }
0x36: {  	[sflag:s14] =	ssyncadd.s32 $0xFFFFF000  }
0x37: {  	[spmem:s2] =	stream.indirect.scatter.add.f32 [tilespmem:s22], [sflag:$0x5], $0x20, s21, s21, $0xb8;
	[tilespmem:$0xB200] =	vst v63  }
0x38: {  	_ =	swait.ge [sflag:s14], $0x1000  }
0x39: {  	s5 =	sadd.s32 $0xFFFFEC00, s9;
	[sflag:s14] =	ssyncset.done $0x0  }
0x3a: {  	s10 =	sadd.s32 $0x1440, s5;
	[sflag:s14] =	ssyncadd.s32 $0xFFFFF000  }
0x3b: {  	[tilespmem:s23], [sflag:$0x3] =	stream.linear.gather [hbm4b:s10+s4], $0x100, $0x38;
	[tilespmem:$0xB200] =	vst v63  }
0x3c: {  	_ =	swait.ge [sflag:s24], $0x100  }
0x3d: {  	[sflag:s24] =	ssyncset.done $0x0  }
0x3e: {  	[sflag:s24] =	ssyncadd.s32 $0xFFFFFF00  }
0x3f: {  	[tilespmem:s22], [sflag:$0x5] =	stream.indirect.gather [spmem:s3], $0x20, s19, s21, $0xb8;
	[tilespmem:$0xB200] =	vst v63  }
0x40: {  	_ =	swait.ge [sflag:s14], $0x1000  }
0x41: {  	[sflag:s14] =	ssyncset.done $0x0  }
0x42: {  	[sflag:s14] =	ssyncadd.s32 $0xFFFFF000  }
0x43: {  	[spmem:s2] =	stream.indirect.scatter.add.f32 [tilespmem:s22], [sflag:$0x5], $0x20, s25, s21, $0xb8;
	[tilespmem:$0xB200] =	vst v63  }
0x44: {  	_ =	swait.ge [sflag:s14], $0x1000  }
0x45: {  	[sflag:s14] =	ssyncset.done $0x0  }
0x46: {  	s10 =	sadd.s32 $0x1460, s5;
	[sflag:s14] =	ssyncadd.s32 $0xFFFFF000  }
0x47: {  	[tilespmem:s26], [sflag:$0x4] =	stream.linear.gather [hbm4b:s10+s4], $0x100, $0x38;
	[tilespmem:$0xB200] =	vst v63  }
0x48: {  	_ =	swait.ge [sflag:s28], $0x100  }
0x49: {  	[sflag:s28] =	ssyncset.done $0x0  }
0x4a: {  	[sflag:s28] =	ssyncadd.s32 $0xFFFFFF00  }
0x4b: {  	[tilespmem:s22], [sflag:$0x5] =	stream.indirect.gather [spmem:s3], $0x20, s23, s21, $0xb8;
	[tilespmem:$0xB200] =	vst v63  }
0x4c: {  	_ =	swait.ge [sflag:s14], $0x1000  }
0x4d: {  	[sflag:s14] =	ssyncset.done $0x0  }
0x4e: {  	[sflag:s14] =	ssyncadd.s32 $0xFFFFF000  }
0x4f: {  	[spmem:s2] =	stream.indirect.scatter.add.f32 [tilespmem:s22], [sflag:$0x5], $0x20, s29, s21, $0xb8;
	[tilespmem:$0xB200] =	vst v63  }
0x50: {  	_ =	swait.ge [sflag:s14], $0x1000  }
0x51: {  	[sflag:s14] =	ssyncset.done $0x0  }
0x52: {  	s10 =	sadd.s32 $0x1480, s5;
	[sflag:s14] =	ssyncadd.s32 $0xFFFFF000  }
0x53: {  	[tilespmem:s4], [sflag:$0x1] =	stream.linear.gather [hbm4b:s10+s4], $0x100, $0x38;
	[tilespmem:$0xB200] =	vst v63  }
0x54: {  	_ =	swait.ge [sflag:s30], $0x100  }
0x55: {  	[sflag:s30] =	ssyncset.done $0x0  }
0x56: {  	[sflag:s30] =	ssyncadd.s32 $0xFFFFFF00  }
0x57: {  	[tilespmem:s22], [sflag:$0x5] =	stream.indirect.gather [spmem:s3], $0x20, s26, s21, $0xb8;
	[tilespmem:$0xB200] =	vst v63  }
0x58: {  	_ =	swait.ge [sflag:s14], $0x1000  }
0x59: {  	[sflag:s14] =	ssyncset.done $0x0  }
0x5a: {  	[sflag:s14] =	ssyncadd.s32 $0xFFFFF000  }
0x5b: {  	[spmem:s2] =	stream.indirect.scatter.add.f32 [tilespmem:s22], [sflag:$0x5], $0x20, s31, s21, $0xb8;
	[tilespmem:$0xB200] =	vst v63  }
0x5c: {  	_ =	swait.ge [sflag:s14], $0x1000  }
0x5d: {  	[sflag:s14] =	ssyncset.done $0x0  }
0x5e: {  	s1 =	simm.s32 $0xFFFFEC80;
	s5 =	sadd.s32 $0x14A0, s5;
	[sflag:s14] =	ssyncadd.s32 $0xFFFFF000  }
.LBB2_2:
0x5f: {  	[tilespmem:s19], [sflag:$0x2] =	stream.linear.gather [hbm4b:s5+s4], $0x100, $0x38;
	[tilespmem:$0xB200] =	vst v63  }
0x60: {  	s5 =	smov.u32 s1  }
0x61: {  	p4 =	sne.s32 s1, $0xFFFFFF80;
	s1 =	sadd.s32 $0x80, s1;
	_ =	swait.ge [sflag:s20], $0x100  }
0x62: {  	[sflag:s20] =	ssyncset.done $0x0  }
0x63: {  	[sflag:s20] =	ssyncadd.s32 $0xFFFFFF00  }
0x64: {  	[tilespmem:s22], [sflag:$0x5] =	stream.indirect.gather [spmem:s3], $0x20, s4, s21, $0xb8;
	[tilespmem:$0xB200] =	vst v63  }
0x65: {  	_ =	swait.ge [sflag:s14], $0x1000  }
0x66: {  	[sflag:s14] =	ssyncset.done $0x0  }
0x67: {  	[sflag:s14] =	ssyncadd.s32 $0xFFFFF000  }
0x68: {  	[spmem:s2] =	stream.indirect.scatter.add.f32 [tilespmem:s22], [sflag:$0x5], $0x20, s21, s21, $0xb8;
	[tilespmem:$0xB200] =	vst v63  }
0x69: {  	_ =	swait.ge [sflag:s14], $0x1000  }
0x6a: {  	s5 =	sadd.s32 s5, s9;
	[sflag:s14] =	ssyncset.done $0x0  }
0x6b: {  	s10 =	sadd.s32 $0x1440, s5;
	[sflag:s14] =	ssyncadd.s32 $0xFFFFF000  }
0x6c: {  	[tilespmem:s23], [sflag:$0x3] =	stream.linear.gather [hbm4b:s10+s4], $0x100, $0x38;
	[tilespmem:$0xB200] =	vst v63  }
0x6d: {  	_ =	swait.ge [sflag:s24], $0x100  }
0x6e: {  	[sflag:s24] =	ssyncset.done $0x0  }
0x6f: {  	[sflag:s24] =	ssyncadd.s32 $0xFFFFFF00  }
0x70: {  	[tilespmem:s22], [sflag:$0x5] =	stream.indirect.gather [spmem:s3], $0x20, s19, s21, $0xb8;
	[tilespmem:$0xB200] =	vst v63  }
0x71: {  	_ =	swait.ge [sflag:s14], $0x1000  }
0x72: {  	[sflag:s14] =	ssyncset.done $0x0  }
0x73: {  	[sflag:s14] =	ssyncadd.s32 $0xFFFFF000  }
0x74: {  	[spmem:s2] =	stream.indirect.scatter.add.f32 [tilespmem:s22], [sflag:$0x5], $0x20, s25, s21, $0xb8;
	[tilespmem:$0xB200] =	vst v63  }
0x75: {  	_ =	swait.ge [sflag:s14], $0x1000  }
0x76: {  	[sflag:s14] =	ssyncset.done $0x0  }
0x77: {  	s10 =	sadd.s32 $0x1460, s5;
	[sflag:s14] =	ssyncadd.s32 $0xFFFFF000  }
0x78: {  	[tilespmem:s26], [sflag:$0x4] =	stream.linear.gather [hbm4b:s10+s4], $0x100, $0x38;
	[tilespmem:$0xB200] =	vst v63  }
0x79: {  	_ =	swait.ge [sflag:s28], $0x100  }
0x7a: {  	[sflag:s28] =	ssyncset.done $0x0  }
0x7b: {  	[sflag:s28] =	ssyncadd.s32 $0xFFFFFF00  }
0x7c: {  	[tilespmem:s22], [sflag:$0x5] =	stream.indirect.gather [spmem:s3], $0x20, s23, s21, $0xb8;
	[tilespmem:$0xB200] =	vst v63  }
0x7d: {  	_ =	swait.ge [sflag:s14], $0x1000  }
0x7e: {  	[sflag:s14] =	ssyncset.done $0x0  }
0x7f: {  	[sflag:s14] =	ssyncadd.s32 $0xFFFFF000  }
0x80: {  	[spmem:s2] =	stream.indirect.scatter.add.f32 [tilespmem:s22], [sflag:$0x5], $0x20, s29, s21, $0xb8;
	[tilespmem:$0xB200] =	vst v63  }
0x81: {  	_ =	swait.ge [sflag:s14], $0x1000  }
0x82: {  	[sflag:s14] =	ssyncset.done $0x0  }
0x83: {  	s10 =	sadd.s32 $0x1480, s5;
	[sflag:s14] =	ssyncadd.s32 $0xFFFFF000  }
0x84: {  	[tilespmem:s4], [sflag:$0x1] =	stream.linear.gather [hbm4b:s10+s4], $0x100, $0x38;
	[tilespmem:$0xB200] =	vst v63  }
0x85: {  	_ =	swait.ge [sflag:s30], $0x100  }
0x86: {  	[sflag:s30] =	ssyncset.done $0x0  }
0x87: {  	[sflag:s30] =	ssyncadd.s32 $0xFFFFFF00  }
0x88: {  	[tilespmem:s22], [sflag:$0x5] =	stream.indirect.gather [spmem:s3], $0x20, s26, s21, $0xb8;
	[tilespmem:$0xB200] =	vst v63  }
0x89: {  	_ =	swait.ge [sflag:s14], $0x1000  }
0x8a: {  	[sflag:s14] =	ssyncset.done $0x0  }
.Ltmp0:
0x8b: {  	[sflag:s14] =	ssyncadd.s32 $0xFFFFF000;
	(pc) =	sbr.rel @p4 .LBB2_2-.Ltmp0, $4  }
0x8c: {  	[spmem:s2] =	stream.indirect.scatter.add.f32 [tilespmem:s22], [sflag:$0x5], $0x20, s31, s21, $0xb8;
	[tilespmem:$0xB200] =	vst v63  }
0x8d: {  	_ =	swait.ge [sflag:s14], $0x1000  }
0x8e: {  	[sflag:s14] =	ssyncset.done $0x0  }
0x8f: {  	s5 =	sadd.s32 $0x14A0, s5;
	[sflag:s14] =	ssyncadd.s32 $0xFFFFF000  }
0x90: {  	[tilespmem:s19], [sflag:$0x2] =	stream.linear.gather [hbm4b:s5+s4], $0x100, $0x38;
	[tilespmem:$0xB200] =	vst v63  }
0x91: {  	_ =	swait.ge [sflag:s20], $0x100  }
0x92: {  	[sflag:s20] =	ssyncset.done $0x0  }
0x93: {  	[sflag:s20] =	ssyncadd.s32 $0xFFFFFF00  }
0x94: {  	_ =	swait.ge [sflag:s24], $0x100  }
0x95: {  	s0 =	sadd.s32 $0x1, s0;
	[sflag:s24] =	ssyncset.done $0x0  }
0x96: {  	p4 =	sne.s32 s0, s12;
	[sflag:s24] =	ssyncadd.s32 $0xFFFFFF00  }
.Ltmp1:
0x97: {  	[bflag:$0x0] =	sbarrier.arrive $0xFFFF;
	(pc) =	sbr.rel @p4 .LBB2_1-.Ltmp1, $4  }
0x98: {  	[hbm:s11], [sflag:s6] =	dma.local [spmem:s13], $0x9E0  }
0x99: {  	_ =	swait.ge [sflag:s14], $0x9E0  }
0x9a: {  	[sflag:s14] =	ssyncset.done $0x0  }
0x9b: {  	[sflag:s14] =	ssyncadd.s32 $0xFFFFF620  }
0x9c: {  	_ =	sfence.sel $0x180000  }
0x9d: {  	[bflag:$0x0] =	sbarrier.arrive $0xFFFF  }
0x9e: {  	_ =	strace $0x9000004D  }
0x9f: {  	s0 =	stileid.u32;
	[bflag:$0x2] =	sbarrier.arrive $0xFFFF  }
0xa0: {  	p0 =	sne.s32 s0, $0x0;
	s0 =	rddreg [dreg:$0x4]  }
0xa1: {  	s0 =	sadd.s32 @!p0 $0x100000, s0  }
0xa2: {  	[sflag:s0] =	ssyncadd.tile.s32 @!p0 $0x1;
	_ =	shalt  }
.Lfunc_end2:
_tile_overlayer_lowered:
.L_overlay_start_2:
0xa3: {  	(tag) =	ssettag $0x2  }
0xa4: {  	s0 =	rddreg [dreg:$0x0];
	s2 =	stileid.u32  }
0xa5: {  	s1 =	rddreg [dreg:$0x1];
	p0 =	sne.s32 s2, $0x0  }
0xa6: {  	s3 =	rddreg [dreg:$0x2];
	[bflag:$0x3] =	sbarrier.arrive $0xFFFF;
	s2 =	simm.s32 @!p0 $0x1C05  }
0xa7: {  	[timem:s3], [sflag:s2] =	dma.local @!p0 [hbm:s0], s1  }
0xa8: {  	s0 =	simm.s32 @!p0 $0x5  }
0xa9: {  	_ =	swait.ge @!p0 [sflag:s0], s1  }
0xaa: {  	s1 =	ssub.s32 @!p0 $0x0, s1;
	[sflag:s0] =	ssyncset.done @!p0 $0x0  }
0xab: {  	[sflag:s0] =	ssyncadd.s32 @!p0 s1  }
0xac: {  	[bflag:$0x3] =	sbarrier.arrive $0xFFFF  }
0xad: {  	_ =	shalt  }

// kernel: kernel.8.cloned.1.call-start
scs
__scs_entry_jumppad:
0x0: {  	(pc) =	sbr.rel $0x88, $3  }
0x1: {  	(tag) =	ssettag $0x0;
	lr =	simm.s32 $0x1  }
0x2: {  	[smem:$0x3F9B] =	sst lr;
	_ =	strace $0xD0000000  }
0x3: {  	_ = 	snop  }
0x4: {  	_ = 	snop  }
0x5: {  	_ = 	snop  }
0x6: {  	_ = 	snop  }
0x7: {  	_ = 	snop  }
__scs_overlays_trampoline_lowered:
0x8: {  	[smem:$0x3FAA] =	sst s0  }
0x9: {  	[smem:$0x3FAB] =	sst s1  }
0xa: {  	[smem:$0x3FAC] =	sst s2  }
0xb: {  	[smem:$0x3FAD] =	sst s3  }
0xc: {  	[smem:$0x3FAE] =	sst s4  }
0xd: {  	[smem:$0x3FAF] =	sst s5  }
0xe: {  	[smem:$0x3FB0] =	sst s6  }
0xf: {  	[smem:$0x3FB1] =	sst s7  }
0x10: {  	[smem:$0x3FB2] =	sst s8  }
0x11: {  	[smem:$0x3FB3] =	sst s9;
	s0 =	simm.s32 @!p0 $0x0  }
0x12: {  	s1 =	sld [smem:$0x3F99];
	s0 =	simm.s32 @p0 $0x1  }
0x13: {  	[smem:$0x3FB4] =	sst s0;
	s0 =	simm.s32 @!p1 $0x0  }
0x14: {  	s2 =	sld [smem:$0x3F98];
	s0 =	simm.s32 @p1 $0x1  }
0x15: {  	[smem:$0x3FB5] =	sst s0;
	s0 =	simm.s32 @!p2 $0x0  }
0x16: {  	s3 =	sld [smem:$0x3FDB];
	s0 =	simm.s32 @p2 $0x1  }
0x17: {  	s4 =	simm.s32 $0x1BF5;
	[smem:$0x3FB7] =	sst s0  }
0x18: {  	s0 =	sld [smem:$0x3F9A];
	_ =	swait.ge [sflag:s4], $0x0  }
0x19: {  	s7 =	sld [smem:$0x3F9B]  }
0x1a: {  	s8 =	sadd.s32 $0xFFFFE003, lr  }
0x1b: {  	s9 =	sadd.s32 $0xFFFFFEF7, lr;
	s5 =	simm.s32 $0xFFFFFFFF;
	p2 =	slt.u32 s8, $0xFFFFF086  }
0x1c: {  	p1 =	slt.u32 s9, $0xF7A;
	s5 =	simm.s32 @!p2 $0x0  }
0x1d: {  	s5 =	simm.s32 @p1 $0x1;
	p0 =	seq.s32 s7, s2  }
0x1e: {  	s7 =	smul.u32 @!p0 $0xF7A, s2;
	p2 =	seq.s32 @!p0 s5, $0x0  }
0x1f: {  	s9 =	smul.u32 $0xF7A, s1;
	s8 =	simm.s32 @!p0 $0x1BF5;
	p2 =	por !p2, p0  }
0x20: {  	[sflag:s8] =	ssyncset.s32 @!p0 $0xFFFFF086;
	s6 =	sadd.s32 @!p0 s3, s7;
	s7 =	simm.s32 @!p0 $0x108  }
0x21: {  	s3 =	sadd.s32 s3, s9;
	s6 =	sadd.s32 @!p0 $0x88, s6;
	s7 =	simm.s32 @p2 $0x1082  }
0x22: {  	[simem:s7], [sflag:s8] =	dma.local @!p0 [hbm:s6], $0xF7A  }
0x23: {  	s9 =	sor.u32 $0xD0000000, s2;
	s6 =	simm.s32 $0x108;
	_ =	swait.ge @!p0 [sflag:s8], $0x0  }
0x24: {  	s3 =	sadd.s32 $0x88, s3;
	s6 =	simm.s32 @!p1 $0x1082;
	[sflag:s4] =	ssyncset.s32 $0xFFFFF086  }
0x25: {  	[simem:s6], [sflag:s4] =	dma.local [hbm:s3], $0xF7A  }
0x26: {  	[smem:$0x3F9B] =	sst s1;
	(tag) =	ssettag s2;
	_ =	strace s9  }
0x27: {  	s1 =	sld [smem:$0x3FAB]  }
0x28: {  	s2 =	sld [smem:$0x3FAC]  }
0x29: {  	s4 =	sld [smem:$0x3FAE]  }
0x2a: {  	p0 =	seq.s32 s5, $0x0;
	s5 =	sld [smem:$0x3FAF]  }
0x2b: {  	s6 =	sld [smem:$0x3FB0]  }
0x2c: {  	s7 =	sld [smem:$0x3FB1]  }
0x2d: {  	s3 =	simm.s32 $0x108;
	s8 =	sld [smem:$0x3FB2]  }
0x2e: {  	s3 =	simm.s32 @!p0 $0x1082;
	s9 =	sld [smem:$0x3FB3]  }
0x2f: {  	lr =	sadd.s32 s0, s3;
	s0 =	sld [smem:$0x3FAA]  }
0x30: {  	s3 =	sld [smem:$0x3FAD]  }
0x31: {  	[smem:$0x3FB6] =	sst s10  }
0x32: {  	s10 =	sld [smem:$0x3FB4];
	_ =	sdelay $0x3  }
0x33: {  	p0 =	seq.s32 s10, $0x1;
	s10 =	sld [smem:$0x3FB6];
	_ =	sdelay $0x3  }
0x34: {  	[smem:$0x3FB6] =	sst s10  }
0x35: {  	s10 =	sld [smem:$0x3FB5];
	_ =	sdelay $0x3  }
0x36: {  	p1 =	seq.s32 s10, $0x1;
	s10 =	sld [smem:$0x3FB6];
	_ =	sdelay $0x3  }
0x37: {  	[smem:$0x3FB6] =	sst s10  }
0x38: {  	s10 =	sld [smem:$0x3FB7]  }
0x39: {  	_ = 	snop;
	(pc) =	sbr.ind lr, $3  }
0x3a: {  	_ = 	snop  }
0x3b: {  	_ = 	snop  }
0x3c: {  	p2 =	seq.s32 s10, $0x1;
	s10 =	sld [smem:$0x3FB6]  }
0x3d: {  	_ =	shalt  }
0x3e: {  	_ =	shalt  }
0x3f: {  	_ =	shalt  }
0x40: {  	_ =	shalt  }
0x41: {  	_ =	shalt  }
0x42: {  	_ =	shalt  }
0x43: {  	_ =	shalt  }
0x44: {  	_ =	shalt  }
0x45: {  	_ =	shalt  }
0x46: {  	_ =	shalt  }
0x47: {  	_ =	shalt  }
0x48: {  	_ =	shalt  }
0x49: {  	_ =	shalt  }
0x4a: {  	_ =	shalt  }
0x4b: {  	_ =	shalt  }
0x4c: {  	_ =	shalt  }
0x4d: {  	_ =	shalt  }
0x4e: {  	_ =	shalt  }
0x4f: {  	_ =	shalt  }
0x50: {  	_ =	shalt  }
0x51: {  	_ =	shalt  }
0x52: {  	_ =	shalt  }
0x53: {  	_ =	shalt  }
0x54: {  	_ =	shalt  }
0x55: {  	_ =	shalt  }
0x56: {  	_ =	shalt  }
0x57: {  	_ =	shalt  }
0x58: {  	_ =	shalt  }
0x59: {  	_ =	shalt  }
0x5a: {  	_ =	shalt  }
0x5b: {  	_ =	shalt  }
0x5c: {  	_ =	shalt  }
0x5d: {  	_ =	shalt  }
0x5e: {  	_ =	shalt  }
0x5f: {  	_ =	shalt  }
0x60: {  	_ =	shalt  }
0x61: {  	_ =	shalt  }
0x62: {  	_ =	shalt  }
0x63: {  	_ =	shalt  }
0x64: {  	_ =	shalt  }
0x65: {  	_ =	shalt  }
0x66: {  	_ =	shalt  }
0x67: {  	_ =	shalt  }
0x68: {  	_ =	shalt  }
0x69: {  	_ =	shalt  }
0x6a: {  	_ =	shalt  }
0x6b: {  	_ =	shalt  }
0x6c: {  	_ =	shalt  }
0x6d: {  	_ =	shalt  }
0x6e: {  	_ =	shalt  }
0x6f: {  	_ =	shalt  }
0x70: {  	_ =	shalt  }
0x71: {  	_ =	shalt  }
0x72: {  	_ =	shalt  }
0x73: {  	_ =	shalt  }
0x74: {  	_ =	shalt  }
0x75: {  	_ =	shalt  }
0x76: {  	_ =	shalt  }
0x77: {  	_ =	shalt  }
0x78: {  	_ =	shalt  }
0x79: {  	_ =	shalt  }
0x7a: {  	_ =	shalt  }
0x7b: {  	_ =	shalt  }
0x7c: {  	_ =	shalt  }
0x7d: {  	_ =	shalt  }
0x7e: {  	_ =	shalt  }
0x7f: {  	_ =	shalt  }
0x80: {  	_ =	shalt  }
0x81: {  	_ =	shalt  }
0x82: {  	_ =	shalt  }
0x83: {  	_ =	shalt  }
0x84: {  	_ =	shalt  }
0x85: {  	_ =	shalt  }
0x86: {  	_ =	shalt  }
0x87: {  	_ =	shalt  }
.Lfunc_end0:
.L_simem_size_0:
called_computation_lowered:
.L_overlay_start_0:
0x88: {  	s2 =	sld [smem:$0x3FD9]  }
0x89: {  	s3 =	sld [smem:$0x3FFE];
	_ =	sdelay $0x1  }
0x8a: {  	s1 =	srdreg.scid  }
0x8b: {  	s0 =	sand.u32 $0x1, s1  }
0x8c: {  	s14 =	sshll.u32 s0, $0xA;
	s2 =	sadd.s32 s3, s2  }
0x8d: {  	s2 =	sadd.s32 s2, s14  }
0x8e: {  	[smem:$0x3FC2] =	sst s2  }
0x8f: {  	_ = 	snop  }
0x90: {  	s2 =	sld [smem:$0x3FD0];
	_ =	sdelay $0x2  }
0x91: {  	s15 =	simm.s32 $0xA;
	s4 =	simm.s32 $0x10  }
0x92: {  	[smem:s4], [sflag:s15] =	dma.local [hbm:s2], $0x1  }
0x93: {  	_ =	swait.eq [sflag:s15], $0x1  }
0x94: {  	[sflag:s15] =	ssyncset.done $0x0  }
0x95: {  	[sflag:s15] =	ssyncadd.s32 $0xFFFFFFFF  }
0x96: {  	s16 =	sld [smem:$0x10];
	(tm) =	ssettm $0x1  }
0x97: {  	s17 =	sld [smem:$0x3FFB];
	_ =	sdelay $0x3  }
0x98: {  	_ =	strace s17  }
0x99: {  	s3 =	sld [smem:$0x3FFC];
	_ =	sdelay $0x3  }
0x9a: {  	_ =	strace s3  }
0x9b: {  	s3 =	sld [smem:$0x3FFD];
	_ =	sdelay $0x3  }
0x9c: {  	_ =	strace s3  }
0x9d: {  	_ =	strace $0x8FFFFFFF  }
0x9e: {  	s18 =	sld [smem:$0x3FDB];
	_ =	sdelay $0x1  }
0x9f: {  	s19 =	simm.s32 $_scs_section_size  }
0xa0: {  	s5 =	simm.s32 $_size__tile_overlayer_lowered;
	s6 =	simm.s32 $_tile_overlayer_lowered  }
0xa1: {  	s22 =	simm.s32 $0x1BFF;
	s21 =	sshll.u32 s6, $0x1;
	s3 =	sadd.s32 s19, s18  }
0xa2: {  	s7 =	simm.s32 $0x0;
	s20 =	sshll.u32 s5, $0x1;
	s5 =	sadd.s32 s21, s3  }
0xa3: {  	[timem:s7], [sflag:s22] =	dma.local [hbm:s5], s20  }
0xa4: {  	_ =	swait.ge [sflag:s22], s20  }
0xa5: {  	s4 =	ssub.s32 $0x0, s20;
	[sflag:s22] =	ssyncset.done $0x0  }
0xa6: {  	[sflag:s22] =	ssyncadd.s32 s4;
	_ =	sdelay $0x1  }
0xa7: {  	s23 =	simm.s32 $0x1B8B  }
0xa8: {  	_ =	swait.ge [sflag:s23], $0x1  }
0xa9: {  	[sflag:s23] =	ssyncset.done $0x0  }
0xaa: {  	s25 =	simm.s32 $0x1B8E;
	s24 =	sld [smem:$0x3FFE];
	[sflag:s23] =	ssyncadd.s32 $0xFFFFFFFF  }
0xab: {  	s26 =	simm.s32 $execute0_lowered;
	[smem:$0x3FD2] =	sst s25  }
0xac: {  	s5 =	sshll.u32 s26, $0x1;
	_ =	strace $0x80000046;
	[dreg:$0x1] =	wrdreg $0xFFFFFFFF  }
0xad: {  	s28 =	simm.s32 $_size_execute0_lowered;
	s3 =	sadd.s32 s3, s5;
	[dreg:$0x0] =	wrdreg $0x0  }
0xae: {  	s5 =	sshll.u32 s28, $0x1;
	[dreg:$0x2] =	wrdreg s3  }
0xaf: {  	[dreg:$0x3] =	wrdreg s5  }
0xb0: {  	[dreg:$0x4] =	wrdreg $0xC0  }
0xb1: {  	_ =	task [dreg:s7], $0x5FFFF  }
0xb2: {  	[dreg:$0x1] =	wrdreg $0xFFFFFFFF  }
0xb3: {  	[dreg:$0x0] =	wrdreg $0x60  }
0xb4: {  	[dreg:$0x2] =	wrdreg s24  }
0xb5: {  	[dreg:$0x3] =	wrdreg s16  }
0xb6: {  	[dreg:$0x4] =	wrdreg $0x58000  }
0xb7: {  	[dreg:$0x5] =	wrdreg $0x9  }
0xb8: {  	_ =	task.clear_ibuf [dreg:s7], $0x6FFFF;
	_ =	strace $0x90000046  }
0xb9: {  	s29 =	simm.s32 $0x9;
	_ =	strace $0x80000048  }
0xba: {  	_ =	swait.ge [sflag:s29], $0x1  }
0xbb: {  	[sflag:s29] =	ssyncadd.s32 $0xFFFFFFFF  }
0xbc: {  	_ =	strace $0x90000048  }
0xbd: {  	_ =	sfence  }
0xbe: {  	s30 =	sld [smem:$0x0];
	_ =	sdelay $0x2  }
0xbf: {  	s31 =	sshll.u32 s1, $0xD;
	s1 =	sshrl.u32 s1, $0x2  }
0xc0: {  	s3 =	sand.u32 $0x4000, s31;
	s1 =	sadd.s32 s1, s30  }
0xc1: {  	s0 =	sor.u32 s3, s0;
	s1 =	sshll.u32 s1, $0x11  }
0xc2: {  	s0 =	sor.u32 s1, s0  }
0xc3: {  	s0 =	sadd.s32 $0x8F2B, s0  }
0xc4: {  	[sflag:s0] =	ssyncadd.remote.s32 $0x1  }
0xc5: {  	_ =	sfence.sel $0xFFFF  }
0xc6: {  	[dreg:$0x0] =	wrdreg $0xFFFFFFFF;
	(pc) =	sbr.abs _section_cstart, $3  }
0xc7: {  	[dreg:$0x1] =	wrdreg $0xFFFFFFFF  }
0xc8: {  	_ =	task.clear_ibuf [dreg:s7], $0x2FFFF;
	_ =	strace $0x9FFFFFFF  }
0xc9: {  	(tm) =	ssettm $0x7FFFFFFF  }
tec
execute0_lowered:
.L_overlay_start_1:
0x0: {  	(tag) =	ssettag $0x1  }
0x1: {  	s5 =	rddreg [dreg:$0x0]  }
0x2: {  	s1 =	srdreg.scid;
	s8 =	rddreg [dreg:$0x1]  }
0x3: {  	s0 =	stileid.u32;
	s2 =	rddreg [dreg:$0x2];
	s3 =	simm.s32 $0x0  }
0x4: {  	s13 =	simm.s32 $0x80;
	s4 =	sand.u32 $0x1, s1;
	s1 =	rddreg [dreg:$0x3]  }
0x5: {  	s14 =	simm.s32 $0x0;
	s26 =	sshll.u32 s0, $0x1;
	[smem:$0x7FF] =	sst s3  }
0x6: {  	s7 =	smul.u32 $0x2780, s0;
	s31 =	sshll.u32 s0, $0x6;
	s6 =	sor.u32 s4, s26  }
0x7: {  	_ =	strace $0x80000047;
	s10 =	ssub.s32 $0x2, s4;
	s11 =	smul.u32 $0x27800, s4  }
0x8: {  	s4 =	sadd.s32 $0x1BA00, s5;
	s6 =	smul.u32 $0xA00, s6;
	s29 =	sshrl.u32 s10, $0x1  }
0x9: {  	s28 =	sshrl.u32 s7, $0x3;
	s12 =	sadd.s32 s7, s2;
	s10 =	ssub.s32 s10, s29  }
0xa: {  	s30 =	sadd.s32 s7, s11;
	s9 =	sadd.s32 s6, s5;
	s5 =	sadd.s32 s28, s5  }
0xb: {  	s11 =	sshrl.u32 s30, $0x3;
	s6 =	sor.u32 $0x1C01, s31;
	s5 =	sadd.s32 $0x16A00, s5  }
0xc: {  	s7 =	sadd.s32 $0x2800, s9;
	s8 =	sadd.s32 s8, s11;
	s9 =	smax.u32 s10, $0x1  }
0xd: {  	s10 =	sshrl.u32 s12, $0x3;
	s11 =	simm.s32 $0x1;
	s12 =	simm.s32 $0x5000  }
.LBB2_1:
0xe: {  	[spmem:s10], [sflag:s6] =	dma.local [hbm:s5], $0x4F0  }
0xf: {  	_ =	swait.ge [sflag:s11], $0x4F0  }
0x10: {  	[sflag:s11] =	ssyncset.done $0x0  }
0x11: {  	[sflag:s11] =	ssyncadd.s32 $0xFFFFFB10  }
0x12: {  	[tilespmem:s3], [sflag:$0x1] =	stream.linear.gather [hbm4b:s7+s3], $0x5000, $0x38;
	[tilespmem:$0x7F80] =	vst v63  }
0x13: {  	_ =	swait.ge [sflag:s11], $0x5000  }
0x14: {  	[sflag:s11] =	ssyncset.done $0x0  }
0x15: {  	[sflag:s11] =	ssyncadd.s32 $0xFFFFB000  }
0x16: {  	[tilespmem:s12], [sflag:$0x1] =	stream.linear.gather [hbm4b:s4+s3], $0x800, $0x38;
	[tilespmem:$0x7F80] =	vst v63  }
0x17: {  	_ =	swait.ge [sflag:s11], $0x800  }
0x18: {  	[sflag:s11] =	ssyncset.done $0x0  }
0x19: {  	[sflag:s11] =	ssyncadd.s32 $0xFFFFF800  }
0x1a: {  	s15 =	simm.s32 $0x80;
	[bflag:$0x0] =	sbarrier.arrive $0xFFFF  }
0x1b: {  	[spmem:s2] =	stream.indirect.scatter.add.f32 [tilespmem:s12], [sflag:$0x1], $0x10, s15, s13, $0xb8;
	[tilespmem:$0x7F80] =	vst v63  }
0x1c: {  	_ =	swait.ge [sflag:s11], $0x800  }
0x1d: {  	s15 =	simm.s32 $0x600;
	[sflag:s11] =	ssyncset.done $0x0  }
.LBB2_2:
0x1e: {  	s16 =	sshra.s32 s15, $0x2;
	[sflag:s11] =	ssyncadd.s32 $0xFFFFF800;
	p0 =	sne.s32 s15, $0x13E00  }
0x1f: {  	[spmem:s2] =	stream.indirect.scatter.add.f32 [tilespmem:s12], [sflag:$0x1], $0x10, s16, s13, $0xb8;
	[tilespmem:$0x7F80] =	vst v63  }
.Ltmp0:
0x20: {  	_ = 	snop;
	(pc) =	sbr.rel @p0 .LBB2_2-.Ltmp0, $4  }
0x21: {  	_ = 	snop  }
0x22: {  	s15 =	sadd.s32 $0x400, s15  }
0x23: {  	_ =	swait.ge [sflag:s11], $0x800  }
0x24: {  	[sflag:s11] =	ssyncset.done $0x0  }
0x25: {  	s14 =	sadd.s32 $0x1, s14  }
0x26: {  	[sflag:s11] =	ssyncadd.s32 $0xFFFFF800;
	p0 =	sne.s32 s14, s9  }
.Ltmp1:
0x27: {  	[bflag:$0x0] =	sbarrier.arrive $0xFFFF;
	(pc) =	sbr.rel @p0 .LBB2_1-.Ltmp1, $4  }
0x28: {  	[hbm:s8], [sflag:s6] =	dma.local [spmem:s10], $0x4F0  }
0x29: {  	_ =	swait.ge [sflag:s11], $0x4F0  }
0x2a: {  	[sflag:s11] =	ssyncset.done $0x0  }
0x2b: {  	[sflag:s11] =	ssyncadd.s32 $0xFFFFFB10  }
0x2c: {  	_ =	sfence.sel $0x180000  }
0x2d: {  	[bflag:$0x0] =	sbarrier.arrive $0xFFFF  }
0x2e: {  	p0 =	sne.s32 s0, $0x0;
	_ =	strace $0x90000047  }
0x2f: {  	s0 =	sadd.s32 @!p0 $0x100000, s1;
	[bflag:$0x2] =	sbarrier.arrive $0xFFFF  }
0x30: {  	[sflag:s0] =	ssyncadd.tile.s32 @!p0 $0x1;
	_ =	shalt  }
.Lfunc_end2:
_tile_overlayer_lowered:
.L_overlay_start_2:
0x31: {  	(tag) =	ssettag $0x2  }
0x32: {  	s0 =	rddreg [dreg:$0x0];
	s2 =	stileid.u32  }
0x33: {  	s1 =	rddreg [dreg:$0x1];
	p0 =	sne.s32 s2, $0x0  }
0x34: {  	s3 =	rddreg [dreg:$0x2];
	[bflag:$0x3] =	sbarrier.arrive $0xFFFF;
	s2 =	simm.s32 @!p0 $0x1C01  }
0x35: {  	[timem:s3], [sflag:s2] =	dma.local @!p0 [hbm:s0], s1  }
0x36: {  	s0 =	simm.s32 @!p0 $0x1  }
0x37: {  	_ =	swait.ge @!p0 [sflag:s0], s1  }
0x38: {  	s1 =	ssub.s32 @!p0 $0x0, s1;
	[sflag:s0] =	ssyncset.done @!p0 $0x0  }
0x39: {  	[sflag:s0] =	ssyncadd.s32 @!p0 s1  }
0x3a: {  	[bflag:$0x3] =	sbarrier.arrive $0xFFFF  }
0x3b: {  	_ =	shalt  }

</sc_bundles>
